<compile_context>
chip_gen: v7x
topology: tpu7x:2x2x1
jax: 0.10.2.dev20260603
libtpu: 0.0.44.dev20260713+nightly
codegen_flags: <defaults>
</compile_context>

<pallas_src>
import functools

import jax
import jax.numpy as jnp
from jax import lax
from jax.experimental import pallas as pl
from jax.experimental.pallas import tpu as pltpu
from jax.experimental.pallas import tpu_sc as plsc

NN = 10000
EE = 320000
FIN = 128
HID = 256
CC = 64

P = 10240
ROWS = P // 16
K = 128
ET = EE // 16
NBF = ET // K
TK = ET - NBF * K
ETD = ET // 2
NBD = ETD // K
TKD = ETD - NBD * K
NBUF = 6
BLK = 1024


@functools.cache
def _mesh():
    return plsc.VectorSubcoreMesh(core_axis_name="c", subcore_axis_name="s",
                                  num_cores=2, num_subcores=16)


@functools.cache
def _make_deg():
    @functools.partial(
        pl.kernel,
        out_type=jax.ShapeDtypeStruct((2, P, 16), jnp.float32),
        mesh=_mesh(),
        compiler_params=pltpu.CompilerParams(use_tc_tiling_on_sc=False),
        scratch_types=[
            pltpu.VMEM((ETD,), jnp.int32),
            pltpu.VMEM((K, 16), jnp.float32),
            pltpu.VMEM((ROWS, 16), jnp.float32),
            pltpu.VMEM_SHARED((P, 16), jnp.float32),
        ],
    )
    def deg_kernel(ei_hbm, out_hbm, didx, ones_v, zbuf, accum):
        c = lax.axis_index("c")
        s = lax.axis_index("s")
        pltpu.sync_copy(ei_hbm.at[1, pl.ds(s * ET + c * ETD, ETD)], didx)
        one16 = jnp.ones((16,), jnp.float32)
        zero16 = jnp.zeros((16,), jnp.float32)

        def initbufs(i, carry):
            @pl.when(i < K)
            def _():
                ones_v[i, :] = one16
            zbuf[i, :] = zero16
            return carry

        lax.fori_loop(0, ROWS, initbufs, 0)
        pltpu.sync_copy(zbuf, accum.at[pl.ds(s * ROWS, ROWS)])
        plsc.subcore_barrier()

        def body(j, carry):
            pltpu.sync_copy(ones_v, accum.at[didx.at[pl.ds(j * K, K)]],
                            add=True)
            return carry

        lax.fori_loop(0, NBD, body, 0)
        pltpu.sync_copy(ones_v.at[pl.ds(0, TKD)],
                        accum.at[didx.at[pl.ds(NBD * K, TKD)]], add=True)
        plsc.subcore_barrier()
        pltpu.sync_copy(accum.at[pl.ds(s * ROWS, ROWS)],
                        out_hbm.at[c, pl.ds(s * ROWS, ROWS)])

    return deg_kernel


@functools.cache
def _make_prop(F, NCH, NBUF):
    per_core = NCH // 2

    @functools.partial(
        pl.kernel,
        out_type=jax.ShapeDtypeStruct((NCH, P, F), jnp.float32),
        mesh=_mesh(),
        compiler_params=pltpu.CompilerParams(use_tc_tiling_on_sc=False),
        scratch_types=[
            pltpu.VMEM((ET,), jnp.int32),
            pltpu.VMEM((ET,), jnp.int32),
            [pltpu.VMEM((K, F), jnp.float32)] * NBUF,
            [pltpu.SemaphoreType.DMA] * NBUF,
            pltpu.VMEM_SHARED((P, F), jnp.float32),
        ],
    )
    def prop(t_hbm, ei_hbm, out_hbm, sidx, didx, rows, gsems, accum):
        c = lax.axis_index("c")
        s = lax.axis_index("s")
        ngrp = NBF // NBUF
        pltpu.sync_copy(ei_hbm.at[0, pl.ds(s * ET, ET)], sidx)
        pltpu.sync_copy(ei_hbm.at[1, pl.ds(s * ET, ET)], didx)
        for cc in range(per_core):
            ch = c * per_core + cc
            tch = t_hbm.at[ch]
            pltpu.sync_copy(tch.at[pl.ds(s * ROWS, ROWS)],
                            accum.at[pl.ds(s * ROWS, ROWS)])
            plsc.subcore_barrier()

            for b in range(NBUF):
                pltpu.async_copy(tch.at[sidx.at[pl.ds(b * K, K)]],
                                 rows[b], gsems[b])

            def group(g, carry):
                for b in range(NBUF):
                    j = g * NBUF + b
                    pltpu.make_async_copy(tch.at[sidx.at[pl.ds(j * K, K)]],
                                          rows[b], gsems[b]).wait()
                    pltpu.sync_copy(rows[b],
                                    accum.at[didx.at[pl.ds(j * K, K)]],
                                    add=True)

                    @pl.when(g + 1 < ngrp)
                    def _():
                        pltpu.async_copy(
                            tch.at[sidx.at[pl.ds((j + NBUF) * K, K)]],
                            rows[b], gsems[b])
                return carry

            lax.fori_loop(0, ngrp, group, 0)
            pltpu.async_copy(tch.at[sidx.at[pl.ds(NBF * K, TK)]],
                             rows[0].at[pl.ds(0, TK)], gsems[0]).wait()
            pltpu.sync_copy(rows[0].at[pl.ds(0, TK)],
                            accum.at[didx.at[pl.ds(NBF * K, TK)]], add=True)
            plsc.subcore_barrier()
            pltpu.sync_copy(accum.at[pl.ds(s * ROWS, ROWS)],
                            out_hbm.at[ch, pl.ds(s * ROWS, ROWS)])

    return prop


def _mm1_body(x_ref, w_ref, degp_ref, o_ref):
    deg = degp_ref[0, :, 0:1] + degp_ref[1, :, 0:1] + 1.0
    dinv = lax.rsqrt(deg)
    h = jnp.dot(x_ref[...], w_ref[...], preferred_element_type=jnp.float32)
    hs = h * dinv
    for i in range(4):
        o_ref[i] = hs[:, 64 * i:64 * (i + 1)]


def _mm2_body(s1_ref, degp_ref, b1_ref, w2_ref, o_ref):
    deg = degp_ref[0, :, 0:1] + degp_ref[1, :, 0:1] + 1.0
    dinv = lax.rsqrt(deg)
    acc = None
    for i in range(4):
        z = jnp.maximum(s1_ref[i] * dinv + b1_ref[i], 0.0)
        zi = jnp.dot(z, w2_ref[i], preferred_element_type=jnp.float32)
        acc = zi if acc is None else acc + zi
    hs2 = acc * dinv
    o_ref[0] = hs2[:, :32]
    o_ref[1] = hs2[:, 32:]


def _lsm_body(s2_ref, degp_ref, b2_ref, o_ref):
    deg = degp_ref[0, :, 0:1] + degp_ref[1, :, 0:1] + 1.0
    dinv = lax.rsqrt(deg)
    z0 = s2_ref[0] * dinv + b2_ref[0]
    z1 = s2_ref[1] * dinv + b2_ref[1]
    m = jnp.maximum(jnp.max(z0, axis=1, keepdims=True),
                    jnp.max(z1, axis=1, keepdims=True))
    se = (jnp.sum(jnp.exp(z0 - m), axis=1, keepdims=True)
          + jnp.sum(jnp.exp(z1 - m), axis=1, keepdims=True))
    lse = m + jnp.log(se)
    o_ref[:, :32] = z0 - lse
    o_ref[:, 32:] = z1 - lse


def kernel(x, edge_index, W1, b1, W2, b2):
    ei = edge_index.astype(jnp.int32)
    b1r = b1.reshape(4, 1, 64)
    b2r = b2.reshape(2, 1, 32)
    W2r = W2.reshape(4, 64, CC)

    degp = _make_deg()(ei)

    t1 = pl.pallas_call(
        _mm1_body,
        grid=(NN // 1000,),
        in_specs=[
            pl.BlockSpec((1000, FIN), lambda i: (i, 0)),
            pl.BlockSpec((FIN, HID), lambda i: (0, 0)),
            pl.BlockSpec((2, 1000, 16), lambda i: (0, i, 0)),
        ],
        out_specs=pl.BlockSpec((4, 1000, 64), lambda i: (0, i, 0)),
        out_shape=jax.ShapeDtypeStruct((4, P, 64), jnp.float32),
    )(x, W1, degp)

    s1 = _make_prop(64, 4, NBUF)(t1, ei)

    t2 = pl.pallas_call(
        _mm2_body,
        grid=(P // BLK,),
        in_specs=[
            pl.BlockSpec((4, BLK, 64), lambda i: (0, i, 0)),
            pl.BlockSpec((2, BLK, 16), lambda i: (0, i, 0)),
            pl.BlockSpec((4, 1, 64), lambda i: (0, 0, 0)),
            pl.BlockSpec((4, 64, CC), lambda i: (0, 0, 0)),
        ],
        out_specs=pl.BlockSpec((2, BLK, 32), lambda i: (0, i, 0)),
        out_shape=jax.ShapeDtypeStruct((2, P, 32), jnp.float32),
    )(s1, degp, b1r, W2r)

    s2 = _make_prop(32, 2, NBUF)(t2, ei)

    out = pl.pallas_call(
        _lsm_body,
        grid=(NN // 1000,),
        in_specs=[
            pl.BlockSpec((2, 1000, 32), lambda i: (0, i, 0)),
            pl.BlockSpec((2, 1000, 16), lambda i: (0, i, 0)),
            pl.BlockSpec((2, 1, 32), lambda i: (0, 0, 0)),
        ],
        out_specs=pl.BlockSpec((1000, CC), lambda i: (i, 0)),
        out_shape=jax.ShapeDtypeStruct((NN, CC), jnp.float32),
    )(s2, degp, b2r)

    return out

# --- scband reference (transcript-rebuilt; emitter-appended) ---
"""Pipeline reference for scband-net-orig-46712064311561 (READ-ONLY COPY).

The authoritative reference and input builder live on the scoring server;
editing this copy changes nothing except your own understanding.
"""

import jax
import jax.numpy as jnp
import numpy as np

N = 10000
E = 320000
F_IN = 128
HID = 256
C = 64


def setup_inputs(seed: int = 0) -> dict:
    key = jax.random.key(seed)
    k1, k2, k3, k4, k5, k6 = jax.random.split(key, 6)
    x = jax.random.normal(k1, (N, F_IN), dtype=jnp.float32)
    edge_index = jax.random.randint(k2, (2, E), 0, N, dtype=jnp.int32)
    W1 = jax.random.normal(k3, (F_IN, HID), dtype=jnp.float32) * (1.0 / np.sqrt(F_IN))
    b1 = jnp.zeros((HID,), dtype=jnp.float32)
    W2 = jax.random.normal(k4, (HID, C), dtype=jnp.float32) * (1.0 / np.sqrt(HID))
    b2 = jnp.zeros((C,), dtype=jnp.float32)
    return {"x": x, "edge_index": edge_index, "W1": W1, "b1": b1, "W2": W2, "b2": b2}


def _gcn_conv(x, edge_index, W, b, num_nodes):
    # GCNConv: A_hat = D^{-1/2} (A + I) D^{-1/2};  out = A_hat @ (x @ W) + b
    src = edge_index[0]
    dst = edge_index[1]
    loop = jnp.arange(num_nodes, dtype=src.dtype)
    src = jnp.concatenate([src, loop])
    dst = jnp.concatenate([dst, loop])
    ones = jnp.ones(src.shape[0], dtype=x.dtype)
    deg = jax.ops.segment_sum(ones, dst, num_segments=num_nodes)
    deg_inv_sqrt = jnp.where(deg > 0, 1.0 / jnp.sqrt(deg), 0.0)
    norm = deg_inv_sqrt[src] * deg_inv_sqrt[dst]
    h = x @ W
    msg = h[src] * norm[:, None]
    out = jax.ops.segment_sum(msg, dst, num_segments=num_nodes)
    return out + b


def reference(x, edge_index, W1, b1, W2, b2):
    h = _gcn_conv(x, edge_index, W1, b1, N)
    h = jax.nn.relu(h)
    # dropout is identity in eval mode (training=False)
    h = _gcn_conv(h, edge_index, W2, b2, N)
    return jax.nn.log_softmax(h, axis=1)

if __name__ == "__main__":
    import jax
    _d = setup_inputs()
    print(jax.jit(kernel)(*tuple(_d.values())))

</pallas_src>

<mosaic_0001>
#map = affine_map<(d0, d1) -> (0, 0, 0)>
#map1 = affine_map<(d0, d1) -> (0, 0)>
module attributes {stable_mosaic.version = 14 : i64} {
  func.func @prop(%arg0: i32, %arg1: i32, %arg2: memref<4x10240x64xf32, #tpu.memory_space<hbm>>, %arg3: memref<2x320000xi32, #tpu.memory_space<hbm>>, %arg4: memref<4x10240x64xf32, #tpu.memory_space<hbm>>, %arg5: memref<20000xi32, #tpu.memory_space<vmem>>, %arg6: memref<20000xi32, #tpu.memory_space<vmem>>, %arg7: memref<128x64xf32, #tpu.memory_space<vmem>>, %arg8: memref<128x64xf32, #tpu.memory_space<vmem>>, %arg9: memref<128x64xf32, #tpu.memory_space<vmem>>, %arg10: memref<128x64xf32, #tpu.memory_space<vmem>>, %arg11: memref<128x64xf32, #tpu.memory_space<vmem>>, %arg12: memref<128x64xf32, #tpu.memory_space<vmem>>, %arg13: memref<!tpu.dma_semaphore, #tpu.memory_space<semaphore_mem>>, %arg14: memref<!tpu.dma_semaphore, #tpu.memory_space<semaphore_mem>>, %arg15: memref<!tpu.dma_semaphore, #tpu.memory_space<semaphore_mem>>, %arg16: memref<!tpu.dma_semaphore, #tpu.memory_space<semaphore_mem>>, %arg17: memref<!tpu.dma_semaphore, #tpu.memory_space<semaphore_mem>>, %arg18: memref<!tpu.dma_semaphore, #tpu.memory_space<semaphore_mem>>, %arg19: memref<10240x64xf32, #tpu.memory_space<vmem_shared>>) attributes {dimension_semantics = [#tpu.dimension_semantics<core_parallel>, #tpu.dimension_semantics<subcore_parallel>], iteration_bounds = array<i64: 2, 16>, scalar_prefetch = 0 : i64, scratch_operands = 15 : i64, tpu.core_type = #tpu.core_type<sc_vector_subcore>, window_params = [{transform_indices = #map}, {transform_indices = #map1}, {transform_indices = #map}]} {
    %mul3A = arith.constant 20000 : i32
    %mul3A_0 = arith.muli %arg1, %mul3A : i32
    %run_scoped3A = arith.constant 0 : i32
    "tpu.region"() ({
      %run_scoped3A_195 = tpu.sem_alloc : memref<!tpu.dma_semaphore, #tpu.memory_space<semaphore_mem>>
      %dma_start3A_196 = tpu.memref_slice %arg3[%run_scoped3A, %mul3A_0] : memref<2x320000xi32, #tpu.memory_space<hbm>> -> memref<1x20000xi32, #tpu.memory_space<hbm>>
      %dma_start3A_197 = tpu.memref_squeeze %dma_start3A_196 : memref<1x20000xi32, #tpu.memory_space<hbm>> -> memref<20000xi32, #tpu.memory_space<hbm>>
      %dma_start3A_198 = tpu.memref_slice %arg3[%run_scoped3A, %mul3A_0] : memref<2x320000xi32, #tpu.memory_space<hbm>> -> memref<1x20000xi32, #tpu.memory_space<hbm>>
      %dma_start3A_199 = tpu.memref_squeeze %dma_start3A_198 : memref<1x20000xi32, #tpu.memory_space<hbm>> -> memref<20000xi32, #tpu.memory_space<hbm>>
      tpu.enqueue_dma source(%dma_start3A_199 : memref<20000xi32, #tpu.memory_space<hbm>>) target(%arg5 : memref<20000xi32, #tpu.memory_space<vmem>>) target_semaphore(%run_scoped3A_195 : memref<!tpu.dma_semaphore, #tpu.memory_space<semaphore_mem>>)
      %dma_wait3A_200 = tpu.memref_slice %arg3[%run_scoped3A, %mul3A_0] : memref<2x320000xi32, #tpu.memory_space<hbm>> -> memref<1x20000xi32, #tpu.memory_space<hbm>>
      %dma_wait3A_201 = tpu.memref_squeeze %dma_wait3A_200 : memref<1x20000xi32, #tpu.memory_space<hbm>> -> memref<20000xi32, #tpu.memory_space<hbm>>
      %dma_wait3A_202 = tpu.memref_slice %arg3[%run_scoped3A, %mul3A_0] : memref<2x320000xi32, #tpu.memory_space<hbm>> -> memref<1x20000xi32, #tpu.memory_space<hbm>>
      %dma_wait3A_203 = tpu.memref_squeeze %dma_wait3A_202 : memref<1x20000xi32, #tpu.memory_space<hbm>> -> memref<20000xi32, #tpu.memory_space<hbm>>
      tpu.wait_dma2 semaphore(%run_scoped3A_195 : memref<!tpu.dma_semaphore, #tpu.memory_space<semaphore_mem>>) src(%dma_wait3A_203 : memref<20000xi32, #tpu.memory_space<hbm>>) dst(%arg5 : memref<20000xi32, #tpu.memory_space<vmem>>)
      tpu.yield
    }) : () -> ()
    %mul3A_1 = arith.constant 20000 : i32
    %mul3A_2 = arith.muli %arg1, %mul3A_1 : i32
    %run_scoped3A_3 = arith.constant 1 : i32
    "tpu.region"() ({
      %run_scoped3A_195 = tpu.sem_alloc : memref<!tpu.dma_semaphore, #tpu.memory_space<semaphore_mem>>
      %dma_start3A_196 = tpu.memref_slice %arg3[%run_scoped3A_3, %mul3A_2] : memref<2x320000xi32, #tpu.memory_space<hbm>> -> memref<1x20000xi32, #tpu.memory_space<hbm>>
      %dma_start3A_197 = tpu.memref_squeeze %dma_start3A_196 : memref<1x20000xi32, #tpu.memory_space<hbm>> -> memref<20000xi32, #tpu.memory_space<hbm>>
      %dma_start3A_198 = tpu.memref_slice %arg3[%run_scoped3A_3, %mul3A_2] : memref<2x320000xi32, #tpu.memory_space<hbm>> -> memref<1x20000xi32, #tpu.memory_space<hbm>>
      %dma_start3A_199 = tpu.memref_squeeze %dma_start3A_198 : memref<1x20000xi32, #tpu.memory_space<hbm>> -> memref<20000xi32, #tpu.memory_space<hbm>>
      tpu.enqueue_dma source(%dma_start3A_199 : memref<20000xi32, #tpu.memory_space<hbm>>) target(%arg6 : memref<20000xi32, #tpu.memory_space<vmem>>) target_semaphore(%run_scoped3A_195 : memref<!tpu.dma_semaphore, #tpu.memory_space<semaphore_mem>>)
      %dma_wait3A_200 = tpu.memref_slice %arg3[%run_scoped3A_3, %mul3A_2] : memref<2x320000xi32, #tpu.memory_space<hbm>> -> memref<1x20000xi32, #tpu.memory_space<hbm>>
      %dma_wait3A_201 = tpu.memref_squeeze %dma_wait3A_200 : memref<1x20000xi32, #tpu.memory_space<hbm>> -> memref<20000xi32, #tpu.memory_space<hbm>>
      %dma_wait3A_202 = tpu.memref_slice %arg3[%run_scoped3A_3, %mul3A_2] : memref<2x320000xi32, #tpu.memory_space<hbm>> -> memref<1x20000xi32, #tpu.memory_space<hbm>>
      %dma_wait3A_203 = tpu.memref_squeeze %dma_wait3A_202 : memref<1x20000xi32, #tpu.memory_space<hbm>> -> memref<20000xi32, #tpu.memory_space<hbm>>
      tpu.wait_dma2 semaphore(%run_scoped3A_195 : memref<!tpu.dma_semaphore, #tpu.memory_space<semaphore_mem>>) src(%dma_wait3A_203 : memref<20000xi32, #tpu.memory_space<hbm>>) dst(%arg6 : memref<20000xi32, #tpu.memory_space<vmem>>)
      tpu.yield
    }) : () -> ()
    %mul3A_4 = arith.constant 2 : i32
    %mul3A_5 = arith.muli %arg0, %mul3A_4 : i32
    %add3A = arith.constant 0 : i32
    %add3A_6 = arith.addi %mul3A_5, %add3A : i32
    %mul3A_7 = arith.constant 640 : i32
    %mul3A_8 = arith.muli %arg1, %mul3A_7 : i32
    %mul3A_9 = arith.constant 640 : i32
    %mul3A_10 = arith.muli %arg1, %mul3A_9 : i32
    "tpu.region"() ({
      %run_scoped3A_195 = tpu.sem_alloc : memref<!tpu.dma_semaphore, #tpu.memory_space<semaphore_mem>>
      %dma_start3A_196 = arith.constant 0 : i32
      %dma_start3A_197 = tpu.memref_slice %arg19[%mul3A_10, %dma_start3A_196] : memref<10240x64xf32, #tpu.memory_space<vmem_shared>> -> memref<640x64xf32, #tpu.memory_space<vmem_shared>>
      %dma_start3A_198 = arith.constant 0 : i32
      %dma_start3A_199 = arith.constant 0 : i32
      %dma_start3A_200 = tpu.memref_slice %arg2[%add3A_6, %dma_start3A_198, %dma_start3A_199] : memref<4x10240x64xf32, #tpu.memory_space<hbm>> -> memref<1x10240x64xf32, #tpu.memory_space<hbm>>
      %dma_start3A_201 = tpu.memref_squeeze %dma_start3A_200 : memref<1x10240x64xf32, #tpu.memory_space<hbm>> -> memref<10240x64xf32, #tpu.memory_space<hbm>>
      %dma_start3A_202 = arith.constant 0 : i32
      %dma_start3A_203 = tpu.memref_slice %dma_start3A_201[%mul3A_8, %dma_start3A_202] : memref<10240x64xf32, #tpu.memory_space<hbm>> -> memref<640x64xf32, #tpu.memory_space<hbm>>
      tpu.enqueue_dma source(%dma_start3A_203 : memref<640x64xf32, #tpu.memory_space<hbm>>) target(%dma_start3A_197 : memref<640x64xf32, #tpu.memory_space<vmem_shared>>) target_semaphore(%run_scoped3A_195 : memref<!tpu.dma_semaphore, #tpu.memory_space<semaphore_mem>>)
      %dma_wait3A_204 = arith.constant 0 : i32
      %dma_wait3A_205 = tpu.memref_slice %arg19[%mul3A_10, %dma_wait3A_204] : memref<10240x64xf32, #tpu.memory_space<vmem_shared>> -> memref<640x64xf32, #tpu.memory_space<vmem_shared>>
      %dma_wait3A_206 = arith.constant 0 : i32
      %dma_wait3A_207 = arith.constant 0 : i32
      %dma_wait3A_208 = tpu.memref_slice %arg2[%add3A_6, %dma_wait3A_206, %dma_wait3A_207] : memref<4x10240x64xf32, #tpu.memory_space<hbm>> -> memref<1x10240x64xf32, #tpu.memory_space<hbm>>
      %dma_wait3A_209 = tpu.memref_squeeze %dma_wait3A_208 : memref<1x10240x64xf32, #tpu.memory_space<hbm>> -> memref<10240x64xf32, #tpu.memory_space<hbm>>
      %dma_wait3A_210 = arith.constant 0 : i32
      %dma_wait3A_211 = tpu.memref_slice %dma_wait3A_209[%mul3A_8, %dma_wait3A_210] : memref<10240x64xf32, #tpu.memory_space<hbm>> -> memref<640x64xf32, #tpu.memory_space<hbm>>
      tpu.wait_dma2 semaphore(%run_scoped3A_195 : memref<!tpu.dma_semaphore, #tpu.memory_space<semaphore_mem>>) src(%dma_wait3A_211 : memref<640x64xf32, #tpu.memory_space<hbm>>) dst(%dma_wait3A_205 : memref<640x64xf32, #tpu.memory_space<vmem_shared>>)
      tpu.yield
    }) : () -> ()
    %barrier3A = arith.constant 0 : index
    tpu.barrier barrier_id(%barrier3A)
    %dma_start3A = arith.constant 0 : i32
    %dma_start3A_11 = tpu.memref_slice %arg5[%dma_start3A] : memref<20000xi32, #tpu.memory_space<vmem>> -> memref<128xi32, #tpu.memory_space<vmem>>
    %dma_start3A_12 = arith.constant 0 : i32
    %dma_start3A_13 = arith.constant 0 : i32
    %dma_start3A_14 = tpu.memref_slice %arg2[%add3A_6, %dma_start3A_12, %dma_start3A_13] : memref<4x10240x64xf32, #tpu.memory_space<hbm>> -> memref<1x10240x64xf32, #tpu.memory_space<hbm>>
    %dma_start3A_15 = tpu.memref_squeeze %dma_start3A_14 : memref<1x10240x64xf32, #tpu.memory_space<hbm>> -> memref<10240x64xf32, #tpu.memory_space<hbm>>
    %dma_start3A_16 = arith.constant 0 : i32
    %dma_start3A_17 = arith.constant 0 : i32
    %dma_start3A_18 = tpu.memref_slice %dma_start3A_15[%dma_start3A_16, %dma_start3A_17] : memref<10240x64xf32, #tpu.memory_space<hbm>> -> memref<10240x64xf32, #tpu.memory_space<hbm>>
    tpu.enqueue_indirect_dma source(%dma_start3A_18 : memref<10240x64xf32, #tpu.memory_space<hbm>>) target(%arg7 : memref<128x64xf32, #tpu.memory_space<vmem>>) offsets(%dma_start3A_11 : memref<128xi32, #tpu.memory_space<vmem>>) semaphore(%arg13 : memref<!tpu.dma_semaphore, #tpu.memory_space<semaphore_mem>>)
    %dma_start3A_19 = arith.constant 128 : i32
    %dma_start3A_20 = tpu.memref_slice %arg5[%dma_start3A_19] : memref<20000xi32, #tpu.memory_space<vmem>> -> memref<128xi32, #tpu.memory_space<vmem>>
    %dma_start3A_21 = arith.constant 0 : i32
    %dma_start3A_22 = arith.constant 0 : i32
    %dma_start3A_23 = tpu.memref_slice %arg2[%add3A_6, %dma_start3A_21, %dma_start3A_22] : memref<4x10240x64xf32, #tpu.memory_space<hbm>> -> memref<1x10240x64xf32, #tpu.memory_space<hbm>>
    %dma_start3A_24 = tpu.memref_squeeze %dma_start3A_23 : memref<1x10240x64xf32, #tpu.memory_space<hbm>> -> memref<10240x64xf32, #tpu.memory_space<hbm>>
    %dma_start3A_25 = arith.constant 0 : i32
    %dma_start3A_26 = arith.constant 0 : i32
    %dma_start3A_27 = tpu.memref_slice %dma_start3A_24[%dma_start3A_25, %dma_start3A_26] : memref<10240x64xf32, #tpu.memory_space<hbm>> -> memref<10240x64xf32, #tpu.memory_space<hbm>>
    tpu.enqueue_indirect_dma source(%dma_start3A_27 : memref<10240x64xf32, #tpu.memory_space<hbm>>) target(%arg8 : memref<128x64xf32, #tpu.memory_space<vmem>>) offsets(%dma_start3A_20 : memref<128xi32, #tpu.memory_space<vmem>>) semaphore(%arg14 : memref<!tpu.dma_semaphore, #tpu.memory_space<semaphore_mem>>)
    %dma_start3A_28 = arith.constant 256 : i32
    %dma_start3A_29 = tpu.memref_slice %arg5[%dma_start3A_28] : memref<20000xi32, #tpu.memory_space<vmem>> -> memref<128xi32, #tpu.memory_space<vmem>>
    %dma_start3A_30 = arith.constant 0 : i32
    %dma_start3A_31 = arith.constant 0 : i32
    %dma_start3A_32 = tpu.memref_slice %arg2[%add3A_6, %dma_start3A_30, %dma_start3A_31] : memref<4x10240x64xf32, #tpu.memory_space<hbm>> -> memref<1x10240x64xf32, #tpu.memory_space<hbm>>
    %dma_start3A_33 = tpu.memref_squeeze %dma_start3A_32 : memref<1x10240x64xf32, #tpu.memory_space<hbm>> -> memref<10240x64xf32, #tpu.memory_space<hbm>>
    %dma_start3A_34 = arith.constant 0 : i32
    %dma_start3A_35 = arith.constant 0 : i32
    %dma_start3A_36 = tpu.memref_slice %dma_start3A_33[%dma_start3A_34, %dma_start3A_35] : memref<10240x64xf32, #tpu.memory_space<hbm>> -> memref<10240x64xf32, #tpu.memory_space<hbm>>
    tpu.enqueue_indirect_dma source(%dma_start3A_36 : memref<10240x64xf32, #tpu.memory_space<hbm>>) target(%arg9 : memref<128x64xf32, #tpu.memory_space<vmem>>) offsets(%dma_start3A_29 : memref<128xi32, #tpu.memory_space<vmem>>) semaphore(%arg15 : memref<!tpu.dma_semaphore, #tpu.memory_space<semaphore_mem>>)
    %dma_start3A_37 = arith.constant 384 : i32
    %dma_start3A_38 = tpu.memref_slice %arg5[%dma_start3A_37] : memref<20000xi32, #tpu.memory_space<vmem>> -> memref<128xi32, #tpu.memory_space<vmem>>
    %dma_start3A_39 = arith.constant 0 : i32
    %dma_start3A_40 = arith.constant 0 : i32
    %dma_start3A_41 = tpu.memref_slice %arg2[%add3A_6, %dma_start3A_39, %dma_start3A_40] : memref<4x10240x64xf32, #tpu.memory_space<hbm>> -> memref<1x10240x64xf32, #tpu.memory_space<hbm>>
    %dma_start3A_42 = tpu.memref_squeeze %dma_start3A_41 : memref<1x10240x64xf32, #tpu.memory_space<hbm>> -> memref<10240x64xf32, #tpu.memory_space<hbm>>
    %dma_start3A_43 = arith.constant 0 : i32
    %dma_start3A_44 = arith.constant 0 : i32
    %dma_start3A_45 = tpu.memref_slice %dma_start3A_42[%dma_start3A_43, %dma_start3A_44] : memref<10240x64xf32, #tpu.memory_space<hbm>> -> memref<10240x64xf32, #tpu.memory_space<hbm>>
    tpu.enqueue_indirect_dma source(%dma_start3A_45 : memref<10240x64xf32, #tpu.memory_space<hbm>>) target(%arg10 : memref<128x64xf32, #tpu.memory_space<vmem>>) offsets(%dma_start3A_38 : memref<128xi32, #tpu.memory_space<vmem>>) semaphore(%arg16 : memref<!tpu.dma_semaphore, #tpu.memory_space<semaphore_mem>>)
    %dma_start3A_46 = arith.constant 512 : i32
    %dma_start3A_47 = tpu.memref_slice %arg5[%dma_start3A_46] : memref<20000xi32, #tpu.memory_space<vmem>> -> memref<128xi32, #tpu.memory_space<vmem>>
    %dma_start3A_48 = arith.constant 0 : i32
    %dma_start3A_49 = arith.constant 0 : i32
    %dma_start3A_50 = tpu.memref_slice %arg2[%add3A_6, %dma_start3A_48, %dma_start3A_49] : memref<4x10240x64xf32, #tpu.memory_space<hbm>> -> memref<1x10240x64xf32, #tpu.memory_space<hbm>>
    %dma_start3A_51 = tpu.memref_squeeze %dma_start3A_50 : memref<1x10240x64xf32, #tpu.memory_space<hbm>> -> memref<10240x64xf32, #tpu.memory_space<hbm>>
    %dma_start3A_52 = arith.constant 0 : i32
    %dma_start3A_53 = arith.constant 0 : i32
    %dma_start3A_54 = tpu.memref_slice %dma_start3A_51[%dma_start3A_52, %dma_start3A_53] : memref<10240x64xf32, #tpu.memory_space<hbm>> -> memref<10240x64xf32, #tpu.memory_space<hbm>>
    tpu.enqueue_indirect_dma source(%dma_start3A_54 : memref<10240x64xf32, #tpu.memory_space<hbm>>) target(%arg11 : memref<128x64xf32, #tpu.memory_space<vmem>>) offsets(%dma_start3A_47 : memref<128xi32, #tpu.memory_space<vmem>>) semaphore(%arg17 : memref<!tpu.dma_semaphore, #tpu.memory_space<semaphore_mem>>)
    %dma_start3A_55 = arith.constant 640 : i32
    %dma_start3A_56 = tpu.memref_slice %arg5[%dma_start3A_55] : memref<20000xi32, #tpu.memory_space<vmem>> -> memref<128xi32, #tpu.memory_space<vmem>>
    %dma_start3A_57 = arith.constant 0 : i32
    %dma_start3A_58 = arith.constant 0 : i32
    %dma_start3A_59 = tpu.memref_slice %arg2[%add3A_6, %dma_start3A_57, %dma_start3A_58] : memref<4x10240x64xf32, #tpu.memory_space<hbm>> -> memref<1x10240x64xf32, #tpu.memory_space<hbm>>
    %dma_start3A_60 = tpu.memref_squeeze %dma_start3A_59 : memref<1x10240x64xf32, #tpu.memory_space<hbm>> -> memref<10240x64xf32, #tpu.memory_space<hbm>>
    %dma_start3A_61 = arith.constant 0 : i32
    %dma_start3A_62 = arith.constant 0 : i32
    %dma_start3A_63 = tpu.memref_slice %dma_start3A_60[%dma_start3A_61, %dma_start3A_62] : memref<10240x64xf32, #tpu.memory_space<hbm>> -> memref<10240x64xf32, #tpu.memory_space<hbm>>
    tpu.enqueue_indirect_dma source(%dma_start3A_63 : memref<10240x64xf32, #tpu.memory_space<hbm>>) target(%arg12 : memref<128x64xf32, #tpu.memory_space<vmem>>) offsets(%dma_start3A_56 : memref<128xi32, #tpu.memory_space<vmem>>) semaphore(%arg18 : memref<!tpu.dma_semaphore, #tpu.memory_space<semaphore_mem>>)
    %scan3A = arith.constant 0 : i32
    %scan3A_64 = arith.constant 0 : i32
    %scan3A_65 = arith.constant 26 : i32
    %scan3A_66 = arith.addi %scan3A_64, %scan3A_65 : i32
    %scan3A_67 = arith.constant 1 : i32
    scf.for %scan3A_195 = %scan3A_64 to %scan3A_66 step %scan3A_67  : i32 {
      %mul3A_196 = arith.constant 6 : i32
      %mul3A_197 = arith.muli %scan3A_195, %mul3A_196 : i32
      %add3A_198 = arith.constant 0 : i32
      %add3A_199 = arith.addi %mul3A_197, %add3A_198 : i32
      %mul3A_200 = arith.constant 128 : i32
      %mul3A_201 = arith.muli %add3A_199, %mul3A_200 : i32
      %dma_wait3A_202 = tpu.memref_slice %arg5[%mul3A_201] : memref<20000xi32, #tpu.memory_space<vmem>> -> memref<128xi32, #tpu.memory_space<vmem>>
      %dma_wait3A_203 = arith.constant 0 : i32
      %dma_wait3A_204 = arith.constant 0 : i32
      %dma_wait3A_205 = tpu.memref_slice %arg2[%add3A_6, %dma_wait3A_203, %dma_wait3A_204] : memref<4x10240x64xf32, #tpu.memory_space<hbm>> -> memref<1x10240x64xf32, #tpu.memory_space<hbm>>
      %dma_wait3A_206 = tpu.memref_squeeze %dma_wait3A_205 : memref<1x10240x64xf32, #tpu.memory_space<hbm>> -> memref<10240x64xf32, #tpu.memory_space<hbm>>
      %dma_wait3A_207 = arith.constant 0 : i32
      %dma_wait3A_208 = arith.constant 0 : i32
      %dma_wait3A_209 = tpu.memref_slice %dma_wait3A_206[%dma_wait3A_207, %dma_wait3A_208] : memref<10240x64xf32, #tpu.memory_space<hbm>> -> memref<10240x64xf32, #tpu.memory_space<hbm>>
      tpu.wait_indirect_dma semaphore(%arg13 : memref<!tpu.dma_semaphore, #tpu.memory_space<semaphore_mem>>) src(%dma_wait3A_209 : memref<10240x64xf32, #tpu.memory_space<hbm>>) dst(%arg7 : memref<128x64xf32, #tpu.memory_space<vmem>>)
      %mul3A_210 = arith.constant 128 : i32
      %mul3A_211 = arith.muli %add3A_199, %mul3A_210 : i32
      "tpu.region"() ({
        %run_scoped3A_331 = tpu.sem_alloc : memref<!tpu.dma_semaphore, #tpu.memory_space<semaphore_mem>>
        %dma_start3A_332 = tpu.memref_slice %arg6[%mul3A_211] : memref<20000xi32, #tpu.memory_space<vmem>> -> memref<128xi32, #tpu.memory_space<vmem>>
        %dma_start3A_333 = arith.constant 0 : i32
        %dma_start3A_334 = arith.constant 0 : i32
        %dma_start3A_335 = tpu.memref_slice %arg19[%dma_start3A_333, %dma_start3A_334] : memref<10240x64xf32, #tpu.memory_space<vmem_shared>> -> memref<10240x64xf32, #tpu.memory_space<vmem_shared>>
        tpu.enqueue_indirect_dma source(%arg7 : memref<128x64xf32, #tpu.memory_space<vmem>>) target(%dma_start3A_335 : memref<10240x64xf32, #tpu.memory_space<vmem_shared>>) offsets(%dma_start3A_332 : memref<128xi32, #tpu.memory_space<vmem>>) semaphore(%run_scoped3A_331 : memref<!tpu.dma_semaphore, #tpu.memory_space<semaphore_mem>>) {add = true}
        %dma_wait3A_336 = tpu.memref_slice %arg6[%mul3A_211] : memref<20000xi32, #tpu.memory_space<vmem>> -> memref<128xi32, #tpu.memory_space<vmem>>
        %dma_wait3A_337 = arith.constant 0 : i32
        %dma_wait3A_338 = arith.constant 0 : i32
        %dma_wait3A_339 = tpu.memref_slice %arg19[%dma_wait3A_337, %dma_wait3A_338] : memref<10240x64xf32, #tpu.memory_space<vmem_shared>> -> memref<10240x64xf32, #tpu.memory_space<vmem_shared>>
        tpu.wait_indirect_dma semaphore(%run_scoped3A_331 : memref<!tpu.dma_semaphore, #tpu.memory_space<semaphore_mem>>) src(%arg7 : memref<128x64xf32, #tpu.memory_space<vmem>>) dst(%dma_wait3A_339 : memref<10240x64xf32, #tpu.memory_space<vmem_shared>>)
        tpu.yield
      }) : () -> ()
      %add3A_212 = arith.constant 1 : i32
      %add3A_213 = arith.addi %scan3A_195, %add3A_212 : i32
      %lt3A = arith.constant 26 : i32
      %lt3A_214 = arith.cmpi slt, %add3A_213, %lt3A : i32
      %convert_element_type3A = arith.extui %lt3A_214 : i1 to i32
      %cond3A = arith.constant 0 : i32
      %cond3A_215 = arith.cmpi ne, %convert_element_type3A, %cond3A : i32
      scf.if %cond3A_215 {
        %add3A_331 = arith.constant 6 : i32
        %add3A_332 = arith.addi %add3A_199, %add3A_331 : i32
        %mul3A_333 = arith.constant 128 : i32
        %mul3A_334 = arith.muli %add3A_332, %mul3A_333 : i32
        %dma_start3A_335 = tpu.memref_slice %arg5[%mul3A_334] : memref<20000xi32, #tpu.memory_space<vmem>> -> memref<128xi32, #tpu.memory_space<vmem>>
        %dma_start3A_336 = arith.constant 0 : i32
        %dma_start3A_337 = arith.constant 0 : i32
        %dma_start3A_338 = tpu.memref_slice %arg2[%add3A_6, %dma_start3A_336, %dma_start3A_337] : memref<4x10240x64xf32, #tpu.memory_space<hbm>> -> memref<1x10240x64xf32, #tpu.memory_space<hbm>>
        %dma_start3A_339 = tpu.memref_squeeze %dma_start3A_338 : memref<1x10240x64xf32, #tpu.memory_space<hbm>> -> memref<10240x64xf32, #tpu.memory_space<hbm>>
        %dma_start3A_340 = arith.constant 0 : i32
        %dma_start3A_341 = arith.constant 0 : i32
        %dma_start3A_342 = tpu.memref_slice %dma_start3A_339[%dma_start3A_340, %dma_start3A_341] : memref<10240x64xf32, #tpu.memory_space<hbm>> -> memref<10240x64xf32, #tpu.memory_space<hbm>>
        tpu.enqueue_indirect_dma source(%dma_start3A_342 : memref<10240x64xf32, #tpu.memory_space<hbm>>) target(%arg7 : memref<128x64xf32, #tpu.memory_space<vmem>>) offsets(%dma_start3A_335 : memref<128xi32, #tpu.memory_space<vmem>>) semaphore(%arg13 : memref<!tpu.dma_semaphore, #tpu.memory_space<semaphore_mem>>)
      } else {
      }
      %mul3A_216 = arith.constant 6 : i32
      %mul3A_217 = arith.muli %scan3A_195, %mul3A_216 : i32
      %add3A_218 = arith.constant 1 : i32
      %add3A_219 = arith.addi %mul3A_217, %add3A_218 : i32
      %mul3A_220 = arith.constant 128 : i32
      %mul3A_221 = arith.muli %add3A_219, %mul3A_220 : i32
      %dma_wait3A_222 = tpu.memref_slice %arg5[%mul3A_221] : memref<20000xi32, #tpu.memory_space<vmem>> -> memref<128xi32, #tpu.memory_space<vmem>>
      %dma_wait3A_223 = arith.constant 0 : i32
      %dma_wait3A_224 = arith.constant 0 : i32
      %dma_wait3A_225 = tpu.memref_slice %arg2[%add3A_6, %dma_wait3A_223, %dma_wait3A_224] : memref<4x10240x64xf32, #tpu.memory_space<hbm>> -> memref<1x10240x64xf32, #tpu.memory_space<hbm>>
      %dma_wait3A_226 = tpu.memref_squeeze %dma_wait3A_225 : memref<1x10240x64xf32, #tpu.memory_space<hbm>> -> memref<10240x64xf32, #tpu.memory_space<hbm>>
      %dma_wait3A_227 = arith.constant 0 : i32
      %dma_wait3A_228 = arith.constant 0 : i32
      %dma_wait3A_229 = tpu.memref_slice %dma_wait3A_226[%dma_wait3A_227, %dma_wait3A_228] : memref<10240x64xf32, #tpu.memory_space<hbm>> -> memref<10240x64xf32, #tpu.memory_space<hbm>>
      tpu.wait_indirect_dma semaphore(%arg14 : memref<!tpu.dma_semaphore, #tpu.memory_space<semaphore_mem>>) src(%dma_wait3A_229 : memref<10240x64xf32, #tpu.memory_space<hbm>>) dst(%arg8 : memref<128x64xf32, #tpu.memory_space<vmem>>)
      %mul3A_230 = arith.constant 128 : i32
      %mul3A_231 = arith.muli %add3A_219, %mul3A_230 : i32
      "tpu.region"() ({
        %run_scoped3A_331 = tpu.sem_alloc : memref<!tpu.dma_semaphore, #tpu.memory_space<semaphore_mem>>
        %dma_start3A_332 = tpu.memref_slice %arg6[%mul3A_231] : memref<20000xi32, #tpu.memory_space<vmem>> -> memref<128xi32, #tpu.memory_space<vmem>>
        %dma_start3A_333 = arith.constant 0 : i32
        %dma_start3A_334 = arith.constant 0 : i32
        %dma_start3A_335 = tpu.memref_slice %arg19[%dma_start3A_333, %dma_start3A_334] : memref<10240x64xf32, #tpu.memory_space<vmem_shared>> -> memref<10240x64xf32, #tpu.memory_space<vmem_shared>>
        tpu.enqueue_indirect_dma source(%arg8 : memref<128x64xf32, #tpu.memory_space<vmem>>) target(%dma_start3A_335 : memref<10240x64xf32, #tpu.memory_space<vmem_shared>>) offsets(%dma_start3A_332 : memref<128xi32, #tpu.memory_space<vmem>>) semaphore(%run_scoped3A_331 : memref<!tpu.dma_semaphore, #tpu.memory_space<semaphore_mem>>) {add = true}
        %dma_wait3A_336 = tpu.memref_slice %arg6[%mul3A_231] : memref<20000xi32, #tpu.memory_space<vmem>> -> memref<128xi32, #tpu.memory_space<vmem>>
        %dma_wait3A_337 = arith.constant 0 : i32
        %dma_wait3A_338 = arith.constant 0 : i32
        %dma_wait3A_339 = tpu.memref_slice %arg19[%dma_wait3A_337, %dma_wait3A_338] : memref<10240x64xf32, #tpu.memory_space<vmem_shared>> -> memref<10240x64xf32, #tpu.memory_space<vmem_shared>>
        tpu.wait_indirect_dma semaphore(%run_scoped3A_331 : memref<!tpu.dma_semaphore, #tpu.memory_space<semaphore_mem>>) src(%arg8 : memref<128x64xf32, #tpu.memory_space<vmem>>) dst(%dma_wait3A_339 : memref<10240x64xf32, #tpu.memory_space<vmem_shared>>)
        tpu.yield
      }) : () -> ()
      %add3A_232 = arith.constant 1 : i32
      %add3A_233 = arith.addi %scan3A_195, %add3A_232 : i32
      %lt3A_234 = arith.constant 26 : i32
      %lt3A_235 = arith.cmpi slt, %add3A_233, %lt3A_234 : i32
      %convert_element_type3A_236 = arith.extui %lt3A_235 : i1 to i32
      %cond3A_237 = arith.constant 0 : i32
      %cond3A_238 = arith.cmpi ne, %convert_element_type3A_236, %cond3A_237 : i32
      scf.if %cond3A_238 {
        %add3A_331 = arith.constant 6 : i32
        %add3A_332 = arith.addi %add3A_219, %add3A_331 : i32
        %mul3A_333 = arith.constant 128 : i32
        %mul3A_334 = arith.muli %add3A_332, %mul3A_333 : i32
        %dma_start3A_335 = tpu.memref_slice %arg5[%mul3A_334] : memref<20000xi32, #tpu.memory_space<vmem>> -> memref<128xi32, #tpu.memory_space<vmem>>
        %dma_start3A_336 = arith.constant 0 : i32
        %dma_start3A_337 = arith.constant 0 : i32
        %dma_start3A_338 = tpu.memref_slice %arg2[%add3A_6, %dma_start3A_336, %dma_start3A_337] : memref<4x10240x64xf32, #tpu.memory_space<hbm>> -> memref<1x10240x64xf32, #tpu.memory_space<hbm>>
        %dma_start3A_339 = tpu.memref_squeeze %dma_start3A_338 : memref<1x10240x64xf32, #tpu.memory_space<hbm>> -> memref<10240x64xf32, #tpu.memory_space<hbm>>
        %dma_start3A_340 = arith.constant 0 : i32
        %dma_start3A_341 = arith.constant 0 : i32
        %dma_start3A_342 = tpu.memref_slice %dma_start3A_339[%dma_start3A_340, %dma_start3A_341] : memref<10240x64xf32, #tpu.memory_space<hbm>> -> memref<10240x64xf32, #tpu.memory_space<hbm>>
        tpu.enqueue_indirect_dma source(%dma_start3A_342 : memref<10240x64xf32, #tpu.memory_space<hbm>>) target(%arg8 : memref<128x64xf32, #tpu.memory_space<vmem>>) offsets(%dma_start3A_335 : memref<128xi32, #tpu.memory_space<vmem>>) semaphore(%arg14 : memref<!tpu.dma_semaphore, #tpu.memory_space<semaphore_mem>>)
      } else {
      }
      %mul3A_239 = arith.constant 6 : i32
      %mul3A_240 = arith.muli %scan3A_195, %mul3A_239 : i32
      %add3A_241 = arith.constant 2 : i32
      %add3A_242 = arith.addi %mul3A_240, %add3A_241 : i32
      %mul3A_243 = arith.constant 128 : i32
      %mul3A_244 = arith.muli %add3A_242, %mul3A_243 : i32
      %dma_wait3A_245 = tpu.memref_slice %arg5[%mul3A_244] : memref<20000xi32, #tpu.memory_space<vmem>> -> memref<128xi32, #tpu.memory_space<vmem>>
      %dma_wait3A_246 = arith.constant 0 : i32
      %dma_wait3A_247 = arith.constant 0 : i32
      %dma_wait3A_248 = tpu.memref_slice %arg2[%add3A_6, %dma_wait3A_246, %dma_wait3A_247] : memref<4x10240x64xf32, #tpu.memory_space<hbm>> -> memref<1x10240x64xf32, #tpu.memory_space<hbm>>
      %dma_wait3A_249 = tpu.memref_squeeze %dma_wait3A_248 : memref<1x10240x64xf32, #tpu.memory_space<hbm>> -> memref<10240x64xf32, #tpu.memory_space<hbm>>
      %dma_wait3A_250 = arith.constant 0 : i32
      %dma_wait3A_251 = arith.constant 0 : i32
      %dma_wait3A_252 = tpu.memref_slice %dma_wait3A_249[%dma_wait3A_250, %dma_wait3A_251] : memref<10240x64xf32, #tpu.memory_space<hbm>> -> memref<10240x64xf32, #tpu.memory_space<hbm>>
      tpu.wait_indirect_dma semaphore(%arg15 : memref<!tpu.dma_semaphore, #tpu.memory_space<semaphore_mem>>) src(%dma_wait3A_252 : memref<10240x64xf32, #tpu.memory_space<hbm>>) dst(%arg9 : memref<128x64xf32, #tpu.memory_space<vmem>>)
      %mul3A_253 = arith.constant 128 : i32
      %mul3A_254 = arith.muli %add3A_242, %mul3A_253 : i32
      "tpu.region"() ({
        %run_scoped3A_331 = tpu.sem_alloc : memref<!tpu.dma_semaphore, #tpu.memory_space<semaphore_mem>>
        %dma_start3A_332 = tpu.memref_slice %arg6[%mul3A_254] : memref<20000xi32, #tpu.memory_space<vmem>> -> memref<128xi32, #tpu.memory_space<vmem>>
        %dma_start3A_333 = arith.constant 0 : i32
        %dma_start3A_334 = arith.constant 0 : i32
        %dma_start3A_335 = tpu.memref_slice %arg19[%dma_start3A_333, %dma_start3A_334] : memref<10240x64xf32, #tpu.memory_space<vmem_shared>> -> memref<10240x64xf32, #tpu.memory_space<vmem_shared>>
        tpu.enqueue_indirect_dma source(%arg9 : memref<128x64xf32, #tpu.memory_space<vmem>>) target(%dma_start3A_335 : memref<10240x64xf32, #tpu.memory_space<vmem_shared>>) offsets(%dma_start3A_332 : memref<128xi32, #tpu.memory_space<vmem>>) semaphore(%run_scoped3A_331 : memref<!tpu.dma_semaphore, #tpu.memory_space<semaphore_mem>>) {add = true}
        %dma_wait3A_336 = tpu.memref_slice %arg6[%mul3A_254] : memref<20000xi32, #tpu.memory_space<vmem>> -> memref<128xi32, #tpu.memory_space<vmem>>
        %dma_wait3A_337 = arith.constant 0 : i32
        %dma_wait3A_338 = arith.constant 0 : i32
        %dma_wait3A_339 = tpu.memref_slice %arg19[%dma_wait3A_337, %dma_wait3A_338] : memref<10240x64xf32, #tpu.memory_space<vmem_shared>> -> memref<10240x64xf32, #tpu.memory_space<vmem_shared>>
        tpu.wait_indirect_dma semaphore(%run_scoped3A_331 : memref<!tpu.dma_semaphore, #tpu.memory_space<semaphore_mem>>) src(%arg9 : memref<128x64xf32, #tpu.memory_space<vmem>>) dst(%dma_wait3A_339 : memref<10240x64xf32, #tpu.memory_space<vmem_shared>>)
        tpu.yield
      }) : () -> ()
      %add3A_255 = arith.constant 1 : i32
      %add3A_256 = arith.addi %scan3A_195, %add3A_255 : i32
      %lt3A_257 = arith.constant 26 : i32
      %lt3A_258 = arith.cmpi slt, %add3A_256, %lt3A_257 : i32
      %convert_element_type3A_259 = arith.extui %lt3A_258 : i1 to i32
      %cond3A_260 = arith.constant 0 : i32
      %cond3A_261 = arith.cmpi ne, %convert_element_type3A_259, %cond3A_260 : i32
      scf.if %cond3A_261 {
        %add3A_331 = arith.constant 6 : i32
        %add3A_332 = arith.addi %add3A_242, %add3A_331 : i32
        %mul3A_333 = arith.constant 128 : i32
        %mul3A_334 = arith.muli %add3A_332, %mul3A_333 : i32
        %dma_start3A_335 = tpu.memref_slice %arg5[%mul3A_334] : memref<20000xi32, #tpu.memory_space<vmem>> -> memref<128xi32, #tpu.memory_space<vmem>>
        %dma_start3A_336 = arith.constant 0 : i32
        %dma_start3A_337 = arith.constant 0 : i32
        %dma_start3A_338 = tpu.memref_slice %arg2[%add3A_6, %dma_start3A_336, %dma_start3A_337] : memref<4x10240x64xf32, #tpu.memory_space<hbm>> -> memref<1x10240x64xf32, #tpu.memory_space<hbm>>
        %dma_start3A_339 = tpu.memref_squeeze %dma_start3A_338 : memref<1x10240x64xf32, #tpu.memory_space<hbm>> -> memref<10240x64xf32, #tpu.memory_space<hbm>>
        %dma_start3A_340 = arith.constant 0 : i32
        %dma_start3A_341 = arith.constant 0 : i32
        %dma_start3A_342 = tpu.memref_slice %dma_start3A_339[%dma_start3A_340, %dma_start3A_341] : memref<10240x64xf32, #tpu.memory_space<hbm>> -> memref<10240x64xf32, #tpu.memory_space<hbm>>
        tpu.enqueue_indirect_dma source(%dma_start3A_342 : memref<10240x64xf32, #tpu.memory_space<hbm>>) target(%arg9 : memref<128x64xf32, #tpu.memory_space<vmem>>) offsets(%dma_start3A_335 : memref<128xi32, #tpu.memory_space<vmem>>) semaphore(%arg15 : memref<!tpu.dma_semaphore, #tpu.memory_space<semaphore_mem>>)
      } else {
      }
      %mul3A_262 = arith.constant 6 : i32
      %mul3A_263 = arith.muli %scan3A_195, %mul3A_262 : i32
      %add3A_264 = arith.constant 3 : i32
      %add3A_265 = arith.addi %mul3A_263, %add3A_264 : i32
      %mul3A_266 = arith.constant 128 : i32
      %mul3A_267 = arith.muli %add3A_265, %mul3A_266 : i32
      %dma_wait3A_268 = tpu.memref_slice %arg5[%mul3A_267] : memref<20000xi32, #tpu.memory_space<vmem>> -> memref<128xi32, #tpu.memory_space<vmem>>
      %dma_wait3A_269 = arith.constant 0 : i32
      %dma_wait3A_270 = arith.constant 0 : i32
      %dma_wait3A_271 = tpu.memref_slice %arg2[%add3A_6, %dma_wait3A_269, %dma_wait3A_270] : memref<4x10240x64xf32, #tpu.memory_space<hbm>> -> memref<1x10240x64xf32, #tpu.memory_space<hbm>>
      %dma_wait3A_272 = tpu.memref_squeeze %dma_wait3A_271 : memref<1x10240x64xf32, #tpu.memory_space<hbm>> -> memref<10240x64xf32, #tpu.memory_space<hbm>>
      %dma_wait3A_273 = arith.constant 0 : i32
      %dma_wait3A_274 = arith.constant 0 : i32
      %dma_wait3A_275 = tpu.memref_slice %dma_wait3A_272[%dma_wait3A_273, %dma_wait3A_274] : memref<10240x64xf32, #tpu.memory_space<hbm>> -> memref<10240x64xf32, #tpu.memory_space<hbm>>
      tpu.wait_indirect_dma semaphore(%arg16 : memref<!tpu.dma_semaphore, #tpu.memory_space<semaphore_mem>>) src(%dma_wait3A_275 : memref<10240x64xf32, #tpu.memory_space<hbm>>) dst(%arg10 : memref<128x64xf32, #tpu.memory_space<vmem>>)
      %mul3A_276 = arith.constant 128 : i32
      %mul3A_277 = arith.muli %add3A_265, %mul3A_276 : i32
      "tpu.region"() ({
        %run_scoped3A_331 = tpu.sem_alloc : memref<!tpu.dma_semaphore, #tpu.memory_space<semaphore_mem>>
        %dma_start3A_332 = tpu.memref_slice %arg6[%mul3A_277] : memref<20000xi32, #tpu.memory_space<vmem>> -> memref<128xi32, #tpu.memory_space<vmem>>
        %dma_start3A_333 = arith.constant 0 : i32
        %dma_start3A_334 = arith.constant 0 : i32
        %dma_start3A_335 = tpu.memref_slice %arg19[%dma_start3A_333, %dma_start3A_334] : memref<10240x64xf32, #tpu.memory_space<vmem_shared>> -> memref<10240x64xf32, #tpu.memory_space<vmem_shared>>
        tpu.enqueue_indirect_dma source(%arg10 : memref<128x64xf32, #tpu.memory_space<vmem>>) target(%dma_start3A_335 : memref<10240x64xf32, #tpu.memory_space<vmem_shared>>) offsets(%dma_start3A_332 : memref<128xi32, #tpu.memory_space<vmem>>) semaphore(%run_scoped3A_331 : memref<!tpu.dma_semaphore, #tpu.memory_space<semaphore_mem>>) {add = true}
        %dma_wait3A_336 = tpu.memref_slice %arg6[%mul3A_277] : memref<20000xi32, #tpu.memory_space<vmem>> -> memref<128xi32, #tpu.memory_space<vmem>>
        %dma_wait3A_337 = arith.constant 0 : i32
        %dma_wait3A_338 = arith.constant 0 : i32
        %dma_wait3A_339 = tpu.memref_slice %arg19[%dma_wait3A_337, %dma_wait3A_338] : memref<10240x64xf32, #tpu.memory_space<vmem_shared>> -> memref<10240x64xf32, #tpu.memory_space<vmem_shared>>
        tpu.wait_indirect_dma semaphore(%run_scoped3A_331 : memref<!tpu.dma_semaphore, #tpu.memory_space<semaphore_mem>>) src(%arg10 : memref<128x64xf32, #tpu.memory_space<vmem>>) dst(%dma_wait3A_339 : memref<10240x64xf32, #tpu.memory_space<vmem_shared>>)
        tpu.yield
      }) : () -> ()
      %add3A_278 = arith.constant 1 : i32
      %add3A_279 = arith.addi %scan3A_195, %add3A_278 : i32
      %lt3A_280 = arith.constant 26 : i32
      %lt3A_281 = arith.cmpi slt, %add3A_279, %lt3A_280 : i32
      %convert_element_type3A_282 = arith.extui %lt3A_281 : i1 to i32
      %cond3A_283 = arith.constant 0 : i32
      %cond3A_284 = arith.cmpi ne, %convert_element_type3A_282, %cond3A_283 : i32
      scf.if %cond3A_284 {
        %add3A_331 = arith.constant 6 : i32
        %add3A_332 = arith.addi %add3A_265, %add3A_331 : i32
        %mul3A_333 = arith.constant 128 : i32
        %mul3A_334 = arith.muli %add3A_332, %mul3A_333 : i32
        %dma_start3A_335 = tpu.memref_slice %arg5[%mul3A_334] : memref<20000xi32, #tpu.memory_space<vmem>> -> memref<128xi32, #tpu.memory_space<vmem>>
        %dma_start3A_336 = arith.constant 0 : i32
        %dma_start3A_337 = arith.constant 0 : i32
        %dma_start3A_338 = tpu.memref_slice %arg2[%add3A_6, %dma_start3A_336, %dma_start3A_337] : memref<4x10240x64xf32, #tpu.memory_space<hbm>> -> memref<1x10240x64xf32, #tpu.memory_space<hbm>>
        %dma_start3A_339 = tpu.memref_squeeze %dma_start3A_338 : memref<1x10240x64xf32, #tpu.memory_space<hbm>> -> memref<10240x64xf32, #tpu.memory_space<hbm>>
        %dma_start3A_340 = arith.constant 0 : i32
        %dma_start3A_341 = arith.constant 0 : i32
        %dma_start3A_342 = tpu.memref_slice %dma_start3A_339[%dma_start3A_340, %dma_start3A_341] : memref<10240x64xf32, #tpu.memory_space<hbm>> -> memref<10240x64xf32, #tpu.memory_space<hbm>>
        tpu.enqueue_indirect_dma source(%dma_start3A_342 : memref<10240x64xf32, #tpu.memory_space<hbm>>) target(%arg10 : memref<128x64xf32, #tpu.memory_space<vmem>>) offsets(%dma_start3A_335 : memref<128xi32, #tpu.memory_space<vmem>>) semaphore(%arg16 : memref<!tpu.dma_semaphore, #tpu.memory_space<semaphore_mem>>)
      } else {
      }
      %mul3A_285 = arith.constant 6 : i32
      %mul3A_286 = arith.muli %scan3A_195, %mul3A_285 : i32
      %add3A_287 = arith.constant 4 : i32
      %add3A_288 = arith.addi %mul3A_286, %add3A_287 : i32
      %mul3A_289 = arith.constant 128 : i32
      %mul3A_290 = arith.muli %add3A_288, %mul3A_289 : i32
      %dma_wait3A_291 = tpu.memref_slice %arg5[%mul3A_290] : memref<20000xi32, #tpu.memory_space<vmem>> -> memref<128xi32, #tpu.memory_space<vmem>>
      %dma_wait3A_292 = arith.constant 0 : i32
      %dma_wait3A_293 = arith.constant 0 : i32
      %dma_wait3A_294 = tpu.memref_slice %arg2[%add3A_6, %dma_wait3A_292, %dma_wait3A_293] : memref<4x10240x64xf32, #tpu.memory_space<hbm>> -> memref<1x10240x64xf32, #tpu.memory_space<hbm>>
      %dma_wait3A_295 = tpu.memref_squeeze %dma_wait3A_294 : memref<1x10240x64xf32, #tpu.memory_space<hbm>> -> memref<10240x64xf32, #tpu.memory_space<hbm>>
      %dma_wait3A_296 = arith.constant 0 : i32
      %dma_wait3A_297 = arith.constant 0 : i32
      %dma_wait3A_298 = tpu.memref_slice %dma_wait3A_295[%dma_wait3A_296, %dma_wait3A_297] : memref<10240x64xf32, #tpu.memory_space<hbm>> -> memref<10240x64xf32, #tpu.memory_space<hbm>>
      tpu.wait_indirect_dma semaphore(%arg17 : memref<!tpu.dma_semaphore, #tpu.memory_space<semaphore_mem>>) src(%dma_wait3A_298 : memref<10240x64xf32, #tpu.memory_space<hbm>>) dst(%arg11 : memref<128x64xf32, #tpu.memory_space<vmem>>)
      %mul3A_299 = arith.constant 128 : i32
      %mul3A_300 = arith.muli %add3A_288, %mul3A_299 : i32
      "tpu.region"() ({
        %run_scoped3A_331 = tpu.sem_alloc : memref<!tpu.dma_semaphore, #tpu.memory_space<semaphore_mem>>
        %dma_start3A_332 = tpu.memref_slice %arg6[%mul3A_300] : memref<20000xi32, #tpu.memory_space<vmem>> -> memref<128xi32, #tpu.memory_space<vmem>>
        %dma_start3A_333 = arith.constant 0 : i32
        %dma_start3A_334 = arith.constant 0 : i32
        %dma_start3A_335 = tpu.memref_slice %arg19[%dma_start3A_333, %dma_start3A_334] : memref<10240x64xf32, #tpu.memory_space<vmem_shared>> -> memref<10240x64xf32, #tpu.memory_space<vmem_shared>>
        tpu.enqueue_indirect_dma source(%arg11 : memref<128x64xf32, #tpu.memory_space<vmem>>) target(%dma_start3A_335 : memref<10240x64xf32, #tpu.memory_space<vmem_shared>>) offsets(%dma_start3A_332 : memref<128xi32, #tpu.memory_space<vmem>>) semaphore(%run_scoped3A_331 : memref<!tpu.dma_semaphore, #tpu.memory_space<semaphore_mem>>) {add = true}
        %dma_wait3A_336 = tpu.memref_slice %arg6[%mul3A_300] : memref<20000xi32, #tpu.memory_space<vmem>> -> memref<128xi32, #tpu.memory_space<vmem>>
        %dma_wait3A_337 = arith.constant 0 : i32
        %dma_wait3A_338 = arith.constant 0 : i32
        %dma_wait3A_339 = tpu.memref_slice %arg19[%dma_wait3A_337, %dma_wait3A_338] : memref<10240x64xf32, #tpu.memory_space<vmem_shared>> -> memref<10240x64xf32, #tpu.memory_space<vmem_shared>>
        tpu.wait_indirect_dma semaphore(%run_scoped3A_331 : memref<!tpu.dma_semaphore, #tpu.memory_space<semaphore_mem>>) src(%arg11 : memref<128x64xf32, #tpu.memory_space<vmem>>) dst(%dma_wait3A_339 : memref<10240x64xf32, #tpu.memory_space<vmem_shared>>)
        tpu.yield
      }) : () -> ()
      %add3A_301 = arith.constant 1 : i32
      %add3A_302 = arith.addi %scan3A_195, %add3A_301 : i32
      %lt3A_303 = arith.constant 26 : i32
      %lt3A_304 = arith.cmpi slt, %add3A_302, %lt3A_303 : i32
      %convert_element_type3A_305 = arith.extui %lt3A_304 : i1 to i32
      %cond3A_306 = arith.constant 0 : i32
      %cond3A_307 = arith.cmpi ne, %convert_element_type3A_305, %cond3A_306 : i32
      scf.if %cond3A_307 {
        %add3A_331 = arith.constant 6 : i32
        %add3A_332 = arith.addi %add3A_288, %add3A_331 : i32
        %mul3A_333 = arith.constant 128 : i32
        %mul3A_334 = arith.muli %add3A_332, %mul3A_333 : i32
        %dma_start3A_335 = tpu.memref_slice %arg5[%mul3A_334] : memref<20000xi32, #tpu.memory_space<vmem>> -> memref<128xi32, #tpu.memory_space<vmem>>
        %dma_start3A_336 = arith.constant 0 : i32
        %dma_start3A_337 = arith.constant 0 : i32
        %dma_start3A_338 = tpu.memref_slice %arg2[%add3A_6, %dma_start3A_336, %dma_start3A_337] : memref<4x10240x64xf32, #tpu.memory_space<hbm>> -> memref<1x10240x64xf32, #tpu.memory_space<hbm>>
        %dma_start3A_339 = tpu.memref_squeeze %dma_start3A_338 : memref<1x10240x64xf32, #tpu.memory_space<hbm>> -> memref<10240x64xf32, #tpu.memory_space<hbm>>
        %dma_start3A_340 = arith.constant 0 : i32
        %dma_start3A_341 = arith.constant 0 : i32
        %dma_start3A_342 = tpu.memref_slice %dma_start3A_339[%dma_start3A_340, %dma_start3A_341] : memref<10240x64xf32, #tpu.memory_space<hbm>> -> memref<10240x64xf32, #tpu.memory_space<hbm>>
        tpu.enqueue_indirect_dma source(%dma_start3A_342 : memref<10240x64xf32, #tpu.memory_space<hbm>>) target(%arg11 : memref<128x64xf32, #tpu.memory_space<vmem>>) offsets(%dma_start3A_335 : memref<128xi32, #tpu.memory_space<vmem>>) semaphore(%arg17 : memref<!tpu.dma_semaphore, #tpu.memory_space<semaphore_mem>>)
      } else {
      }
      %mul3A_308 = arith.constant 6 : i32
      %mul3A_309 = arith.muli %scan3A_195, %mul3A_308 : i32
      %add3A_310 = arith.constant 5 : i32
      %add3A_311 = arith.addi %mul3A_309, %add3A_310 : i32
      %mul3A_312 = arith.constant 128 : i32
      %mul3A_313 = arith.muli %add3A_311, %mul3A_312 : i32
      %dma_wait3A_314 = tpu.memref_slice %arg5[%mul3A_313] : memref<20000xi32, #tpu.memory_space<vmem>> -> memref<128xi32, #tpu.memory_space<vmem>>
      %dma_wait3A_315 = arith.constant 0 : i32
      %dma_wait3A_316 = arith.constant 0 : i32
      %dma_wait3A_317 = tpu.memref_slice %arg2[%add3A_6, %dma_wait3A_315, %dma_wait3A_316] : memref<4x10240x64xf32, #tpu.memory_space<hbm>> -> memref<1x10240x64xf32, #tpu.memory_space<hbm>>
      %dma_wait3A_318 = tpu.memref_squeeze %dma_wait3A_317 : memref<1x10240x64xf32, #tpu.memory_space<hbm>> -> memref<10240x64xf32, #tpu.memory_space<hbm>>
      %dma_wait3A_319 = arith.constant 0 : i32
      %dma_wait3A_320 = arith.constant 0 : i32
      %dma_wait3A_321 = tpu.memref_slice %dma_wait3A_318[%dma_wait3A_319, %dma_wait3A_320] : memref<10240x64xf32, #tpu.memory_space<hbm>> -> memref<10240x64xf32, #tpu.memory_space<hbm>>
      tpu.wait_indirect_dma semaphore(%arg18 : memref<!tpu.dma_semaphore, #tpu.memory_space<semaphore_mem>>) src(%dma_wait3A_321 : memref<10240x64xf32, #tpu.memory_space<hbm>>) dst(%arg12 : memref<128x64xf32, #tpu.memory_space<vmem>>)
      %mul3A_322 = arith.constant 128 : i32
      %mul3A_323 = arith.muli %add3A_311, %mul3A_322 : i32
      "tpu.region"() ({
        %run_scoped3A_331 = tpu.sem_alloc : memref<!tpu.dma_semaphore, #tpu.memory_space<semaphore_mem>>
        %dma_start3A_332 = tpu.memref_slice %arg6[%mul3A_323] : memref<20000xi32, #tpu.memory_space<vmem>> -> memref<128xi32, #tpu.memory_space<vmem>>
        %dma_start3A_333 = arith.constant 0 : i32
        %dma_start3A_334 = arith.constant 0 : i32
        %dma_start3A_335 = tpu.memref_slice %arg19[%dma_start3A_333, %dma_start3A_334] : memref<10240x64xf32, #tpu.memory_space<vmem_shared>> -> memref<10240x64xf32, #tpu.memory_space<vmem_shared>>
        tpu.enqueue_indirect_dma source(%arg12 : memref<128x64xf32, #tpu.memory_space<vmem>>) target(%dma_start3A_335 : memref<10240x64xf32, #tpu.memory_space<vmem_shared>>) offsets(%dma_start3A_332 : memref<128xi32, #tpu.memory_space<vmem>>) semaphore(%run_scoped3A_331 : memref<!tpu.dma_semaphore, #tpu.memory_space<semaphore_mem>>) {add = true}
        %dma_wait3A_336 = tpu.memref_slice %arg6[%mul3A_323] : memref<20000xi32, #tpu.memory_space<vmem>> -> memref<128xi32, #tpu.memory_space<vmem>>
        %dma_wait3A_337 = arith.constant 0 : i32
        %dma_wait3A_338 = arith.constant 0 : i32
        %dma_wait3A_339 = tpu.memref_slice %arg19[%dma_wait3A_337, %dma_wait3A_338] : memref<10240x64xf32, #tpu.memory_space<vmem_shared>> -> memref<10240x64xf32, #tpu.memory_space<vmem_shared>>
        tpu.wait_indirect_dma semaphore(%run_scoped3A_331 : memref<!tpu.dma_semaphore, #tpu.memory_space<semaphore_mem>>) src(%arg12 : memref<128x64xf32, #tpu.memory_space<vmem>>) dst(%dma_wait3A_339 : memref<10240x64xf32, #tpu.memory_space<vmem_shared>>)
        tpu.yield
      }) : () -> ()
      %add3A_324 = arith.constant 1 : i32
      %add3A_325 = arith.addi %scan3A_195, %add3A_324 : i32
      %lt3A_326 = arith.constant 26 : i32
      %lt3A_327 = arith.cmpi slt, %add3A_325, %lt3A_326 : i32
      %convert_element_type3A_328 = arith.extui %lt3A_327 : i1 to i32
      %cond3A_329 = arith.constant 0 : i32
      %cond3A_330 = arith.cmpi ne, %convert_element_type3A_328, %cond3A_329 : i32
      scf.if %cond3A_330 {
        %add3A_331 = arith.constant 6 : i32
        %add3A_332 = arith.addi %add3A_311, %add3A_331 : i32
        %mul3A_333 = arith.constant 128 : i32
        %mul3A_334 = arith.muli %add3A_332, %mul3A_333 : i32
        %dma_start3A_335 = tpu.memref_slice %arg5[%mul3A_334] : memref<20000xi32, #tpu.memory_space<vmem>> -> memref<128xi32, #tpu.memory_space<vmem>>
        %dma_start3A_336 = arith.constant 0 : i32
        %dma_start3A_337 = arith.constant 0 : i32
        %dma_start3A_338 = tpu.memref_slice %arg2[%add3A_6, %dma_start3A_336, %dma_start3A_337] : memref<4x10240x64xf32, #tpu.memory_space<hbm>> -> memref<1x10240x64xf32, #tpu.memory_space<hbm>>
        %dma_start3A_339 = tpu.memref_squeeze %dma_start3A_338 : memref<1x10240x64xf32, #tpu.memory_space<hbm>> -> memref<10240x64xf32, #tpu.memory_space<hbm>>
        %dma_start3A_340 = arith.constant 0 : i32
        %dma_start3A_341 = arith.constant 0 : i32
        %dma_start3A_342 = tpu.memref_slice %dma_start3A_339[%dma_start3A_340, %dma_start3A_341] : memref<10240x64xf32, #tpu.memory_space<hbm>> -> memref<10240x64xf32, #tpu.memory_space<hbm>>
        tpu.enqueue_indirect_dma source(%dma_start3A_342 : memref<10240x64xf32, #tpu.memory_space<hbm>>) target(%arg12 : memref<128x64xf32, #tpu.memory_space<vmem>>) offsets(%dma_start3A_335 : memref<128xi32, #tpu.memory_space<vmem>>) semaphore(%arg18 : memref<!tpu.dma_semaphore, #tpu.memory_space<semaphore_mem>>)
      } else {
      }
    }
    %scan3A_68 = arith.constant 26 : i32
    %dma_start3A_69 = arith.constant 0 : i32
    %dma_start3A_70 = arith.constant 0 : i32
    %dma_start3A_71 = tpu.memref_slice %arg7[%dma_start3A_69, %dma_start3A_70] : memref<128x64xf32, #tpu.memory_space<vmem>> -> memref<32x64xf32, #tpu.memory_space<vmem>>
    %dma_start3A_72 = arith.constant 19968 : i32
    %dma_start3A_73 = tpu.memref_slice %arg5[%dma_start3A_72] : memref<20000xi32, #tpu.memory_space<vmem>> -> memref<32xi32, #tpu.memory_space<vmem>>
    %dma_start3A_74 = arith.constant 0 : i32
    %dma_start3A_75 = arith.constant 0 : i32
    %dma_start3A_76 = tpu.memref_slice %arg2[%add3A_6, %dma_start3A_74, %dma_start3A_75] : memref<4x10240x64xf32, #tpu.memory_space<hbm>> -> memref<1x10240x64xf32, #tpu.memory_space<hbm>>
    %dma_start3A_77 = tpu.memref_squeeze %dma_start3A_76 : memref<1x10240x64xf32, #tpu.memory_space<hbm>> -> memref<10240x64xf32, #tpu.memory_space<hbm>>
    %dma_start3A_78 = arith.constant 0 : i32
    %dma_start3A_79 = arith.constant 0 : i32
    %dma_start3A_80 = tpu.memref_slice %dma_start3A_77[%dma_start3A_78, %dma_start3A_79] : memref<10240x64xf32, #tpu.memory_space<hbm>> -> memref<10240x64xf32, #tpu.memory_space<hbm>>
    tpu.enqueue_indirect_dma source(%dma_start3A_80 : memref<10240x64xf32, #tpu.memory_space<hbm>>) target(%dma_start3A_71 : memref<32x64xf32, #tpu.memory_space<vmem>>) offsets(%dma_start3A_73 : memref<32xi32, #tpu.memory_space<vmem>>) semaphore(%arg13 : memref<!tpu.dma_semaphore, #tpu.memory_space<semaphore_mem>>)
    %dma_wait3A = arith.constant 0 : i32
    %dma_wait3A_81 = arith.constant 0 : i32
    %dma_wait3A_82 = tpu.memref_slice %arg7[%dma_wait3A, %dma_wait3A_81] : memref<128x64xf32, #tpu.memory_space<vmem>> -> memref<32x64xf32, #tpu.memory_space<vmem>>
    %dma_wait3A_83 = arith.constant 19968 : i32
    %dma_wait3A_84 = tpu.memref_slice %arg5[%dma_wait3A_83] : memref<20000xi32, #tpu.memory_space<vmem>> -> memref<32xi32, #tpu.memory_space<vmem>>
    %dma_wait3A_85 = arith.constant 0 : i32
    %dma_wait3A_86 = arith.constant 0 : i32
    %dma_wait3A_87 = tpu.memref_slice %arg2[%add3A_6, %dma_wait3A_85, %dma_wait3A_86] : memref<4x10240x64xf32, #tpu.memory_space<hbm>> -> memref<1x10240x64xf32, #tpu.memory_space<hbm>>
    %dma_wait3A_88 = tpu.memref_squeeze %dma_wait3A_87 : memref<1x10240x64xf32, #tpu.memory_space<hbm>> -> memref<10240x64xf32, #tpu.memory_space<hbm>>
    %dma_wait3A_89 = arith.constant 0 : i32
    %dma_wait3A_90 = arith.constant 0 : i32
    %dma_wait3A_91 = tpu.memref_slice %dma_wait3A_88[%dma_wait3A_89, %dma_wait3A_90] : memref<10240x64xf32, #tpu.memory_space<hbm>> -> memref<10240x64xf32, #tpu.memory_space<hbm>>
    tpu.wait_indirect_dma semaphore(%arg13 : memref<!tpu.dma_semaphore, #tpu.memory_space<semaphore_mem>>) src(%dma_wait3A_91 : memref<10240x64xf32, #tpu.memory_space<hbm>>) dst(%dma_wait3A_82 : memref<32x64xf32, #tpu.memory_space<vmem>>)
    "tpu.region"() ({
      %run_scoped3A_195 = tpu.sem_alloc : memref<!tpu.dma_semaphore, #tpu.memory_space<semaphore_mem>>
      %dma_start3A_196 = arith.constant 0 : i32
      %dma_start3A_197 = arith.constant 0 : i32
      %dma_start3A_198 = tpu.memref_slice %arg7[%dma_start3A_196, %dma_start3A_197] : memref<128x64xf32, #tpu.memory_space<vmem>> -> memref<32x64xf32, #tpu.memory_space<vmem>>
      %dma_start3A_199 = arith.constant 19968 : i32
      %dma_start3A_200 = tpu.memref_slice %arg6[%dma_start3A_199] : memref<20000xi32, #tpu.memory_space<vmem>> -> memref<32xi32, #tpu.memory_space<vmem>>
      %dma_start3A_201 = arith.constant 0 : i32
      %dma_start3A_202 = arith.constant 0 : i32
      %dma_start3A_203 = tpu.memref_slice %arg19[%dma_start3A_201, %dma_start3A_202] : memref<10240x64xf32, #tpu.memory_space<vmem_shared>> -> memref<10240x64xf32, #tpu.memory_space<vmem_shared>>
      tpu.enqueue_indirect_dma source(%dma_start3A_198 : memref<32x64xf32, #tpu.memory_space<vmem>>) target(%dma_start3A_203 : memref<10240x64xf32, #tpu.memory_space<vmem_shared>>) offsets(%dma_start3A_200 : memref<32xi32, #tpu.memory_space<vmem>>) semaphore(%run_scoped3A_195 : memref<!tpu.dma_semaphore, #tpu.memory_space<semaphore_mem>>) {add = true}
      %dma_wait3A_204 = arith.constant 0 : i32
      %dma_wait3A_205 = arith.constant 0 : i32
      %dma_wait3A_206 = tpu.memref_slice %arg7[%dma_wait3A_204, %dma_wait3A_205] : memref<128x64xf32, #tpu.memory_space<vmem>> -> memref<32x64xf32, #tpu.memory_space<vmem>>
      %dma_wait3A_207 = arith.constant 19968 : i32
      %dma_wait3A_208 = tpu.memref_slice %arg6[%dma_wait3A_207] : memref<20000xi32, #tpu.memory_space<vmem>> -> memref<32xi32, #tpu.memory_space<vmem>>
      %dma_wait3A_209 = arith.constant 0 : i32
      %dma_wait3A_210 = arith.constant 0 : i32
      %dma_wait3A_211 = tpu.memref_slice %arg19[%dma_wait3A_209, %dma_wait3A_210] : memref<10240x64xf32, #tpu.memory_space<vmem_shared>> -> memref<10240x64xf32, #tpu.memory_space<vmem_shared>>
      tpu.wait_indirect_dma semaphore(%run_scoped3A_195 : memref<!tpu.dma_semaphore, #tpu.memory_space<semaphore_mem>>) src(%dma_wait3A_206 : memref<32x64xf32, #tpu.memory_space<vmem>>) dst(%dma_wait3A_211 : memref<10240x64xf32, #tpu.memory_space<vmem_shared>>)
      tpu.yield
    }) : () -> ()
    %barrier3A_92 = arith.constant 0 : index
    tpu.barrier barrier_id(%barrier3A_92)
    %mul3A_93 = arith.constant 640 : i32
    %mul3A_94 = arith.muli %arg1, %mul3A_93 : i32
    %mul3A_95 = arith.constant 640 : i32
    %mul3A_96 = arith.muli %arg1, %mul3A_95 : i32
    "tpu.region"() ({
      %run_scoped3A_195 = tpu.sem_alloc : memref<!tpu.dma_semaphore, #tpu.memory_space<semaphore_mem>>
      %dma_start3A_196 = arith.constant 0 : i32
      %dma_start3A_197 = tpu.memref_slice %arg4[%add3A_6, %mul3A_96, %dma_start3A_196] : memref<4x10240x64xf32, #tpu.memory_space<hbm>> -> memref<1x640x64xf32, #tpu.memory_space<hbm>>
      %dma_start3A_198 = tpu.memref_squeeze %dma_start3A_197 : memref<1x640x64xf32, #tpu.memory_space<hbm>> -> memref<640x64xf32, #tpu.memory_space<hbm>>
      %dma_start3A_199 = arith.constant 0 : i32
      %dma_start3A_200 = tpu.memref_slice %arg19[%mul3A_94, %dma_start3A_199] : memref<10240x64xf32, #tpu.memory_space<vmem_shared>> -> memref<640x64xf32, #tpu.memory_space<vmem_shared>>
      tpu.enqueue_dma source(%dma_start3A_200 : memref<640x64xf32, #tpu.memory_space<vmem_shared>>) target(%dma_start3A_198 : memref<640x64xf32, #tpu.memory_space<hbm>>) target_semaphore(%run_scoped3A_195 : memref<!tpu.dma_semaphore, #tpu.memory_space<semaphore_mem>>)
      %dma_wait3A_201 = arith.constant 0 : i32
      %dma_wait3A_202 = tpu.memref_slice %arg4[%add3A_6, %mul3A_96, %dma_wait3A_201] : memref<4x10240x64xf32, #tpu.memory_space<hbm>> -> memref<1x640x64xf32, #tpu.memory_space<hbm>>
      %dma_wait3A_203 = tpu.memref_squeeze %dma_wait3A_202 : memref<1x640x64xf32, #tpu.memory_space<hbm>> -> memref<640x64xf32, #tpu.memory_space<hbm>>
      %dma_wait3A_204 = arith.constant 0 : i32
      %dma_wait3A_205 = tpu.memref_slice %arg19[%mul3A_94, %dma_wait3A_204] : memref<10240x64xf32, #tpu.memory_space<vmem_shared>> -> memref<640x64xf32, #tpu.memory_space<vmem_shared>>
      tpu.wait_dma2 semaphore(%run_scoped3A_195 : memref<!tpu.dma_semaphore, #tpu.memory_space<semaphore_mem>>) src(%dma_wait3A_205 : memref<640x64xf32, #tpu.memory_space<vmem_shared>>) dst(%dma_wait3A_203 : memref<640x64xf32, #tpu.memory_space<hbm>>)
      tpu.yield
    }) : () -> ()
    %mul3A_97 = arith.constant 2 : i32
    %mul3A_98 = arith.muli %arg0, %mul3A_97 : i32
    %add3A_99 = arith.constant 1 : i32
    %add3A_100 = arith.addi %mul3A_98, %add3A_99 : i32
    %mul3A_101 = arith.constant 640 : i32
    %mul3A_102 = arith.muli %arg1, %mul3A_101 : i32
    %mul3A_103 = arith.constant 640 : i32
    %mul3A_104 = arith.muli %arg1, %mul3A_103 : i32
    "tpu.region"() ({
      %run_scoped3A_195 = tpu.sem_alloc : memref<!tpu.dma_semaphore, #tpu.memory_space<semaphore_mem>>
      %dma_start3A_196 = arith.constant 0 : i32
      %dma_start3A_197 = tpu.memref_slice %arg19[%mul3A_104, %dma_start3A_196] : memref<10240x64xf32, #tpu.memory_space<vmem_shared>> -> memref<640x64xf32, #tpu.memory_space<vmem_shared>>
      %dma_start3A_198 = arith.constant 0 : i32
      %dma_start3A_199 = arith.constant 0 : i32
      %dma_start3A_200 = tpu.memref_slice %arg2[%add3A_100, %dma_start3A_198, %dma_start3A_199] : memref<4x10240x64xf32, #tpu.memory_space<hbm>> -> memref<1x10240x64xf32, #tpu.memory_space<hbm>>
      %dma_start3A_201 = tpu.memref_squeeze %dma_start3A_200 : memref<1x10240x64xf32, #tpu.memory_space<hbm>> -> memref<10240x64xf32, #tpu.memory_space<hbm>>
      %dma_start3A_202 = arith.constant 0 : i32
      %dma_start3A_203 = tpu.memref_slice %dma_start3A_201[%mul3A_102, %dma_start3A_202] : memref<10240x64xf32, #tpu.memory_space<hbm>> -> memref<640x64xf32, #tpu.memory_space<hbm>>
      tpu.enqueue_dma source(%dma_start3A_203 : memref<640x64xf32, #tpu.memory_space<hbm>>) target(%dma_start3A_197 : memref<640x64xf32, #tpu.memory_space<vmem_shared>>) target_semaphore(%run_scoped3A_195 : memref<!tpu.dma_semaphore, #tpu.memory_space<semaphore_mem>>)
      %dma_wait3A_204 = arith.constant 0 : i32
      %dma_wait3A_205 = tpu.memref_slice %arg19[%mul3A_104, %dma_wait3A_204] : memref<10240x64xf32, #tpu.memory_space<vmem_shared>> -> memref<640x64xf32, #tpu.memory_space<vmem_shared>>
      %dma_wait3A_206 = arith.constant 0 : i32
      %dma_wait3A_207 = arith.constant 0 : i32
      %dma_wait3A_208 = tpu.memref_slice %arg2[%add3A_100, %dma_wait3A_206, %dma_wait3A_207] : memref<4x10240x64xf32, #tpu.memory_space<hbm>> -> memref<1x10240x64xf32, #tpu.memory_space<hbm>>
      %dma_wait3A_209 = tpu.memref_squeeze %dma_wait3A_208 : memref<1x10240x64xf32, #tpu.memory_space<hbm>> -> memref<10240x64xf32, #tpu.memory_space<hbm>>
      %dma_wait3A_210 = arith.constant 0 : i32
      %dma_wait3A_211 = tpu.memref_slice %dma_wait3A_209[%mul3A_102, %dma_wait3A_210] : memref<10240x64xf32, #tpu.memory_space<hbm>> -> memref<640x64xf32, #tpu.memory_space<hbm>>
      tpu.wait_dma2 semaphore(%run_scoped3A_195 : memref<!tpu.dma_semaphore, #tpu.memory_space<semaphore_mem>>) src(%dma_wait3A_211 : memref<640x64xf32, #tpu.memory_space<hbm>>) dst(%dma_wait3A_205 : memref<640x64xf32, #tpu.memory_space<vmem_shared>>)
      tpu.yield
    }) : () -> ()
    %barrier3A_105 = arith.constant 0 : index
    tpu.barrier barrier_id(%barrier3A_105)
    %dma_start3A_106 = arith.constant 0 : i32
    %dma_start3A_107 = tpu.memref_slice %arg5[%dma_start3A_106] : memref<20000xi32, #tpu.memory_space<vmem>> -> memref<128xi32, #tpu.memory_space<vmem>>
    %dma_start3A_108 = arith.constant 0 : i32
    %dma_start3A_109 = arith.constant 0 : i32
    %dma_start3A_110 = tpu.memref_slice %arg2[%add3A_100, %dma_start3A_108, %dma_start3A_109] : memref<4x10240x64xf32, #tpu.memory_space<hbm>> -> memref<1x10240x64xf32, #tpu.memory_space<hbm>>
    %dma_start3A_111 = tpu.memref_squeeze %dma_start3A_110 : memref<1x10240x64xf32, #tpu.memory_space<hbm>> -> memref<10240x64xf32, #tpu.memory_space<hbm>>
    %dma_start3A_112 = arith.constant 0 : i32
    %dma_start3A_113 = arith.constant 0 : i32
    %dma_start3A_114 = tpu.memref_slice %dma_start3A_111[%dma_start3A_112, %dma_start3A_113] : memref<10240x64xf32, #tpu.memory_space<hbm>> -> memref<10240x64xf32, #tpu.memory_space<hbm>>
    tpu.enqueue_indirect_dma source(%dma_start3A_114 : memref<10240x64xf32, #tpu.memory_space<hbm>>) target(%arg7 : memref<128x64xf32, #tpu.memory_space<vmem>>) offsets(%dma_start3A_107 : memref<128xi32, #tpu.memory_space<vmem>>) semaphore(%arg13 : memref<!tpu.dma_semaphore, #tpu.memory_space<semaphore_mem>>)
    %dma_start3A_115 = arith.constant 128 : i32
    %dma_start3A_116 = tpu.memref_slice %arg5[%dma_start3A_115] : memref<20000xi32, #tpu.memory_space<vmem>> -> memref<128xi32, #tpu.memory_space<vmem>>
    %dma_start3A_117 = arith.constant 0 : i32
    %dma_start3A_118 = arith.constant 0 : i32
    %dma_start3A_119 = tpu.memref_slice %arg2[%add3A_100, %dma_start3A_117, %dma_start3A_118] : memref<4x10240x64xf32, #tpu.memory_space<hbm>> -> memref<1x10240x64xf32, #tpu.memory_space<hbm>>
    %dma_start3A_120 = tpu.memref_squeeze %dma_start3A_119 : memref<1x10240x64xf32, #tpu.memory_space<hbm>> -> memref<10240x64xf32, #tpu.memory_space<hbm>>
    %dma_start3A_121 = arith.constant 0 : i32
    %dma_start3A_122 = arith.constant 0 : i32
    %dma_start3A_123 = tpu.memref_slice %dma_start3A_120[%dma_start3A_121, %dma_start3A_122] : memref<10240x64xf32, #tpu.memory_space<hbm>> -> memref<10240x64xf32, #tpu.memory_space<hbm>>
    tpu.enqueue_indirect_dma source(%dma_start3A_123 : memref<10240x64xf32, #tpu.memory_space<hbm>>) target(%arg8 : memref<128x64xf32, #tpu.memory_space<vmem>>) offsets(%dma_start3A_116 : memref<128xi32, #tpu.memory_space<vmem>>) semaphore(%arg14 : memref<!tpu.dma_semaphore, #tpu.memory_space<semaphore_mem>>)
    %dma_start3A_124 = arith.constant 256 : i32
    %dma_start3A_125 = tpu.memref_slice %arg5[%dma_start3A_124] : memref<20000xi32, #tpu.memory_space<vmem>> -> memref<128xi32, #tpu.memory_space<vmem>>
    %dma_start3A_126 = arith.constant 0 : i32
    %dma_start3A_127 = arith.constant 0 : i32
    %dma_start3A_128 = tpu.memref_slice %arg2[%add3A_100, %dma_start3A_126, %dma_start3A_127] : memref<4x10240x64xf32, #tpu.memory_space<hbm>> -> memref<1x10240x64xf32, #tpu.memory_space<hbm>>
    %dma_start3A_129 = tpu.memref_squeeze %dma_start3A_128 : memref<1x10240x64xf32, #tpu.memory_space<hbm>> -> memref<10240x64xf32, #tpu.memory_space<hbm>>
    %dma_start3A_130 = arith.constant 0 : i32
    %dma_start3A_131 = arith.constant 0 : i32
    %dma_start3A_132 = tpu.memref_slice %dma_start3A_129[%dma_start3A_130, %dma_start3A_131] : memref<10240x64xf32, #tpu.memory_space<hbm>> -> memref<10240x64xf32, #tpu.memory_space<hbm>>
    tpu.enqueue_indirect_dma source(%dma_start3A_132 : memref<10240x64xf32, #tpu.memory_space<hbm>>) target(%arg9 : memref<128x64xf32, #tpu.memory_space<vmem>>) offsets(%dma_start3A_125 : memref<128xi32, #tpu.memory_space<vmem>>) semaphore(%arg15 : memref<!tpu.dma_semaphore, #tpu.memory_space<semaphore_mem>>)
    %dma_start3A_133 = arith.constant 384 : i32
    %dma_start3A_134 = tpu.memref_slice %arg5[%dma_start3A_133] : memref<20000xi32, #tpu.memory_space<vmem>> -> memref<128xi32, #tpu.memory_space<vmem>>
    %dma_start3A_135 = arith.constant 0 : i32
    %dma_start3A_136 = arith.constant 0 : i32
    %dma_start3A_137 = tpu.memref_slice %arg2[%add3A_100, %dma_start3A_135, %dma_start3A_136] : memref<4x10240x64xf32, #tpu.memory_space<hbm>> -> memref<1x10240x64xf32, #tpu.memory_space<hbm>>
    %dma_start3A_138 = tpu.memref_squeeze %dma_start3A_137 : memref<1x10240x64xf32, #tpu.memory_space<hbm>> -> memref<10240x64xf32, #tpu.memory_space<hbm>>
    %dma_start3A_139 = arith.constant 0 : i32
    %dma_start3A_140 = arith.constant 0 : i32
    %dma_start3A_141 = tpu.memref_slice %dma_start3A_138[%dma_start3A_139, %dma_start3A_140] : memref<10240x64xf32, #tpu.memory_space<hbm>> -> memref<10240x64xf32, #tpu.memory_space<hbm>>
    tpu.enqueue_indirect_dma source(%dma_start3A_141 : memref<10240x64xf32, #tpu.memory_space<hbm>>) target(%arg10 : memref<128x64xf32, #tpu.memory_space<vmem>>) offsets(%dma_start3A_134 : memref<128xi32, #tpu.memory_space<vmem>>) semaphore(%arg16 : memref<!tpu.dma_semaphore, #tpu.memory_space<semaphore_mem>>)
    %dma_start3A_142 = arith.constant 512 : i32
    %dma_start3A_143 = tpu.memref_slice %arg5[%dma_start3A_142] : memref<20000xi32, #tpu.memory_space<vmem>> -> memref<128xi32, #tpu.memory_space<vmem>>
    %dma_start3A_144 = arith.constant 0 : i32
    %dma_start3A_145 = arith.constant 0 : i32
    %dma_start3A_146 = tpu.memref_slice %arg2[%add3A_100, %dma_start3A_144, %dma_start3A_145] : memref<4x10240x64xf32, #tpu.memory_space<hbm>> -> memref<1x10240x64xf32, #tpu.memory_space<hbm>>
    %dma_start3A_147 = tpu.memref_squeeze %dma_start3A_146 : memref<1x10240x64xf32, #tpu.memory_space<hbm>> -> memref<10240x64xf32, #tpu.memory_space<hbm>>
    %dma_start3A_148 = arith.constant 0 : i32
    %dma_start3A_149 = arith.constant 0 : i32
    %dma_start3A_150 = tpu.memref_slice %dma_start3A_147[%dma_start3A_148, %dma_start3A_149] : memref<10240x64xf32, #tpu.memory_space<hbm>> -> memref<10240x64xf32, #tpu.memory_space<hbm>>
    tpu.enqueue_indirect_dma source(%dma_start3A_150 : memref<10240x64xf32, #tpu.memory_space<hbm>>) target(%arg11 : memref<128x64xf32, #tpu.memory_space<vmem>>) offsets(%dma_start3A_143 : memref<128xi32, #tpu.memory_space<vmem>>) semaphore(%arg17 : memref<!tpu.dma_semaphore, #tpu.memory_space<semaphore_mem>>)
    %dma_start3A_151 = arith.constant 640 : i32
    %dma_start3A_152 = tpu.memref_slice %arg5[%dma_start3A_151] : memref<20000xi32, #tpu.memory_space<vmem>> -> memref<128xi32, #tpu.memory_space<vmem>>
    %dma_start3A_153 = arith.constant 0 : i32
    %dma_start3A_154 = arith.constant 0 : i32
    %dma_start3A_155 = tpu.memref_slice %arg2[%add3A_100, %dma_start3A_153, %dma_start3A_154] : memref<4x10240x64xf32, #tpu.memory_space<hbm>> -> memref<1x10240x64xf32, #tpu.memory_space<hbm>>
    %dma_start3A_156 = tpu.memref_squeeze %dma_start3A_155 : memref<1x10240x64xf32, #tpu.memory_space<hbm>> -> memref<10240x64xf32, #tpu.memory_space<hbm>>
    %dma_start3A_157 = arith.constant 0 : i32
    %dma_start3A_158 = arith.constant 0 : i32
    %dma_start3A_159 = tpu.memref_slice %dma_start3A_156[%dma_start3A_157, %dma_start3A_158] : memref<10240x64xf32, #tpu.memory_space<hbm>> -> memref<10240x64xf32, #tpu.memory_space<hbm>>
    tpu.enqueue_indirect_dma source(%dma_start3A_159 : memref<10240x64xf32, #tpu.memory_space<hbm>>) target(%arg12 : memref<128x64xf32, #tpu.memory_space<vmem>>) offsets(%dma_start3A_152 : memref<128xi32, #tpu.memory_space<vmem>>) semaphore(%arg18 : memref<!tpu.dma_semaphore, #tpu.memory_space<semaphore_mem>>)
    %scan3A_160 = arith.constant 0 : i32
    %scan3A_161 = arith.constant 0 : i32
    %scan3A_162 = arith.constant 26 : i32
    %scan3A_163 = arith.addi %scan3A_161, %scan3A_162 : i32
    %scan3A_164 = arith.constant 1 : i32
    scf.for %scan3A_195 = %scan3A_161 to %scan3A_163 step %scan3A_164  : i32 {
      %mul3A_196 = arith.constant 6 : i32
      %mul3A_197 = arith.muli %scan3A_195, %mul3A_196 : i32
      %add3A_198 = arith.constant 0 : i32
      %add3A_199 = arith.addi %mul3A_197, %add3A_198 : i32
      %mul3A_200 = arith.constant 128 : i32
      %mul3A_201 = arith.muli %add3A_199, %mul3A_200 : i32
      %dma_wait3A_202 = tpu.memref_slice %arg5[%mul3A_201] : memref<20000xi32, #tpu.memory_space<vmem>> -> memref<128xi32, #tpu.memory_space<vmem>>
      %dma_wait3A_203 = arith.constant 0 : i32
      %dma_wait3A_204 = arith.constant 0 : i32
      %dma_wait3A_205 = tpu.memref_slice %arg2[%add3A_100, %dma_wait3A_203, %dma_wait3A_204] : memref<4x10240x64xf32, #tpu.memory_space<hbm>> -> memref<1x10240x64xf32, #tpu.memory_space<hbm>>
      %dma_wait3A_206 = tpu.memref_squeeze %dma_wait3A_205 : memref<1x10240x64xf32, #tpu.memory_space<hbm>> -> memref<10240x64xf32, #tpu.memory_space<hbm>>
      %dma_wait3A_207 = arith.constant 0 : i32
      %dma_wait3A_208 = arith.constant 0 : i32
      %dma_wait3A_209 = tpu.memref_slice %dma_wait3A_206[%dma_wait3A_207, %dma_wait3A_208] : memref<10240x64xf32, #tpu.memory_space<hbm>> -> memref<10240x64xf32, #tpu.memory_space<hbm>>
      tpu.wait_indirect_dma semaphore(%arg13 : memref<!tpu.dma_semaphore, #tpu.memory_space<semaphore_mem>>) src(%dma_wait3A_209 : memref<10240x64xf32, #tpu.memory_space<hbm>>) dst(%arg7 : memref<128x64xf32, #tpu.memory_space<vmem>>)
      %mul3A_210 = arith.constant 128 : i32
      %mul3A_211 = arith.muli %add3A_199, %mul3A_210 : i32
      "tpu.region"() ({
        %run_scoped3A_331 = tpu.sem_alloc : memref<!tpu.dma_semaphore, #tpu.memory_space<semaphore_mem>>
        %dma_start3A_332 = tpu.memref_slice %arg6[%mul3A_211] : memref<20000xi32, #tpu.memory_space<vmem>> -> memref<128xi32, #tpu.memory_space<vmem>>
        %dma_start3A_333 = arith.constant 0 : i32
        %dma_start3A_334 = arith.constant 0 : i32
        %dma_start3A_335 = tpu.memref_slice %arg19[%dma_start3A_333, %dma_start3A_334] : memref<10240x64xf32, #tpu.memory_space<vmem_shared>> -> memref<10240x64xf32, #tpu.memory_space<vmem_shared>>
        tpu.enqueue_indirect_dma source(%arg7 : memref<128x64xf32, #tpu.memory_space<vmem>>) target(%dma_start3A_335 : memref<10240x64xf32, #tpu.memory_space<vmem_shared>>) offsets(%dma_start3A_332 : memref<128xi32, #tpu.memory_space<vmem>>) semaphore(%run_scoped3A_331 : memref<!tpu.dma_semaphore, #tpu.memory_space<semaphore_mem>>) {add = true}
        %dma_wait3A_336 = tpu.memref_slice %arg6[%mul3A_211] : memref<20000xi32, #tpu.memory_space<vmem>> -> memref<128xi32, #tpu.memory_space<vmem>>
        %dma_wait3A_337 = arith.constant 0 : i32
        %dma_wait3A_338 = arith.constant 0 : i32
        %dma_wait3A_339 = tpu.memref_slice %arg19[%dma_wait3A_337, %dma_wait3A_338] : memref<10240x64xf32, #tpu.memory_space<vmem_shared>> -> memref<10240x64xf32, #tpu.memory_space<vmem_shared>>
        tpu.wait_indirect_dma semaphore(%run_scoped3A_331 : memref<!tpu.dma_semaphore, #tpu.memory_space<semaphore_mem>>) src(%arg7 : memref<128x64xf32, #tpu.memory_space<vmem>>) dst(%dma_wait3A_339 : memref<10240x64xf32, #tpu.memory_space<vmem_shared>>)
        tpu.yield
      }) : () -> ()
      %add3A_212 = arith.constant 1 : i32
      %add3A_213 = arith.addi %scan3A_195, %add3A_212 : i32
      %lt3A = arith.constant 26 : i32
      %lt3A_214 = arith.cmpi slt, %add3A_213, %lt3A : i32
      %convert_element_type3A = arith.extui %lt3A_214 : i1 to i32
      %cond3A = arith.constant 0 : i32
      %cond3A_215 = arith.cmpi ne, %convert_element_type3A, %cond3A : i32
      scf.if %cond3A_215 {
        %add3A_331 = arith.constant 6 : i32
        %add3A_332 = arith.addi %add3A_199, %add3A_331 : i32
        %mul3A_333 = arith.constant 128 : i32
        %mul3A_334 = arith.muli %add3A_332, %mul3A_333 : i32
        %dma_start3A_335 = tpu.memref_slice %arg5[%mul3A_334] : memref<20000xi32, #tpu.memory_space<vmem>> -> memref<128xi32, #tpu.memory_space<vmem>>
        %dma_start3A_336 = arith.constant 0 : i32
        %dma_start3A_337 = arith.constant 0 : i32
        %dma_start3A_338 = tpu.memref_slice %arg2[%add3A_100, %dma_start3A_336, %dma_start3A_337] : memref<4x10240x64xf32, #tpu.memory_space<hbm>> -> memref<1x10240x64xf32, #tpu.memory_space<hbm>>
        %dma_start3A_339 = tpu.memref_squeeze %dma_start3A_338 : memref<1x10240x64xf32, #tpu.memory_space<hbm>> -> memref<10240x64xf32, #tpu.memory_space<hbm>>
        %dma_start3A_340 = arith.constant 0 : i32
        %dma_start3A_341 = arith.constant 0 : i32
        %dma_start3A_342 = tpu.memref_slice %dma_start3A_339[%dma_start3A_340, %dma_start3A_341] : memref<10240x64xf32, #tpu.memory_space<hbm>> -> memref<10240x64xf32, #tpu.memory_space<hbm>>
        tpu.enqueue_indirect_dma source(%dma_start3A_342 : memref<10240x64xf32, #tpu.memory_space<hbm>>) target(%arg7 : memref<128x64xf32, #tpu.memory_space<vmem>>) offsets(%dma_start3A_335 : memref<128xi32, #tpu.memory_space<vmem>>) semaphore(%arg13 : memref<!tpu.dma_semaphore, #tpu.memory_space<semaphore_mem>>)
      } else {
      }
      %mul3A_216 = arith.constant 6 : i32
      %mul3A_217 = arith.muli %scan3A_195, %mul3A_216 : i32
      %add3A_218 = arith.constant 1 : i32
      %add3A_219 = arith.addi %mul3A_217, %add3A_218 : i32
      %mul3A_220 = arith.constant 128 : i32
      %mul3A_221 = arith.muli %add3A_219, %mul3A_220 : i32
      %dma_wait3A_222 = tpu.memref_slice %arg5[%mul3A_221] : memref<20000xi32, #tpu.memory_space<vmem>> -> memref<128xi32, #tpu.memory_space<vmem>>
      %dma_wait3A_223 = arith.constant 0 : i32
      %dma_wait3A_224 = arith.constant 0 : i32
      %dma_wait3A_225 = tpu.memref_slice %arg2[%add3A_100, %dma_wait3A_223, %dma_wait3A_224] : memref<4x10240x64xf32, #tpu.memory_space<hbm>> -> memref<1x10240x64xf32, #tpu.memory_space<hbm>>
      %dma_wait3A_226 = tpu.memref_squeeze %dma_wait3A_225 : memref<1x10240x64xf32, #tpu.memory_space<hbm>> -> memref<10240x64xf32, #tpu.memory_space<hbm>>
      %dma_wait3A_227 = arith.constant 0 : i32
      %dma_wait3A_228 = arith.constant 0 : i32
      %dma_wait3A_229 = tpu.memref_slice %dma_wait3A_226[%dma_wait3A_227, %dma_wait3A_228] : memref<10240x64xf32, #tpu.memory_space<hbm>> -> memref<10240x64xf32, #tpu.memory_space<hbm>>
      tpu.wait_indirect_dma semaphore(%arg14 : memref<!tpu.dma_semaphore, #tpu.memory_space<semaphore_mem>>) src(%dma_wait3A_229 : memref<10240x64xf32, #tpu.memory_space<hbm>>) dst(%arg8 : memref<128x64xf32, #tpu.memory_space<vmem>>)
      %mul3A_230 = arith.constant 128 : i32
      %mul3A_231 = arith.muli %add3A_219, %mul3A_230 : i32
      "tpu.region"() ({
        %run_scoped3A_331 = tpu.sem_alloc : memref<!tpu.dma_semaphore, #tpu.memory_space<semaphore_mem>>
        %dma_start3A_332 = tpu.memref_slice %arg6[%mul3A_231] : memref<20000xi32, #tpu.memory_space<vmem>> -> memref<128xi32, #tpu.memory_space<vmem>>
        %dma_start3A_333 = arith.constant 0 : i32
        %dma_start3A_334 = arith.constant 0 : i32
        %dma_start3A_335 = tpu.memref_slice %arg19[%dma_start3A_333, %dma_start3A_334] : memref<10240x64xf32, #tpu.memory_space<vmem_shared>> -> memref<10240x64xf32, #tpu.memory_space<vmem_shared>>
        tpu.enqueue_indirect_dma source(%arg8 : memref<128x64xf32, #tpu.memory_space<vmem>>) target(%dma_start3A_335 : memref<10240x64xf32, #tpu.memory_space<vmem_shared>>) offsets(%dma_start3A_332 : memref<128xi32, #tpu.memory_space<vmem>>) semaphore(%run_scoped3A_331 : memref<!tpu.dma_semaphore, #tpu.memory_space<semaphore_mem>>) {add = true}
        %dma_wait3A_336 = tpu.memref_slice %arg6[%mul3A_231] : memref<20000xi32, #tpu.memory_space<vmem>> -> memref<128xi32, #tpu.memory_space<vmem>>
        %dma_wait3A_337 = arith.constant 0 : i32
        %dma_wait3A_338 = arith.constant 0 : i32
        %dma_wait3A_339 = tpu.memref_slice %arg19[%dma_wait3A_337, %dma_wait3A_338] : memref<10240x64xf32, #tpu.memory_space<vmem_shared>> -> memref<10240x64xf32, #tpu.memory_space<vmem_shared>>
        tpu.wait_indirect_dma semaphore(%run_scoped3A_331 : memref<!tpu.dma_semaphore, #tpu.memory_space<semaphore_mem>>) src(%arg8 : memref<128x64xf32, #tpu.memory_space<vmem>>) dst(%dma_wait3A_339 : memref<10240x64xf32, #tpu.memory_space<vmem_shared>>)
        tpu.yield
      }) : () -> ()
      %add3A_232 = arith.constant 1 : i32
      %add3A_233 = arith.addi %scan3A_195, %add3A_232 : i32
      %lt3A_234 = arith.constant 26 : i32
      %lt3A_235 = arith.cmpi slt, %add3A_233, %lt3A_234 : i32
      %convert_element_type3A_236 = arith.extui %lt3A_235 : i1 to i32
      %cond3A_237 = arith.constant 0 : i32
      %cond3A_238 = arith.cmpi ne, %convert_element_type3A_236, %cond3A_237 : i32
      scf.if %cond3A_238 {
        %add3A_331 = arith.constant 6 : i32
        %add3A_332 = arith.addi %add3A_219, %add3A_331 : i32
        %mul3A_333 = arith.constant 128 : i32
        %mul3A_334 = arith.muli %add3A_332, %mul3A_333 : i32
        %dma_start3A_335 = tpu.memref_slice %arg5[%mul3A_334] : memref<20000xi32, #tpu.memory_space<vmem>> -> memref<128xi32, #tpu.memory_space<vmem>>
        %dma_start3A_336 = arith.constant 0 : i32
        %dma_start3A_337 = arith.constant 0 : i32
        %dma_start3A_338 = tpu.memref_slice %arg2[%add3A_100, %dma_start3A_336, %dma_start3A_337] : memref<4x10240x64xf32, #tpu.memory_space<hbm>> -> memref<1x10240x64xf32, #tpu.memory_space<hbm>>
        %dma_start3A_339 = tpu.memref_squeeze %dma_start3A_338 : memref<1x10240x64xf32, #tpu.memory_space<hbm>> -> memref<10240x64xf32, #tpu.memory_space<hbm>>
        %dma_start3A_340 = arith.constant 0 : i32
        %dma_start3A_341 = arith.constant 0 : i32
        %dma_start3A_342 = tpu.memref_slice %dma_start3A_339[%dma_start3A_340, %dma_start3A_341] : memref<10240x64xf32, #tpu.memory_space<hbm>> -> memref<10240x64xf32, #tpu.memory_space<hbm>>
        tpu.enqueue_indirect_dma source(%dma_start3A_342 : memref<10240x64xf32, #tpu.memory_space<hbm>>) target(%arg8 : memref<128x64xf32, #tpu.memory_space<vmem>>) offsets(%dma_start3A_335 : memref<128xi32, #tpu.memory_space<vmem>>) semaphore(%arg14 : memref<!tpu.dma_semaphore, #tpu.memory_space<semaphore_mem>>)
      } else {
      }
      %mul3A_239 = arith.constant 6 : i32
      %mul3A_240 = arith.muli %scan3A_195, %mul3A_239 : i32
      %add3A_241 = arith.constant 2 : i32
      %add3A_242 = arith.addi %mul3A_240, %add3A_241 : i32
      %mul3A_243 = arith.constant 128 : i32
      %mul3A_244 = arith.muli %add3A_242, %mul3A_243 : i32
      %dma_wait3A_245 = tpu.memref_slice %arg5[%mul3A_244] : memref<20000xi32, #tpu.memory_space<vmem>> -> memref<128xi32, #tpu.memory_space<vmem>>
      %dma_wait3A_246 = arith.constant 0 : i32
      %dma_wait3A_247 = arith.constant 0 : i32
      %dma_wait3A_248 = tpu.memref_slice %arg2[%add3A_100, %dma_wait3A_246, %dma_wait3A_247] : memref<4x10240x64xf32, #tpu.memory_space<hbm>> -> memref<1x10240x64xf32, #tpu.memory_space<hbm>>
      %dma_wait3A_249 = tpu.memref_squeeze %dma_wait3A_248 : memref<1x10240x64xf32, #tpu.memory_space<hbm>> -> memref<10240x64xf32, #tpu.memory_space<hbm>>
      %dma_wait3A_250 = arith.constant 0 : i32
      %dma_wait3A_251 = arith.constant 0 : i32
      %dma_wait3A_252 = tpu.memref_slice %dma_wait3A_249[%dma_wait3A_250, %dma_wait3A_251] : memref<10240x64xf32, #tpu.memory_space<hbm>> -> memref<10240x64xf32, #tpu.memory_space<hbm>>
      tpu.wait_indirect_dma semaphore(%arg15 : memref<!tpu.dma_semaphore, #tpu.memory_space<semaphore_mem>>) src(%dma_wait3A_252 : memref<10240x64xf32, #tpu.memory_space<hbm>>) dst(%arg9 : memref<128x64xf32, #tpu.memory_space<vmem>>)
      %mul3A_253 = arith.constant 128 : i32
      %mul3A_254 = arith.muli %add3A_242, %mul3A_253 : i32
      "tpu.region"() ({
        %run_scoped3A_331 = tpu.sem_alloc : memref<!tpu.dma_semaphore, #tpu.memory_space<semaphore_mem>>
        %dma_start3A_332 = tpu.memref_slice %arg6[%mul3A_254] : memref<20000xi32, #tpu.memory_space<vmem>> -> memref<128xi32, #tpu.memory_space<vmem>>
        %dma_start3A_333 = arith.constant 0 : i32
        %dma_start3A_334 = arith.constant 0 : i32
        %dma_start3A_335 = tpu.memref_slice %arg19[%dma_start3A_333, %dma_start3A_334] : memref<10240x64xf32, #tpu.memory_space<vmem_shared>> -> memref<10240x64xf32, #tpu.memory_space<vmem_shared>>
        tpu.enqueue_indirect_dma source(%arg9 : memref<128x64xf32, #tpu.memory_space<vmem>>) target(%dma_start3A_335 : memref<10240x64xf32, #tpu.memory_space<vmem_shared>>) offsets(%dma_start3A_332 : memref<128xi32, #tpu.memory_space<vmem>>) semaphore(%run_scoped3A_331 : memref<!tpu.dma_semaphore, #tpu.memory_space<semaphore_mem>>) {add = true}
        %dma_wait3A_336 = tpu.memref_slice %arg6[%mul3A_254] : memref<20000xi32, #tpu.memory_space<vmem>> -> memref<128xi32, #tpu.memory_space<vmem>>
        %dma_wait3A_337 = arith.constant 0 : i32
        %dma_wait3A_338 = arith.constant 0 : i32
        %dma_wait3A_339 = tpu.memref_slice %arg19[%dma_wait3A_337, %dma_wait3A_338] : memref<10240x64xf32, #tpu.memory_space<vmem_shared>> -> memref<10240x64xf32, #tpu.memory_space<vmem_shared>>
        tpu.wait_indirect_dma semaphore(%run_scoped3A_331 : memref<!tpu.dma_semaphore, #tpu.memory_space<semaphore_mem>>) src(%arg9 : memref<128x64xf32, #tpu.memory_space<vmem>>) dst(%dma_wait3A_339 : memref<10240x64xf32, #tpu.memory_space<vmem_shared>>)
        tpu.yield
      }) : () -> ()
      %add3A_255 = arith.constant 1 : i32
      %add3A_256 = arith.addi %scan3A_195, %add3A_255 : i32
      %lt3A_257 = arith.constant 26 : i32
      %lt3A_258 = arith.cmpi slt, %add3A_256, %lt3A_257 : i32
      %convert_element_type3A_259 = arith.extui %lt3A_258 : i1 to i32
      %cond3A_260 = arith.constant 0 : i32
      %cond3A_261 = arith.cmpi ne, %convert_element_type3A_259, %cond3A_260 : i32
      scf.if %cond3A_261 {
        %add3A_331 = arith.constant 6 : i32
        %add3A_332 = arith.addi %add3A_242, %add3A_331 : i32
        %mul3A_333 = arith.constant 128 : i32
        %mul3A_334 = arith.muli %add3A_332, %mul3A_333 : i32
        %dma_start3A_335 = tpu.memref_slice %arg5[%mul3A_334] : memref<20000xi32, #tpu.memory_space<vmem>> -> memref<128xi32, #tpu.memory_space<vmem>>
        %dma_start3A_336 = arith.constant 0 : i32
        %dma_start3A_337 = arith.constant 0 : i32
        %dma_start3A_338 = tpu.memref_slice %arg2[%add3A_100, %dma_start3A_336, %dma_start3A_337] : memref<4x10240x64xf32, #tpu.memory_space<hbm>> -> memref<1x10240x64xf32, #tpu.memory_space<hbm>>
        %dma_start3A_339 = tpu.memref_squeeze %dma_start3A_338 : memref<1x10240x64xf32, #tpu.memory_space<hbm>> -> memref<10240x64xf32, #tpu.memory_space<hbm>>
        %dma_start3A_340 = arith.constant 0 : i32
        %dma_start3A_341 = arith.constant 0 : i32
        %dma_start3A_342 = tpu.memref_slice %dma_start3A_339[%dma_start3A_340, %dma_start3A_341] : memref<10240x64xf32, #tpu.memory_space<hbm>> -> memref<10240x64xf32, #tpu.memory_space<hbm>>
        tpu.enqueue_indirect_dma source(%dma_start3A_342 : memref<10240x64xf32, #tpu.memory_space<hbm>>) target(%arg9 : memref<128x64xf32, #tpu.memory_space<vmem>>) offsets(%dma_start3A_335 : memref<128xi32, #tpu.memory_space<vmem>>) semaphore(%arg15 : memref<!tpu.dma_semaphore, #tpu.memory_space<semaphore_mem>>)
      } else {
      }
      %mul3A_262 = arith.constant 6 : i32
      %mul3A_263 = arith.muli %scan3A_195, %mul3A_262 : i32
      %add3A_264 = arith.constant 3 : i32
      %add3A_265 = arith.addi %mul3A_263, %add3A_264 : i32
      %mul3A_266 = arith.constant 128 : i32
      %mul3A_267 = arith.muli %add3A_265, %mul3A_266 : i32
      %dma_wait3A_268 = tpu.memref_slice %arg5[%mul3A_267] : memref<20000xi32, #tpu.memory_space<vmem>> -> memref<128xi32, #tpu.memory_space<vmem>>
      %dma_wait3A_269 = arith.constant 0 : i32
      %dma_wait3A_270 = arith.constant 0 : i32
      %dma_wait3A_271 = tpu.memref_slice %arg2[%add3A_100, %dma_wait3A_269, %dma_wait3A_270] : memref<4x10240x64xf32, #tpu.memory_space<hbm>> -> memref<1x10240x64xf32, #tpu.memory_space<hbm>>
      %dma_wait3A_272 = tpu.memref_squeeze %dma_wait3A_271 : memref<1x10240x64xf32, #tpu.memory_space<hbm>> -> memref<10240x64xf32, #tpu.memory_space<hbm>>
      %dma_wait3A_273 = arith.constant 0 : i32
      %dma_wait3A_274 = arith.constant 0 : i32
      %dma_wait3A_275 = tpu.memref_slice %dma_wait3A_272[%dma_wait3A_273, %dma_wait3A_274] : memref<10240x64xf32, #tpu.memory_space<hbm>> -> memref<10240x64xf32, #tpu.memory_space<hbm>>
      tpu.wait_indirect_dma semaphore(%arg16 : memref<!tpu.dma_semaphore, #tpu.memory_space<semaphore_mem>>) src(%dma_wait3A_275 : memref<10240x64xf32, #tpu.memory_space<hbm>>) dst(%arg10 : memref<128x64xf32, #tpu.memory_space<vmem>>)
      %mul3A_276 = arith.constant 128 : i32
      %mul3A_277 = arith.muli %add3A_265, %mul3A_276 : i32
      "tpu.region"() ({
        %run_scoped3A_331 = tpu.sem_alloc : memref<!tpu.dma_semaphore, #tpu.memory_space<semaphore_mem>>
        %dma_start3A_332 = tpu.memref_slice %arg6[%mul3A_277] : memref<20000xi32, #tpu.memory_space<vmem>> -> memref<128xi32, #tpu.memory_space<vmem>>
        %dma_start3A_333 = arith.constant 0 : i32
        %dma_start3A_334 = arith.constant 0 : i32
        %dma_start3A_335 = tpu.memref_slice %arg19[%dma_start3A_333, %dma_start3A_334] : memref<10240x64xf32, #tpu.memory_space<vmem_shared>> -> memref<10240x64xf32, #tpu.memory_space<vmem_shared>>
        tpu.enqueue_indirect_dma source(%arg10 : memref<128x64xf32, #tpu.memory_space<vmem>>) target(%dma_start3A_335 : memref<10240x64xf32, #tpu.memory_space<vmem_shared>>) offsets(%dma_start3A_332 : memref<128xi32, #tpu.memory_space<vmem>>) semaphore(%run_scoped3A_331 : memref<!tpu.dma_semaphore, #tpu.memory_space<semaphore_mem>>) {add = true}
        %dma_wait3A_336 = tpu.memref_slice %arg6[%mul3A_277] : memref<20000xi32, #tpu.memory_space<vmem>> -> memref<128xi32, #tpu.memory_space<vmem>>
        %dma_wait3A_337 = arith.constant 0 : i32
        %dma_wait3A_338 = arith.constant 0 : i32
        %dma_wait3A_339 = tpu.memref_slice %arg19[%dma_wait3A_337, %dma_wait3A_338] : memref<10240x64xf32, #tpu.memory_space<vmem_shared>> -> memref<10240x64xf32, #tpu.memory_space<vmem_shared>>
        tpu.wait_indirect_dma semaphore(%run_scoped3A_331 : memref<!tpu.dma_semaphore, #tpu.memory_space<semaphore_mem>>) src(%arg10 : memref<128x64xf32, #tpu.memory_space<vmem>>) dst(%dma_wait3A_339 : memref<10240x64xf32, #tpu.memory_space<vmem_shared>>)
        tpu.yield
      }) : () -> ()
      %add3A_278 = arith.constant 1 : i32
      %add3A_279 = arith.addi %scan3A_195, %add3A_278 : i32
      %lt3A_280 = arith.constant 26 : i32
      %lt3A_281 = arith.cmpi slt, %add3A_279, %lt3A_280 : i32
      %convert_element_type3A_282 = arith.extui %lt3A_281 : i1 to i32
      %cond3A_283 = arith.constant 0 : i32
      %cond3A_284 = arith.cmpi ne, %convert_element_type3A_282, %cond3A_283 : i32
      scf.if %cond3A_284 {
        %add3A_331 = arith.constant 6 : i32
        %add3A_332 = arith.addi %add3A_265, %add3A_331 : i32
        %mul3A_333 = arith.constant 128 : i32
        %mul3A_334 = arith.muli %add3A_332, %mul3A_333 : i32
        %dma_start3A_335 = tpu.memref_slice %arg5[%mul3A_334] : memref<20000xi32, #tpu.memory_space<vmem>> -> memref<128xi32, #tpu.memory_space<vmem>>
        %dma_start3A_336 = arith.constant 0 : i32
        %dma_start3A_337 = arith.constant 0 : i32
        %dma_start3A_338 = tpu.memref_slice %arg2[%add3A_100, %dma_start3A_336, %dma_start3A_337] : memref<4x10240x64xf32, #tpu.memory_space<hbm>> -> memref<1x10240x64xf32, #tpu.memory_space<hbm>>
        %dma_start3A_339 = tpu.memref_squeeze %dma_start3A_338 : memref<1x10240x64xf32, #tpu.memory_space<hbm>> -> memref<10240x64xf32, #tpu.memory_space<hbm>>
        %dma_start3A_340 = arith.constant 0 : i32
        %dma_start3A_341 = arith.constant 0 : i32
        %dma_start3A_342 = tpu.memref_slice %dma_start3A_339[%dma_start3A_340, %dma_start3A_341] : memref<10240x64xf32, #tpu.memory_space<hbm>> -> memref<10240x64xf32, #tpu.memory_space<hbm>>
        tpu.enqueue_indirect_dma source(%dma_start3A_342 : memref<10240x64xf32, #tpu.memory_space<hbm>>) target(%arg10 : memref<128x64xf32, #tpu.memory_space<vmem>>) offsets(%dma_start3A_335 : memref<128xi32, #tpu.memory_space<vmem>>) semaphore(%arg16 : memref<!tpu.dma_semaphore, #tpu.memory_space<semaphore_mem>>)
      } else {
      }
      %mul3A_285 = arith.constant 6 : i32
      %mul3A_286 = arith.muli %scan3A_195, %mul3A_285 : i32
      %add3A_287 = arith.constant 4 : i32
      %add3A_288 = arith.addi %mul3A_286, %add3A_287 : i32
      %mul3A_289 = arith.constant 128 : i32
      %mul3A_290 = arith.muli %add3A_288, %mul3A_289 : i32
      %dma_wait3A_291 = tpu.memref_slice %arg5[%mul3A_290] : memref<20000xi32, #tpu.memory_space<vmem>> -> memref<128xi32, #tpu.memory_space<vmem>>
      %dma_wait3A_292 = arith.constant 0 : i32
      %dma_wait3A_293 = arith.constant 0 : i32
      %dma_wait3A_294 = tpu.memref_slice %arg2[%add3A_100, %dma_wait3A_292, %dma_wait3A_293] : memref<4x10240x64xf32, #tpu.memory_space<hbm>> -> memref<1x10240x64xf32, #tpu.memory_space<hbm>>
      %dma_wait3A_295 = tpu.memref_squeeze %dma_wait3A_294 : memref<1x10240x64xf32, #tpu.memory_space<hbm>> -> memref<10240x64xf32, #tpu.memory_space<hbm>>
      %dma_wait3A_296 = arith.constant 0 : i32
      %dma_wait3A_297 = arith.constant 0 : i32
      %dma_wait3A_298 = tpu.memref_slice %dma_wait3A_295[%dma_wait3A_296, %dma_wait3A_297] : memref<10240x64xf32, #tpu.memory_space<hbm>> -> memref<10240x64xf32, #tpu.memory_space<hbm>>
      tpu.wait_indirect_dma semaphore(%arg17 : memref<!tpu.dma_semaphore, #tpu.memory_space<semaphore_mem>>) src(%dma_wait3A_298 : memref<10240x64xf32, #tpu.memory_space<hbm>>) dst(%arg11 : memref<128x64xf32, #tpu.memory_space<vmem>>)
      %mul3A_299 = arith.constant 128 : i32
      %mul3A_300 = arith.muli %add3A_288, %mul3A_299 : i32
      "tpu.region"() ({
        %run_scoped3A_331 = tpu.sem_alloc : memref<!tpu.dma_semaphore, #tpu.memory_space<semaphore_mem>>
        %dma_start3A_332 = tpu.memref_slice %arg6[%mul3A_300] : memref<20000xi32, #tpu.memory_space<vmem>> -> memref<128xi32, #tpu.memory_space<vmem>>
        %dma_start3A_333 = arith.constant 0 : i32
        %dma_start3A_334 = arith.constant 0 : i32
        %dma_start3A_335 = tpu.memref_slice %arg19[%dma_start3A_333, %dma_start3A_334] : memref<10240x64xf32, #tpu.memory_space<vmem_shared>> -> memref<10240x64xf32, #tpu.memory_space<vmem_shared>>
        tpu.enqueue_indirect_dma source(%arg11 : memref<128x64xf32, #tpu.memory_space<vmem>>) target(%dma_start3A_335 : memref<10240x64xf32, #tpu.memory_space<vmem_shared>>) offsets(%dma_start3A_332 : memref<128xi32, #tpu.memory_space<vmem>>) semaphore(%run_scoped3A_331 : memref<!tpu.dma_semaphore, #tpu.memory_space<semaphore_mem>>) {add = true}
        %dma_wait3A_336 = tpu.memref_slice %arg6[%mul3A_300] : memref<20000xi32, #tpu.memory_space<vmem>> -> memref<128xi32, #tpu.memory_space<vmem>>
        %dma_wait3A_337 = arith.constant 0 : i32
        %dma_wait3A_338 = arith.constant 0 : i32
        %dma_wait3A_339 = tpu.memref_slice %arg19[%dma_wait3A_337, %dma_wait3A_338] : memref<10240x64xf32, #tpu.memory_space<vmem_shared>> -> memref<10240x64xf32, #tpu.memory_space<vmem_shared>>
        tpu.wait_indirect_dma semaphore(%run_scoped3A_331 : memref<!tpu.dma_semaphore, #tpu.memory_space<semaphore_mem>>) src(%arg11 : memref<128x64xf32, #tpu.memory_space<vmem>>) dst(%dma_wait3A_339 : memref<10240x64xf32, #tpu.memory_space<vmem_shared>>)
        tpu.yield
      }) : () -> ()
      %add3A_301 = arith.constant 1 : i32
      %add3A_302 = arith.addi %scan3A_195, %add3A_301 : i32
      %lt3A_303 = arith.constant 26 : i32
      %lt3A_304 = arith.cmpi slt, %add3A_302, %lt3A_303 : i32
      %convert_element_type3A_305 = arith.extui %lt3A_304 : i1 to i32
      %cond3A_306 = arith.constant 0 : i32
      %cond3A_307 = arith.cmpi ne, %convert_element_type3A_305, %cond3A_306 : i32
      scf.if %cond3A_307 {
        %add3A_331 = arith.constant 6 : i32
        %add3A_332 = arith.addi %add3A_288, %add3A_331 : i32
        %mul3A_333 = arith.constant 128 : i32
        %mul3A_334 = arith.muli %add3A_332, %mul3A_333 : i32
        %dma_start3A_335 = tpu.memref_slice %arg5[%mul3A_334] : memref<20000xi32, #tpu.memory_space<vmem>> -> memref<128xi32, #tpu.memory_space<vmem>>
        %dma_start3A_336 = arith.constant 0 : i32
        %dma_start3A_337 = arith.constant 0 : i32
        %dma_start3A_338 = tpu.memref_slice %arg2[%add3A_100, %dma_start3A_336, %dma_start3A_337] : memref<4x10240x64xf32, #tpu.memory_space<hbm>> -> memref<1x10240x64xf32, #tpu.memory_space<hbm>>
        %dma_start3A_339 = tpu.memref_squeeze %dma_start3A_338 : memref<1x10240x64xf32, #tpu.memory_space<hbm>> -> memref<10240x64xf32, #tpu.memory_space<hbm>>
        %dma_start3A_340 = arith.constant 0 : i32
        %dma_start3A_341 = arith.constant 0 : i32
        %dma_start3A_342 = tpu.memref_slice %dma_start3A_339[%dma_start3A_340, %dma_start3A_341] : memref<10240x64xf32, #tpu.memory_space<hbm>> -> memref<10240x64xf32, #tpu.memory_space<hbm>>
        tpu.enqueue_indirect_dma source(%dma_start3A_342 : memref<10240x64xf32, #tpu.memory_space<hbm>>) target(%arg11 : memref<128x64xf32, #tpu.memory_space<vmem>>) offsets(%dma_start3A_335 : memref<128xi32, #tpu.memory_space<vmem>>) semaphore(%arg17 : memref<!tpu.dma_semaphore, #tpu.memory_space<semaphore_mem>>)
      } else {
      }
      %mul3A_308 = arith.constant 6 : i32
      %mul3A_309 = arith.muli %scan3A_195, %mul3A_308 : i32
      %add3A_310 = arith.constant 5 : i32
      %add3A_311 = arith.addi %mul3A_309, %add3A_310 : i32
      %mul3A_312 = arith.constant 128 : i32
      %mul3A_313 = arith.muli %add3A_311, %mul3A_312 : i32
      %dma_wait3A_314 = tpu.memref_slice %arg5[%mul3A_313] : memref<20000xi32, #tpu.memory_space<vmem>> -> memref<128xi32, #tpu.memory_space<vmem>>
      %dma_wait3A_315 = arith.constant 0 : i32
      %dma_wait3A_316 = arith.constant 0 : i32
      %dma_wait3A_317 = tpu.memref_slice %arg2[%add3A_100, %dma_wait3A_315, %dma_wait3A_316] : memref<4x10240x64xf32, #tpu.memory_space<hbm>> -> memref<1x10240x64xf32, #tpu.memory_space<hbm>>
      %dma_wait3A_318 = tpu.memref_squeeze %dma_wait3A_317 : memref<1x10240x64xf32, #tpu.memory_space<hbm>> -> memref<10240x64xf32, #tpu.memory_space<hbm>>
      %dma_wait3A_319 = arith.constant 0 : i32
      %dma_wait3A_320 = arith.constant 0 : i32
      %dma_wait3A_321 = tpu.memref_slice %dma_wait3A_318[%dma_wait3A_319, %dma_wait3A_320] : memref<10240x64xf32, #tpu.memory_space<hbm>> -> memref<10240x64xf32, #tpu.memory_space<hbm>>
      tpu.wait_indirect_dma semaphore(%arg18 : memref<!tpu.dma_semaphore, #tpu.memory_space<semaphore_mem>>) src(%dma_wait3A_321 : memref<10240x64xf32, #tpu.memory_space<hbm>>) dst(%arg12 : memref<128x64xf32, #tpu.memory_space<vmem>>)
      %mul3A_322 = arith.constant 128 : i32
      %mul3A_323 = arith.muli %add3A_311, %mul3A_322 : i32
      "tpu.region"() ({
        %run_scoped3A_331 = tpu.sem_alloc : memref<!tpu.dma_semaphore, #tpu.memory_space<semaphore_mem>>
        %dma_start3A_332 = tpu.memref_slice %arg6[%mul3A_323] : memref<20000xi32, #tpu.memory_space<vmem>> -> memref<128xi32, #tpu.memory_space<vmem>>
        %dma_start3A_333 = arith.constant 0 : i32
        %dma_start3A_334 = arith.constant 0 : i32
        %dma_start3A_335 = tpu.memref_slice %arg19[%dma_start3A_333, %dma_start3A_334] : memref<10240x64xf32, #tpu.memory_space<vmem_shared>> -> memref<10240x64xf32, #tpu.memory_space<vmem_shared>>
        tpu.enqueue_indirect_dma source(%arg12 : memref<128x64xf32, #tpu.memory_space<vmem>>) target(%dma_start3A_335 : memref<10240x64xf32, #tpu.memory_space<vmem_shared>>) offsets(%dma_start3A_332 : memref<128xi32, #tpu.memory_space<vmem>>) semaphore(%run_scoped3A_331 : memref<!tpu.dma_semaphore, #tpu.memory_space<semaphore_mem>>) {add = true}
        %dma_wait3A_336 = tpu.memref_slice %arg6[%mul3A_323] : memref<20000xi32, #tpu.memory_space<vmem>> -> memref<128xi32, #tpu.memory_space<vmem>>
        %dma_wait3A_337 = arith.constant 0 : i32
        %dma_wait3A_338 = arith.constant 0 : i32
        %dma_wait3A_339 = tpu.memref_slice %arg19[%dma_wait3A_337, %dma_wait3A_338] : memref<10240x64xf32, #tpu.memory_space<vmem_shared>> -> memref<10240x64xf32, #tpu.memory_space<vmem_shared>>
        tpu.wait_indirect_dma semaphore(%run_scoped3A_331 : memref<!tpu.dma_semaphore, #tpu.memory_space<semaphore_mem>>) src(%arg12 : memref<128x64xf32, #tpu.memory_space<vmem>>) dst(%dma_wait3A_339 : memref<10240x64xf32, #tpu.memory_space<vmem_shared>>)
        tpu.yield
      }) : () -> ()
      %add3A_324 = arith.constant 1 : i32
      %add3A_325 = arith.addi %scan3A_195, %add3A_324 : i32
      %lt3A_326 = arith.constant 26 : i32
      %lt3A_327 = arith.cmpi slt, %add3A_325, %lt3A_326 : i32
      %convert_element_type3A_328 = arith.extui %lt3A_327 : i1 to i32
      %cond3A_329 = arith.constant 0 : i32
      %cond3A_330 = arith.cmpi ne, %convert_element_type3A_328, %cond3A_329 : i32
      scf.if %cond3A_330 {
        %add3A_331 = arith.constant 6 : i32
        %add3A_332 = arith.addi %add3A_311, %add3A_331 : i32
        %mul3A_333 = arith.constant 128 : i32
        %mul3A_334 = arith.muli %add3A_332, %mul3A_333 : i32
        %dma_start3A_335 = tpu.memref_slice %arg5[%mul3A_334] : memref<20000xi32, #tpu.memory_space<vmem>> -> memref<128xi32, #tpu.memory_space<vmem>>
        %dma_start3A_336 = arith.constant 0 : i32
        %dma_start3A_337 = arith.constant 0 : i32
        %dma_start3A_338 = tpu.memref_slice %arg2[%add3A_100, %dma_start3A_336, %dma_start3A_337] : memref<4x10240x64xf32, #tpu.memory_space<hbm>> -> memref<1x10240x64xf32, #tpu.memory_space<hbm>>
        %dma_start3A_339 = tpu.memref_squeeze %dma_start3A_338 : memref<1x10240x64xf32, #tpu.memory_space<hbm>> -> memref<10240x64xf32, #tpu.memory_space<hbm>>
        %dma_start3A_340 = arith.constant 0 : i32
        %dma_start3A_341 = arith.constant 0 : i32
        %dma_start3A_342 = tpu.memref_slice %dma_start3A_339[%dma_start3A_340, %dma_start3A_341] : memref<10240x64xf32, #tpu.memory_space<hbm>> -> memref<10240x64xf32, #tpu.memory_space<hbm>>
        tpu.enqueue_indirect_dma source(%dma_start3A_342 : memref<10240x64xf32, #tpu.memory_space<hbm>>) target(%arg12 : memref<128x64xf32, #tpu.memory_space<vmem>>) offsets(%dma_start3A_335 : memref<128xi32, #tpu.memory_space<vmem>>) semaphore(%arg18 : memref<!tpu.dma_semaphore, #tpu.memory_space<semaphore_mem>>)
      } else {
      }
    }
    %scan3A_165 = arith.constant 26 : i32
    %dma_start3A_166 = arith.constant 0 : i32
    %dma_start3A_167 = arith.constant 0 : i32
    %dma_start3A_168 = tpu.memref_slice %arg7[%dma_start3A_166, %dma_start3A_167] : memref<128x64xf32, #tpu.memory_space<vmem>> -> memref<32x64xf32, #tpu.memory_space<vmem>>
    %dma_start3A_169 = arith.constant 19968 : i32
    %dma_start3A_170 = tpu.memref_slice %arg5[%dma_start3A_169] : memref<20000xi32, #tpu.memory_space<vmem>> -> memref<32xi32, #tpu.memory_space<vmem>>
    %dma_start3A_171 = arith.constant 0 : i32
    %dma_start3A_172 = arith.constant 0 : i32
    %dma_start3A_173 = tpu.memref_slice %arg2[%add3A_100, %dma_start3A_171, %dma_start3A_172] : memref<4x10240x64xf32, #tpu.memory_space<hbm>> -> memref<1x10240x64xf32, #tpu.memory_space<hbm>>
    %dma_start3A_174 = tpu.memref_squeeze %dma_start3A_173 : memref<1x10240x64xf32, #tpu.memory_space<hbm>> -> memref<10240x64xf32, #tpu.memory_space<hbm>>
    %dma_start3A_175 = arith.constant 0 : i32
    %dma_start3A_176 = arith.constant 0 : i32
    %dma_start3A_177 = tpu.memref_slice %dma_start3A_174[%dma_start3A_175, %dma_start3A_176] : memref<10240x64xf32, #tpu.memory_space<hbm>> -> memref<10240x64xf32, #tpu.memory_space<hbm>>
    tpu.enqueue_indirect_dma source(%dma_start3A_177 : memref<10240x64xf32, #tpu.memory_space<hbm>>) target(%dma_start3A_168 : memref<32x64xf32, #tpu.memory_space<vmem>>) offsets(%dma_start3A_170 : memref<32xi32, #tpu.memory_space<vmem>>) semaphore(%arg13 : memref<!tpu.dma_semaphore, #tpu.memory_space<semaphore_mem>>)
    %dma_wait3A_178 = arith.constant 0 : i32
    %dma_wait3A_179 = arith.constant 0 : i32
    %dma_wait3A_180 = tpu.memref_slice %arg7[%dma_wait3A_178, %dma_wait3A_179] : memref<128x64xf32, #tpu.memory_space<vmem>> -> memref<32x64xf32, #tpu.memory_space<vmem>>
    %dma_wait3A_181 = arith.constant 19968 : i32
    %dma_wait3A_182 = tpu.memref_slice %arg5[%dma_wait3A_181] : memref<20000xi32, #tpu.memory_space<vmem>> -> memref<32xi32, #tpu.memory_space<vmem>>
    %dma_wait3A_183 = arith.constant 0 : i32
    %dma_wait3A_184 = arith.constant 0 : i32
    %dma_wait3A_185 = tpu.memref_slice %arg2[%add3A_100, %dma_wait3A_183, %dma_wait3A_184] : memref<4x10240x64xf32, #tpu.memory_space<hbm>> -> memref<1x10240x64xf32, #tpu.memory_space<hbm>>
    %dma_wait3A_186 = tpu.memref_squeeze %dma_wait3A_185 : memref<1x10240x64xf32, #tpu.memory_space<hbm>> -> memref<10240x64xf32, #tpu.memory_space<hbm>>
    %dma_wait3A_187 = arith.constant 0 : i32
    %dma_wait3A_188 = arith.constant 0 : i32
    %dma_wait3A_189 = tpu.memref_slice %dma_wait3A_186[%dma_wait3A_187, %dma_wait3A_188] : memref<10240x64xf32, #tpu.memory_space<hbm>> -> memref<10240x64xf32, #tpu.memory_space<hbm>>
    tpu.wait_indirect_dma semaphore(%arg13 : memref<!tpu.dma_semaphore, #tpu.memory_space<semaphore_mem>>) src(%dma_wait3A_189 : memref<10240x64xf32, #tpu.memory_space<hbm>>) dst(%dma_wait3A_180 : memref<32x64xf32, #tpu.memory_space<vmem>>)
    "tpu.region"() ({
      %run_scoped3A_195 = tpu.sem_alloc : memref<!tpu.dma_semaphore, #tpu.memory_space<semaphore_mem>>
      %dma_start3A_196 = arith.constant 0 : i32
      %dma_start3A_197 = arith.constant 0 : i32
      %dma_start3A_198 = tpu.memref_slice %arg7[%dma_start3A_196, %dma_start3A_197] : memref<128x64xf32, #tpu.memory_space<vmem>> -> memref<32x64xf32, #tpu.memory_space<vmem>>
      %dma_start3A_199 = arith.constant 19968 : i32
      %dma_start3A_200 = tpu.memref_slice %arg6[%dma_start3A_199] : memref<20000xi32, #tpu.memory_space<vmem>> -> memref<32xi32, #tpu.memory_space<vmem>>
      %dma_start3A_201 = arith.constant 0 : i32
      %dma_start3A_202 = arith.constant 0 : i32
      %dma_start3A_203 = tpu.memref_slice %arg19[%dma_start3A_201, %dma_start3A_202] : memref<10240x64xf32, #tpu.memory_space<vmem_shared>> -> memref<10240x64xf32, #tpu.memory_space<vmem_shared>>
      tpu.enqueue_indirect_dma source(%dma_start3A_198 : memref<32x64xf32, #tpu.memory_space<vmem>>) target(%dma_start3A_203 : memref<10240x64xf32, #tpu.memory_space<vmem_shared>>) offsets(%dma_start3A_200 : memref<32xi32, #tpu.memory_space<vmem>>) semaphore(%run_scoped3A_195 : memref<!tpu.dma_semaphore, #tpu.memory_space<semaphore_mem>>) {add = true}
      %dma_wait3A_204 = arith.constant 0 : i32
      %dma_wait3A_205 = arith.constant 0 : i32
      %dma_wait3A_206 = tpu.memref_slice %arg7[%dma_wait3A_204, %dma_wait3A_205] : memref<128x64xf32, #tpu.memory_space<vmem>> -> memref<32x64xf32, #tpu.memory_space<vmem>>
      %dma_wait3A_207 = arith.constant 19968 : i32
      %dma_wait3A_208 = tpu.memref_slice %arg6[%dma_wait3A_207] : memref<20000xi32, #tpu.memory_space<vmem>> -> memref<32xi32, #tpu.memory_space<vmem>>
      %dma_wait3A_209 = arith.constant 0 : i32
      %dma_wait3A_210 = arith.constant 0 : i32
      %dma_wait3A_211 = tpu.memref_slice %arg19[%dma_wait3A_209, %dma_wait3A_210] : memref<10240x64xf32, #tpu.memory_space<vmem_shared>> -> memref<10240x64xf32, #tpu.memory_space<vmem_shared>>
      tpu.wait_indirect_dma semaphore(%run_scoped3A_195 : memref<!tpu.dma_semaphore, #tpu.memory_space<semaphore_mem>>) src(%dma_wait3A_206 : memref<32x64xf32, #tpu.memory_space<vmem>>) dst(%dma_wait3A_211 : memref<10240x64xf32, #tpu.memory_space<vmem_shared>>)
      tpu.yield
    }) : () -> ()
    %barrier3A_190 = arith.constant 0 : index
    tpu.barrier barrier_id(%barrier3A_190)
    %mul3A_191 = arith.constant 640 : i32
    %mul3A_192 = arith.muli %arg1, %mul3A_191 : i32
    %mul3A_193 = arith.constant 640 : i32
    %mul3A_194 = arith.muli %arg1, %mul3A_193 : i32
    "tpu.region"() ({
      %run_scoped3A_195 = tpu.sem_alloc : memref<!tpu.dma_semaphore, #tpu.memory_space<semaphore_mem>>
      %dma_start3A_196 = arith.constant 0 : i32
      %dma_start3A_197 = tpu.memref_slice %arg4[%add3A_100, %mul3A_194, %dma_start3A_196] : memref<4x10240x64xf32, #tpu.memory_space<hbm>> -> memref<1x640x64xf32, #tpu.memory_space<hbm>>
      %dma_start3A_198 = tpu.memref_squeeze %dma_start3A_197 : memref<1x640x64xf32, #tpu.memory_space<hbm>> -> memref<640x64xf32, #tpu.memory_space<hbm>>
      %dma_start3A_199 = arith.constant 0 : i32
      %dma_start3A_200 = tpu.memref_slice %arg19[%mul3A_192, %dma_start3A_199] : memref<10240x64xf32, #tpu.memory_space<vmem_shared>> -> memref<640x64xf32, #tpu.memory_space<vmem_shared>>
      tpu.enqueue_dma source(%dma_start3A_200 : memref<640x64xf32, #tpu.memory_space<vmem_shared>>) target(%dma_start3A_198 : memref<640x64xf32, #tpu.memory_space<hbm>>) target_semaphore(%run_scoped3A_195 : memref<!tpu.dma_semaphore, #tpu.memory_space<semaphore_mem>>)
      %dma_wait3A_201 = arith.constant 0 : i32
      %dma_wait3A_202 = tpu.memref_slice %arg4[%add3A_100, %mul3A_194, %dma_wait3A_201] : memref<4x10240x64xf32, #tpu.memory_space<hbm>> -> memref<1x640x64xf32, #tpu.memory_space<hbm>>
      %dma_wait3A_203 = tpu.memref_squeeze %dma_wait3A_202 : memref<1x640x64xf32, #tpu.memory_space<hbm>> -> memref<640x64xf32, #tpu.memory_space<hbm>>
      %dma_wait3A_204 = arith.constant 0 : i32
      %dma_wait3A_205 = tpu.memref_slice %arg19[%mul3A_192, %dma_wait3A_204] : memref<10240x64xf32, #tpu.memory_space<vmem_shared>> -> memref<640x64xf32, #tpu.memory_space<vmem_shared>>
      tpu.wait_dma2 semaphore(%run_scoped3A_195 : memref<!tpu.dma_semaphore, #tpu.memory_space<semaphore_mem>>) src(%dma_wait3A_205 : memref<640x64xf32, #tpu.memory_space<vmem_shared>>) dst(%dma_wait3A_203 : memref<640x64xf32, #tpu.memory_space<hbm>>)
      tpu.yield
    }) : () -> ()
    return
  }
}

#map = affine_map<(d0, d1) -> (0, 0)>
#map1 = affine_map<(d0, d1) -> (0, 0, 0)>
module attributes {stable_mosaic.version = 14 : i64} {
  func.func @deg_kernel(%arg0: i32, %arg1: i32, %arg2: memref<2x320000xi32, #tpu.memory_space<hbm>>, %arg3: memref<2x10240x16xf32, #tpu.memory_space<hbm>>, %arg4: memref<10000xi32, #tpu.memory_space<vmem>>, %arg5: memref<128x16xf32, #tpu.memory_space<vmem>>, %arg6: memref<640x16xf32, #tpu.memory_space<vmem>>, %arg7: memref<10240x16xf32, #tpu.memory_space<vmem_shared>>) attributes {dimension_semantics = [#tpu.dimension_semantics<core_parallel>, #tpu.dimension_semantics<subcore_parallel>], iteration_bounds = array<i64: 2, 16>, scalar_prefetch = 0 : i64, scratch_operands = 4 : i64, tpu.core_type = #tpu.core_type<sc_vector_subcore>, window_params = [{transform_indices = #map}, {transform_indices = #map1}]} {
    %mul3A = arith.constant 20000 : i32
    %mul3A_0 = arith.muli %arg1, %mul3A : i32
    %mul3A_1 = arith.constant 10000 : i32
    %mul3A_2 = arith.muli %arg0, %mul3A_1 : i32
    %add3A = arith.addi %mul3A_0, %mul3A_2 : i32
    %run_scoped3A = arith.constant 1 : i32
    "tpu.region"() ({
      %run_scoped3A_24 = tpu.sem_alloc : memref<!tpu.dma_semaphore, #tpu.memory_space<semaphore_mem>>
      %dma_start3A = tpu.memref_slice %arg2[%run_scoped3A, %add3A] : memref<2x320000xi32, #tpu.memory_space<hbm>> -> memref<1x10000xi32, #tpu.memory_space<hbm>>
      %dma_start3A_25 = tpu.memref_squeeze %dma_start3A : memref<1x10000xi32, #tpu.memory_space<hbm>> -> memref<10000xi32, #tpu.memory_space<hbm>>
      %dma_start3A_26 = tpu.memref_slice %arg2[%run_scoped3A, %add3A] : memref<2x320000xi32, #tpu.memory_space<hbm>> -> memref<1x10000xi32, #tpu.memory_space<hbm>>
      %dma_start3A_27 = tpu.memref_squeeze %dma_start3A_26 : memref<1x10000xi32, #tpu.memory_space<hbm>> -> memref<10000xi32, #tpu.memory_space<hbm>>
      tpu.enqueue_dma source(%dma_start3A_27 : memref<10000xi32, #tpu.memory_space<hbm>>) target(%arg4 : memref<10000xi32, #tpu.memory_space<vmem>>) target_semaphore(%run_scoped3A_24 : memref<!tpu.dma_semaphore, #tpu.memory_space<semaphore_mem>>)
      %dma_wait3A = tpu.memref_slice %arg2[%run_scoped3A, %add3A] : memref<2x320000xi32, #tpu.memory_space<hbm>> -> memref<1x10000xi32, #tpu.memory_space<hbm>>
      %dma_wait3A_28 = tpu.memref_squeeze %dma_wait3A : memref<1x10000xi32, #tpu.memory_space<hbm>> -> memref<10000xi32, #tpu.memory_space<hbm>>
      %dma_wait3A_29 = tpu.memref_slice %arg2[%run_scoped3A, %add3A] : memref<2x320000xi32, #tpu.memory_space<hbm>> -> memref<1x10000xi32, #tpu.memory_space<hbm>>
      %dma_wait3A_30 = tpu.memref_squeeze %dma_wait3A_29 : memref<1x10000xi32, #tpu.memory_space<hbm>> -> memref<10000xi32, #tpu.memory_space<hbm>>
      tpu.wait_dma2 semaphore(%run_scoped3A_24 : memref<!tpu.dma_semaphore, #tpu.memory_space<semaphore_mem>>) src(%dma_wait3A_30 : memref<10000xi32, #tpu.memory_space<hbm>>) dst(%arg4 : memref<10000xi32, #tpu.memory_space<vmem>>)
      tpu.yield
    }) : () -> ()
    %broadcast_in_dim3A = arith.constant 1.000000e+00 : f32
    %broadcast_in_dim3A_3 = vector.broadcast %broadcast_in_dim3A : f32 to vector<16xf32>
    %broadcast_in_dim3A_4 = arith.constant 0.000000e+00 : f32
    %broadcast_in_dim3A_5 = vector.broadcast %broadcast_in_dim3A_4 : f32 to vector<16xf32>
    %scan3A = arith.constant 0 : i32
    %scan3A_6 = arith.constant 0 : i32
    %scan3A_7 = arith.constant 640 : i32
    %scan3A_8 = arith.addi %scan3A_6, %scan3A_7 : i32
    %scan3A_9 = arith.constant 1 : i32
    scf.for %scan3A_24 = %scan3A_6 to %scan3A_8 step %scan3A_9  : i32 {
      %lt3A = arith.constant 128 : i32
      %lt3A_25 = arith.cmpi slt, %scan3A_24, %lt3A : i32
      %convert_element_type3A = arith.extui %lt3A_25 : i1 to i32
      %cond3A = arith.constant 0 : i32
      %cond3A_26 = arith.cmpi ne, %convert_element_type3A, %cond3A : i32
      scf.if %cond3A_26 {
        %swap3A_31 = arith.index_cast %scan3A_24 : i32 to index
        %swap3A_32 = arith.constant 0 : index
        %swap3A_33 = tpu.vector_load %arg5[%swap3A_31, %swap3A_32] {strides = array<i32>} : memref<128x16xf32, #tpu.memory_space<vmem>>, vector<1x16xf32>,
        %swap3A_34 = vector.shape_cast %swap3A_33 : vector<1x16xf32> to vector<16xf32>
        %swap3A_35 = vector.shape_cast %broadcast_in_dim3A_3 : vector<16xf32> to vector<1x16xf32>
        tpu.vector_store %arg5[%swap3A_31, %swap3A_32], %swap3A_35 {strides = array<i32>} : memref<128x16xf32, #tpu.memory_space<vmem>>, vector<1x16xf32>,
      } else {
      }
      %swap3A = arith.index_cast %scan3A_24 : i32 to index
      %swap3A_27 = arith.constant 0 : index
      %swap3A_28 = tpu.vector_load %arg6[%swap3A, %swap3A_27] {strides = array<i32>} : memref<640x16xf32, #tpu.memory_space<vmem>>, vector<1x16xf32>,
      %swap3A_29 = vector.shape_cast %swap3A_28 : vector<1x16xf32> to vector<16xf32>
      %swap3A_30 = vector.shape_cast %broadcast_in_dim3A_5 : vector<16xf32> to vector<1x16xf32>
      tpu.vector_store %arg6[%swap3A, %swap3A_27], %swap3A_30 {strides = array<i32>} : memref<640x16xf32, #tpu.memory_space<vmem>>, vector<1x16xf32>,
    }
    %scan3A_10 = arith.constant 640 : i32
    %mul3A_11 = arith.constant 640 : i32
    %mul3A_12 = arith.muli %arg1, %mul3A_11 : i32
    "tpu.region"() ({
      %run_scoped3A_24 = tpu.sem_alloc : memref<!tpu.dma_semaphore, #tpu.memory_space<semaphore_mem>>
      %dma_start3A = arith.constant 0 : i32
      %dma_start3A_25 = tpu.memref_slice %arg7[%mul3A_12, %dma_start3A] : memref<10240x16xf32, #tpu.memory_space<vmem_shared>> -> memref<640x16xf32, #tpu.memory_space<vmem_shared>>
      %dma_start3A_26 = arith.constant 0 : i32
      %dma_start3A_27 = tpu.memref_slice %arg7[%mul3A_12, %dma_start3A_26] : memref<10240x16xf32, #tpu.memory_space<vmem_shared>> -> memref<640x16xf32, #tpu.memory_space<vmem_shared>>
      tpu.enqueue_dma source(%arg6 : memref<640x16xf32, #tpu.memory_space<vmem>>) target(%dma_start3A_27 : memref<640x16xf32, #tpu.memory_space<vmem_shared>>) target_semaphore(%run_scoped3A_24 : memref<!tpu.dma_semaphore, #tpu.memory_space<semaphore_mem>>)
      %dma_wait3A = arith.constant 0 : i32
      %dma_wait3A_28 = tpu.memref_slice %arg7[%mul3A_12, %dma_wait3A] : memref<10240x16xf32, #tpu.memory_space<vmem_shared>> -> memref<640x16xf32, #tpu.memory_space<vmem_shared>>
      %dma_wait3A_29 = arith.constant 0 : i32
      %dma_wait3A_30 = tpu.memref_slice %arg7[%mul3A_12, %dma_wait3A_29] : memref<10240x16xf32, #tpu.memory_space<vmem_shared>> -> memref<640x16xf32, #tpu.memory_space<vmem_shared>>
      tpu.wait_dma2 semaphore(%run_scoped3A_24 : memref<!tpu.dma_semaphore, #tpu.memory_space<semaphore_mem>>) src(%arg6 : memref<640x16xf32, #tpu.memory_space<vmem>>) dst(%dma_wait3A_30 : memref<640x16xf32, #tpu.memory_space<vmem_shared>>)
      tpu.yield
    }) : () -> ()
    %barrier3A = arith.constant 0 : index
    tpu.barrier barrier_id(%barrier3A)
    %scan3A_13 = arith.constant 0 : i32
    %scan3A_14 = arith.constant 0 : i32
    %scan3A_15 = arith.constant 78 : i32
    %scan3A_16 = arith.addi %scan3A_14, %scan3A_15 : i32
    %scan3A_17 = arith.constant 1 : i32
    scf.for %scan3A_24 = %scan3A_14 to %scan3A_16 step %scan3A_17  : i32 {
      %mul3A_25 = arith.constant 128 : i32
      %mul3A_26 = arith.muli %scan3A_24, %mul3A_25 : i32
      "tpu.region"() ({
        %run_scoped3A_27 = tpu.sem_alloc : memref<!tpu.dma_semaphore, #tpu.memory_space<semaphore_mem>>
        %dma_start3A = tpu.memref_slice %arg4[%mul3A_26] : memref<10000xi32, #tpu.memory_space<vmem>> -> memref<128xi32, #tpu.memory_space<vmem>>
        %dma_start3A_28 = arith.constant 0 : i32
        %dma_start3A_29 = arith.constant 0 : i32
        %dma_start3A_30 = tpu.memref_slice %arg7[%dma_start3A_28, %dma_start3A_29] : memref<10240x16xf32, #tpu.memory_space<vmem_shared>> -> memref<10240x16xf32, #tpu.memory_space<vmem_shared>>
        tpu.enqueue_indirect_dma source(%arg5 : memref<128x16xf32, #tpu.memory_space<vmem>>) target(%dma_start3A_30 : memref<10240x16xf32, #tpu.memory_space<vmem_shared>>) offsets(%dma_start3A : memref<128xi32, #tpu.memory_space<vmem>>) semaphore(%run_scoped3A_27 : memref<!tpu.dma_semaphore, #tpu.memory_space<semaphore_mem>>) {add = true}
        %dma_wait3A = tpu.memref_slice %arg4[%mul3A_26] : memref<10000xi32, #tpu.memory_space<vmem>> -> memref<128xi32, #tpu.memory_space<vmem>>
        %dma_wait3A_31 = arith.constant 0 : i32
        %dma_wait3A_32 = arith.constant 0 : i32
        %dma_wait3A_33 = tpu.memref_slice %arg7[%dma_wait3A_31, %dma_wait3A_32] : memref<10240x16xf32, #tpu.memory_space<vmem_shared>> -> memref<10240x16xf32, #tpu.memory_space<vmem_shared>>
        tpu.wait_indirect_dma semaphore(%run_scoped3A_27 : memref<!tpu.dma_semaphore, #tpu.memory_space<semaphore_mem>>) src(%arg5 : memref<128x16xf32, #tpu.memory_space<vmem>>) dst(%dma_wait3A_33 : memref<10240x16xf32, #tpu.memory_space<vmem_shared>>)
        tpu.yield
      }) : () -> ()
    }
    %scan3A_18 = arith.constant 78 : i32
    "tpu.region"() ({
      %run_scoped3A_24 = tpu.sem_alloc : memref<!tpu.dma_semaphore, #tpu.memory_space<semaphore_mem>>
      %dma_start3A = arith.constant 0 : i32
      %dma_start3A_25 = arith.constant 0 : i32
      %dma_start3A_26 = tpu.memref_slice %arg5[%dma_start3A, %dma_start3A_25] : memref<128x16xf32, #tpu.memory_space<vmem>> -> memref<16x16xf32, #tpu.memory_space<vmem>>
      %dma_start3A_27 = arith.constant 9984 : i32
      %dma_start3A_28 = tpu.memref_slice %arg4[%dma_start3A_27] : memref<10000xi32, #tpu.memory_space<vmem>> -> memref<16xi32, #tpu.memory_space<vmem>>
      %dma_start3A_29 = arith.constant 0 : i32
      %dma_start3A_30 = arith.constant 0 : i32
      %dma_start3A_31 = tpu.memref_slice %arg7[%dma_start3A_29, %dma_start3A_30] : memref<10240x16xf32, #tpu.memory_space<vmem_shared>> -> memref<10240x16xf32, #tpu.memory_space<vmem_shared>>
      tpu.enqueue_indirect_dma source(%dma_start3A_26 : memref<16x16xf32, #tpu.memory_space<vmem>>) target(%dma_start3A_31 : memref<10240x16xf32, #tpu.memory_space<vmem_shared>>) offsets(%dma_start3A_28 : memref<16xi32, #tpu.memory_space<vmem>>) semaphore(%run_scoped3A_24 : memref<!tpu.dma_semaphore, #tpu.memory_space<semaphore_mem>>) {add = true}
      %dma_wait3A = arith.constant 0 : i32
      %dma_wait3A_32 = arith.constant 0 : i32
      %dma_wait3A_33 = tpu.memref_slice %arg5[%dma_wait3A, %dma_wait3A_32] : memref<128x16xf32, #tpu.memory_space<vmem>> -> memref<16x16xf32, #tpu.memory_space<vmem>>
      %dma_wait3A_34 = arith.constant 9984 : i32
      %dma_wait3A_35 = tpu.memref_slice %arg4[%dma_wait3A_34] : memref<10000xi32, #tpu.memory_space<vmem>> -> memref<16xi32, #tpu.memory_space<vmem>>
      %dma_wait3A_36 = arith.constant 0 : i32
      %dma_wait3A_37 = arith.constant 0 : i32
      %dma_wait3A_38 = tpu.memref_slice %arg7[%dma_wait3A_36, %dma_wait3A_37] : memref<10240x16xf32, #tpu.memory_space<vmem_shared>> -> memref<10240x16xf32, #tpu.memory_space<vmem_shared>>
      tpu.wait_indirect_dma semaphore(%run_scoped3A_24 : memref<!tpu.dma_semaphore, #tpu.memory_space<semaphore_mem>>) src(%dma_wait3A_33 : memref<16x16xf32, #tpu.memory_space<vmem>>) dst(%dma_wait3A_38 : memref<10240x16xf32, #tpu.memory_space<vmem_shared>>)
      tpu.yield
    }) : () -> ()
    %barrier3A_19 = arith.constant 0 : index
    tpu.barrier barrier_id(%barrier3A_19)
    %mul3A_20 = arith.constant 640 : i32
    %mul3A_21 = arith.muli %arg1, %mul3A_20 : i32
    %mul3A_22 = arith.constant 640 : i32
    %mul3A_23 = arith.muli %arg1, %mul3A_22 : i32
    "tpu.region"() ({
      %run_scoped3A_24 = tpu.sem_alloc : memref<!tpu.dma_semaphore, #tpu.memory_space<semaphore_mem>>
      %dma_start3A = arith.constant 0 : i32
      %dma_start3A_25 = tpu.memref_slice %arg3[%arg0, %mul3A_23, %dma_start3A] : memref<2x10240x16xf32, #tpu.memory_space<hbm>> -> memref<1x640x16xf32, #tpu.memory_space<hbm>>
      %dma_start3A_26 = tpu.memref_squeeze %dma_start3A_25 : memref<1x640x16xf32, #tpu.memory_space<hbm>> -> memref<640x16xf32, #tpu.memory_space<hbm>>
      %dma_start3A_27 = arith.constant 0 : i32
      %dma_start3A_28 = tpu.memref_slice %arg7[%mul3A_21, %dma_start3A_27] : memref<10240x16xf32, #tpu.memory_space<vmem_shared>> -> memref<640x16xf32, #tpu.memory_space<vmem_shared>>
      tpu.enqueue_dma source(%dma_start3A_28 : memref<640x16xf32, #tpu.memory_space<vmem_shared>>) target(%dma_start3A_26 : memref<640x16xf32, #tpu.memory_space<hbm>>) target_semaphore(%run_scoped3A_24 : memref<!tpu.dma_semaphore, #tpu.memory_space<semaphore_mem>>)
      %dma_wait3A = arith.constant 0 : i32
      %dma_wait3A_29 = tpu.memref_slice %arg3[%arg0, %mul3A_23, %dma_wait3A] : memref<2x10240x16xf32, #tpu.memory_space<hbm>> -> memref<1x640x16xf32, #tpu.memory_space<hbm>>
      %dma_wait3A_30 = tpu.memref_squeeze %dma_wait3A_29 : memref<1x640x16xf32, #tpu.memory_space<hbm>> -> memref<640x16xf32, #tpu.memory_space<hbm>>
      %dma_wait3A_31 = arith.constant 0 : i32
      %dma_wait3A_32 = tpu.memref_slice %arg7[%mul3A_21, %dma_wait3A_31] : memref<10240x16xf32, #tpu.memory_space<vmem_shared>> -> memref<640x16xf32, #tpu.memory_space<vmem_shared>>
      tpu.wait_dma2 semaphore(%run_scoped3A_24 : memref<!tpu.dma_semaphore, #tpu.memory_space<semaphore_mem>>) src(%dma_wait3A_32 : memref<640x16xf32, #tpu.memory_space<vmem_shared>>) dst(%dma_wait3A_30 : memref<640x16xf32, #tpu.memory_space<hbm>>)
      tpu.yield
    }) : () -> ()
    return
  }
}

#map = affine_map<(d0, d1) -> (0, 0, 0)>
#map1 = affine_map<(d0, d1) -> (0, 0)>
module attributes {stable_mosaic.version = 14 : i64} {
  func.func @prop(%arg0: i32, %arg1: i32, %arg2: memref<2x10240x32xf32, #tpu.memory_space<hbm>>, %arg3: memref<2x320000xi32, #tpu.memory_space<hbm>>, %arg4: memref<2x10240x32xf32, #tpu.memory_space<hbm>>, %arg5: memref<20000xi32, #tpu.memory_space<vmem>>, %arg6: memref<20000xi32, #tpu.memory_space<vmem>>, %arg7: memref<128x32xf32, #tpu.memory_space<vmem>>, %arg8: memref<128x32xf32, #tpu.memory_space<vmem>>, %arg9: memref<128x32xf32, #tpu.memory_space<vmem>>, %arg10: memref<128x32xf32, #tpu.memory_space<vmem>>, %arg11: memref<128x32xf32, #tpu.memory_space<vmem>>, %arg12: memref<128x32xf32, #tpu.memory_space<vmem>>, %arg13: memref<!tpu.dma_semaphore, #tpu.memory_space<semaphore_mem>>, %arg14: memref<!tpu.dma_semaphore, #tpu.memory_space<semaphore_mem>>, %arg15: memref<!tpu.dma_semaphore, #tpu.memory_space<semaphore_mem>>, %arg16: memref<!tpu.dma_semaphore, #tpu.memory_space<semaphore_mem>>, %arg17: memref<!tpu.dma_semaphore, #tpu.memory_space<semaphore_mem>>, %arg18: memref<!tpu.dma_semaphore, #tpu.memory_space<semaphore_mem>>, %arg19: memref<10240x32xf32, #tpu.memory_space<vmem_shared>>) attributes {dimension_semantics = [#tpu.dimension_semantics<core_parallel>, #tpu.dimension_semantics<subcore_parallel>], iteration_bounds = array<i64: 2, 16>, scalar_prefetch = 0 : i64, scratch_operands = 15 : i64, tpu.core_type = #tpu.core_type<sc_vector_subcore>, window_params = [{transform_indices = #map}, {transform_indices = #map1}, {transform_indices = #map}]} {
    %mul3A = arith.constant 20000 : i32
    %mul3A_0 = arith.muli %arg1, %mul3A : i32
    %run_scoped3A = arith.constant 0 : i32
    "tpu.region"() ({
      %run_scoped3A_97 = tpu.sem_alloc : memref<!tpu.dma_semaphore, #tpu.memory_space<semaphore_mem>>
      %dma_start3A_98 = tpu.memref_slice %arg3[%run_scoped3A, %mul3A_0] : memref<2x320000xi32, #tpu.memory_space<hbm>> -> memref<1x20000xi32, #tpu.memory_space<hbm>>
      %dma_start3A_99 = tpu.memref_squeeze %dma_start3A_98 : memref<1x20000xi32, #tpu.memory_space<hbm>> -> memref<20000xi32, #tpu.memory_space<hbm>>
      %dma_start3A_100 = tpu.memref_slice %arg3[%run_scoped3A, %mul3A_0] : memref<2x320000xi32, #tpu.memory_space<hbm>> -> memref<1x20000xi32, #tpu.memory_space<hbm>>
      %dma_start3A_101 = tpu.memref_squeeze %dma_start3A_100 : memref<1x20000xi32, #tpu.memory_space<hbm>> -> memref<20000xi32, #tpu.memory_space<hbm>>
      tpu.enqueue_dma source(%dma_start3A_101 : memref<20000xi32, #tpu.memory_space<hbm>>) target(%arg5 : memref<20000xi32, #tpu.memory_space<vmem>>) target_semaphore(%run_scoped3A_97 : memref<!tpu.dma_semaphore, #tpu.memory_space<semaphore_mem>>)
      %dma_wait3A_102 = tpu.memref_slice %arg3[%run_scoped3A, %mul3A_0] : memref<2x320000xi32, #tpu.memory_space<hbm>> -> memref<1x20000xi32, #tpu.memory_space<hbm>>
      %dma_wait3A_103 = tpu.memref_squeeze %dma_wait3A_102 : memref<1x20000xi32, #tpu.memory_space<hbm>> -> memref<20000xi32, #tpu.memory_space<hbm>>
      %dma_wait3A_104 = tpu.memref_slice %arg3[%run_scoped3A, %mul3A_0] : memref<2x320000xi32, #tpu.memory_space<hbm>> -> memref<1x20000xi32, #tpu.memory_space<hbm>>
      %dma_wait3A_105 = tpu.memref_squeeze %dma_wait3A_104 : memref<1x20000xi32, #tpu.memory_space<hbm>> -> memref<20000xi32, #tpu.memory_space<hbm>>
      tpu.wait_dma2 semaphore(%run_scoped3A_97 : memref<!tpu.dma_semaphore, #tpu.memory_space<semaphore_mem>>) src(%dma_wait3A_105 : memref<20000xi32, #tpu.memory_space<hbm>>) dst(%arg5 : memref<20000xi32, #tpu.memory_space<vmem>>)
      tpu.yield
    }) : () -> ()
    %mul3A_1 = arith.constant 20000 : i32
    %mul3A_2 = arith.muli %arg1, %mul3A_1 : i32
    %run_scoped3A_3 = arith.constant 1 : i32
    "tpu.region"() ({
      %run_scoped3A_97 = tpu.sem_alloc : memref<!tpu.dma_semaphore, #tpu.memory_space<semaphore_mem>>
      %dma_start3A_98 = tpu.memref_slice %arg3[%run_scoped3A_3, %mul3A_2] : memref<2x320000xi32, #tpu.memory_space<hbm>> -> memref<1x20000xi32, #tpu.memory_space<hbm>>
      %dma_start3A_99 = tpu.memref_squeeze %dma_start3A_98 : memref<1x20000xi32, #tpu.memory_space<hbm>> -> memref<20000xi32, #tpu.memory_space<hbm>>
      %dma_start3A_100 = tpu.memref_slice %arg3[%run_scoped3A_3, %mul3A_2] : memref<2x320000xi32, #tpu.memory_space<hbm>> -> memref<1x20000xi32, #tpu.memory_space<hbm>>
      %dma_start3A_101 = tpu.memref_squeeze %dma_start3A_100 : memref<1x20000xi32, #tpu.memory_space<hbm>> -> memref<20000xi32, #tpu.memory_space<hbm>>
      tpu.enqueue_dma source(%dma_start3A_101 : memref<20000xi32, #tpu.memory_space<hbm>>) target(%arg6 : memref<20000xi32, #tpu.memory_space<vmem>>) target_semaphore(%run_scoped3A_97 : memref<!tpu.dma_semaphore, #tpu.memory_space<semaphore_mem>>)
      %dma_wait3A_102 = tpu.memref_slice %arg3[%run_scoped3A_3, %mul3A_2] : memref<2x320000xi32, #tpu.memory_space<hbm>> -> memref<1x20000xi32, #tpu.memory_space<hbm>>
      %dma_wait3A_103 = tpu.memref_squeeze %dma_wait3A_102 : memref<1x20000xi32, #tpu.memory_space<hbm>> -> memref<20000xi32, #tpu.memory_space<hbm>>
      %dma_wait3A_104 = tpu.memref_slice %arg3[%run_scoped3A_3, %mul3A_2] : memref<2x320000xi32, #tpu.memory_space<hbm>> -> memref<1x20000xi32, #tpu.memory_space<hbm>>
      %dma_wait3A_105 = tpu.memref_squeeze %dma_wait3A_104 : memref<1x20000xi32, #tpu.memory_space<hbm>> -> memref<20000xi32, #tpu.memory_space<hbm>>
      tpu.wait_dma2 semaphore(%run_scoped3A_97 : memref<!tpu.dma_semaphore, #tpu.memory_space<semaphore_mem>>) src(%dma_wait3A_105 : memref<20000xi32, #tpu.memory_space<hbm>>) dst(%arg6 : memref<20000xi32, #tpu.memory_space<vmem>>)
      tpu.yield
    }) : () -> ()
    %mul3A_4 = arith.constant 1 : i32
    %mul3A_5 = arith.muli %arg0, %mul3A_4 : i32
    %add3A = arith.constant 0 : i32
    %add3A_6 = arith.addi %mul3A_5, %add3A : i32
    %mul3A_7 = arith.constant 640 : i32
    %mul3A_8 = arith.muli %arg1, %mul3A_7 : i32
    %mul3A_9 = arith.constant 640 : i32
    %mul3A_10 = arith.muli %arg1, %mul3A_9 : i32
    "tpu.region"() ({
      %run_scoped3A_97 = tpu.sem_alloc : memref<!tpu.dma_semaphore, #tpu.memory_space<semaphore_mem>>
      %dma_start3A_98 = arith.constant 0 : i32
      %dma_start3A_99 = tpu.memref_slice %arg19[%mul3A_10, %dma_start3A_98] : memref<10240x32xf32, #tpu.memory_space<vmem_shared>> -> memref<640x32xf32, #tpu.memory_space<vmem_shared>>
      %dma_start3A_100 = arith.constant 0 : i32
      %dma_start3A_101 = arith.constant 0 : i32
      %dma_start3A_102 = tpu.memref_slice %arg2[%add3A_6, %dma_start3A_100, %dma_start3A_101] : memref<2x10240x32xf32, #tpu.memory_space<hbm>> -> memref<1x10240x32xf32, #tpu.memory_space<hbm>>
      %dma_start3A_103 = tpu.memref_squeeze %dma_start3A_102 : memref<1x10240x32xf32, #tpu.memory_space<hbm>> -> memref<10240x32xf32, #tpu.memory_space<hbm>>
      %dma_start3A_104 = arith.constant 0 : i32
      %dma_start3A_105 = tpu.memref_slice %dma_start3A_103[%mul3A_8, %dma_start3A_104] : memref<10240x32xf32, #tpu.memory_space<hbm>> -> memref<640x32xf32, #tpu.memory_space<hbm>>
      tpu.enqueue_dma source(%dma_start3A_105 : memref<640x32xf32, #tpu.memory_space<hbm>>) target(%dma_start3A_99 : memref<640x32xf32, #tpu.memory_space<vmem_shared>>) target_semaphore(%run_scoped3A_97 : memref<!tpu.dma_semaphore, #tpu.memory_space<semaphore_mem>>)
      %dma_wait3A_106 = arith.constant 0 : i32
      %dma_wait3A_107 = tpu.memref_slice %arg19[%mul3A_10, %dma_wait3A_106] : memref<10240x32xf32, #tpu.memory_space<vmem_shared>> -> memref<640x32xf32, #tpu.memory_space<vmem_shared>>
      %dma_wait3A_108 = arith.constant 0 : i32
      %dma_wait3A_109 = arith.constant 0 : i32
      %dma_wait3A_110 = tpu.memref_slice %arg2[%add3A_6, %dma_wait3A_108, %dma_wait3A_109] : memref<2x10240x32xf32, #tpu.memory_space<hbm>> -> memref<1x10240x32xf32, #tpu.memory_space<hbm>>
      %dma_wait3A_111 = tpu.memref_squeeze %dma_wait3A_110 : memref<1x10240x32xf32, #tpu.memory_space<hbm>> -> memref<10240x32xf32, #tpu.memory_space<hbm>>
      %dma_wait3A_112 = arith.constant 0 : i32
      %dma_wait3A_113 = tpu.memref_slice %dma_wait3A_111[%mul3A_8, %dma_wait3A_112] : memref<10240x32xf32, #tpu.memory_space<hbm>> -> memref<640x32xf32, #tpu.memory_space<hbm>>
      tpu.wait_dma2 semaphore(%run_scoped3A_97 : memref<!tpu.dma_semaphore, #tpu.memory_space<semaphore_mem>>) src(%dma_wait3A_113 : memref<640x32xf32, #tpu.memory_space<hbm>>) dst(%dma_wait3A_107 : memref<640x32xf32, #tpu.memory_space<vmem_shared>>)
      tpu.yield
    }) : () -> ()
    %barrier3A = arith.constant 0 : index
    tpu.barrier barrier_id(%barrier3A)
    %dma_start3A = arith.constant 0 : i32
    %dma_start3A_11 = tpu.memref_slice %arg5[%dma_start3A] : memref<20000xi32, #tpu.memory_space<vmem>> -> memref<128xi32, #tpu.memory_space<vmem>>
    %dma_start3A_12 = arith.constant 0 : i32
    %dma_start3A_13 = arith.constant 0 : i32
    %dma_start3A_14 = tpu.memref_slice %arg2[%add3A_6, %dma_start3A_12, %dma_start3A_13] : memref<2x10240x32xf32, #tpu.memory_space<hbm>> -> memref<1x10240x32xf32, #tpu.memory_space<hbm>>
    %dma_start3A_15 = tpu.memref_squeeze %dma_start3A_14 : memref<1x10240x32xf32, #tpu.memory_space<hbm>> -> memref<10240x32xf32, #tpu.memory_space<hbm>>
    %dma_start3A_16 = arith.constant 0 : i32
    %dma_start3A_17 = arith.constant 0 : i32
    %dma_start3A_18 = tpu.memref_slice %dma_start3A_15[%dma_start3A_16, %dma_start3A_17] : memref<10240x32xf32, #tpu.memory_space<hbm>> -> memref<10240x32xf32, #tpu.memory_space<hbm>>
    tpu.enqueue_indirect_dma source(%dma_start3A_18 : memref<10240x32xf32, #tpu.memory_space<hbm>>) target(%arg7 : memref<128x32xf32, #tpu.memory_space<vmem>>) offsets(%dma_start3A_11 : memref<128xi32, #tpu.memory_space<vmem>>) semaphore(%arg13 : memref<!tpu.dma_semaphore, #tpu.memory_space<semaphore_mem>>)
    %dma_start3A_19 = arith.constant 128 : i32
    %dma_start3A_20 = tpu.memref_slice %arg5[%dma_start3A_19] : memref<20000xi32, #tpu.memory_space<vmem>> -> memref<128xi32, #tpu.memory_space<vmem>>
    %dma_start3A_21 = arith.constant 0 : i32
    %dma_start3A_22 = arith.constant 0 : i32
    %dma_start3A_23 = tpu.memref_slice %arg2[%add3A_6, %dma_start3A_21, %dma_start3A_22] : memref<2x10240x32xf32, #tpu.memory_space<hbm>> -> memref<1x10240x32xf32, #tpu.memory_space<hbm>>
    %dma_start3A_24 = tpu.memref_squeeze %dma_start3A_23 : memref<1x10240x32xf32, #tpu.memory_space<hbm>> -> memref<10240x32xf32, #tpu.memory_space<hbm>>
    %dma_start3A_25 = arith.constant 0 : i32
    %dma_start3A_26 = arith.constant 0 : i32
    %dma_start3A_27 = tpu.memref_slice %dma_start3A_24[%dma_start3A_25, %dma_start3A_26] : memref<10240x32xf32, #tpu.memory_space<hbm>> -> memref<10240x32xf32, #tpu.memory_space<hbm>>
    tpu.enqueue_indirect_dma source(%dma_start3A_27 : memref<10240x32xf32, #tpu.memory_space<hbm>>) target(%arg8 : memref<128x32xf32, #tpu.memory_space<vmem>>) offsets(%dma_start3A_20 : memref<128xi32, #tpu.memory_space<vmem>>) semaphore(%arg14 : memref<!tpu.dma_semaphore, #tpu.memory_space<semaphore_mem>>)
    %dma_start3A_28 = arith.constant 256 : i32
    %dma_start3A_29 = tpu.memref_slice %arg5[%dma_start3A_28] : memref<20000xi32, #tpu.memory_space<vmem>> -> memref<128xi32, #tpu.memory_space<vmem>>
    %dma_start3A_30 = arith.constant 0 : i32
    %dma_start3A_31 = arith.constant 0 : i32
    %dma_start3A_32 = tpu.memref_slice %arg2[%add3A_6, %dma_start3A_30, %dma_start3A_31] : memref<2x10240x32xf32, #tpu.memory_space<hbm>> -> memref<1x10240x32xf32, #tpu.memory_space<hbm>>
    %dma_start3A_33 = tpu.memref_squeeze %dma_start3A_32 : memref<1x10240x32xf32, #tpu.memory_space<hbm>> -> memref<10240x32xf32, #tpu.memory_space<hbm>>
    %dma_start3A_34 = arith.constant 0 : i32
    %dma_start3A_35 = arith.constant 0 : i32
    %dma_start3A_36 = tpu.memref_slice %dma_start3A_33[%dma_start3A_34, %dma_start3A_35] : memref<10240x32xf32, #tpu.memory_space<hbm>> -> memref<10240x32xf32, #tpu.memory_space<hbm>>
    tpu.enqueue_indirect_dma source(%dma_start3A_36 : memref<10240x32xf32, #tpu.memory_space<hbm>>) target(%arg9 : memref<128x32xf32, #tpu.memory_space<vmem>>) offsets(%dma_start3A_29 : memref<128xi32, #tpu.memory_space<vmem>>) semaphore(%arg15 : memref<!tpu.dma_semaphore, #tpu.memory_space<semaphore_mem>>)
    %dma_start3A_37 = arith.constant 384 : i32
    %dma_start3A_38 = tpu.memref_slice %arg5[%dma_start3A_37] : memref<20000xi32, #tpu.memory_space<vmem>> -> memref<128xi32, #tpu.memory_space<vmem>>
    %dma_start3A_39 = arith.constant 0 : i32
    %dma_start3A_40 = arith.constant 0 : i32
    %dma_start3A_41 = tpu.memref_slice %arg2[%add3A_6, %dma_start3A_39, %dma_start3A_40] : memref<2x10240x32xf32, #tpu.memory_space<hbm>> -> memref<1x10240x32xf32, #tpu.memory_space<hbm>>
    %dma_start3A_42 = tpu.memref_squeeze %dma_start3A_41 : memref<1x10240x32xf32, #tpu.memory_space<hbm>> -> memref<10240x32xf32, #tpu.memory_space<hbm>>
    %dma_start3A_43 = arith.constant 0 : i32
    %dma_start3A_44 = arith.constant 0 : i32
    %dma_start3A_45 = tpu.memref_slice %dma_start3A_42[%dma_start3A_43, %dma_start3A_44] : memref<10240x32xf32, #tpu.memory_space<hbm>> -> memref<10240x32xf32, #tpu.memory_space<hbm>>
    tpu.enqueue_indirect_dma source(%dma_start3A_45 : memref<10240x32xf32, #tpu.memory_space<hbm>>) target(%arg10 : memref<128x32xf32, #tpu.memory_space<vmem>>) offsets(%dma_start3A_38 : memref<128xi32, #tpu.memory_space<vmem>>) semaphore(%arg16 : memref<!tpu.dma_semaphore, #tpu.memory_space<semaphore_mem>>)
    %dma_start3A_46 = arith.constant 512 : i32
    %dma_start3A_47 = tpu.memref_slice %arg5[%dma_start3A_46] : memref<20000xi32, #tpu.memory_space<vmem>> -> memref<128xi32, #tpu.memory_space<vmem>>
    %dma_start3A_48 = arith.constant 0 : i32
    %dma_start3A_49 = arith.constant 0 : i32
    %dma_start3A_50 = tpu.memref_slice %arg2[%add3A_6, %dma_start3A_48, %dma_start3A_49] : memref<2x10240x32xf32, #tpu.memory_space<hbm>> -> memref<1x10240x32xf32, #tpu.memory_space<hbm>>
    %dma_start3A_51 = tpu.memref_squeeze %dma_start3A_50 : memref<1x10240x32xf32, #tpu.memory_space<hbm>> -> memref<10240x32xf32, #tpu.memory_space<hbm>>
    %dma_start3A_52 = arith.constant 0 : i32
    %dma_start3A_53 = arith.constant 0 : i32
    %dma_start3A_54 = tpu.memref_slice %dma_start3A_51[%dma_start3A_52, %dma_start3A_53] : memref<10240x32xf32, #tpu.memory_space<hbm>> -> memref<10240x32xf32, #tpu.memory_space<hbm>>
    tpu.enqueue_indirect_dma source(%dma_start3A_54 : memref<10240x32xf32, #tpu.memory_space<hbm>>) target(%arg11 : memref<128x32xf32, #tpu.memory_space<vmem>>) offsets(%dma_start3A_47 : memref<128xi32, #tpu.memory_space<vmem>>) semaphore(%arg17 : memref<!tpu.dma_semaphore, #tpu.memory_space<semaphore_mem>>)
    %dma_start3A_55 = arith.constant 640 : i32
    %dma_start3A_56 = tpu.memref_slice %arg5[%dma_start3A_55] : memref<20000xi32, #tpu.memory_space<vmem>> -> memref<128xi32, #tpu.memory_space<vmem>>
    %dma_start3A_57 = arith.constant 0 : i32
    %dma_start3A_58 = arith.constant 0 : i32
    %dma_start3A_59 = tpu.memref_slice %arg2[%add3A_6, %dma_start3A_57, %dma_start3A_58] : memref<2x10240x32xf32, #tpu.memory_space<hbm>> -> memref<1x10240x32xf32, #tpu.memory_space<hbm>>
    %dma_start3A_60 = tpu.memref_squeeze %dma_start3A_59 : memref<1x10240x32xf32, #tpu.memory_space<hbm>> -> memref<10240x32xf32, #tpu.memory_space<hbm>>
    %dma_start3A_61 = arith.constant 0 : i32
    %dma_start3A_62 = arith.constant 0 : i32
    %dma_start3A_63 = tpu.memref_slice %dma_start3A_60[%dma_start3A_61, %dma_start3A_62] : memref<10240x32xf32, #tpu.memory_space<hbm>> -> memref<10240x32xf32, #tpu.memory_space<hbm>>
    tpu.enqueue_indirect_dma source(%dma_start3A_63 : memref<10240x32xf32, #tpu.memory_space<hbm>>) target(%arg12 : memref<128x32xf32, #tpu.memory_space<vmem>>) offsets(%dma_start3A_56 : memref<128xi32, #tpu.memory_space<vmem>>) semaphore(%arg18 : memref<!tpu.dma_semaphore, #tpu.memory_space<semaphore_mem>>)
    %scan3A = arith.constant 0 : i32
    %scan3A_64 = arith.constant 0 : i32
    %scan3A_65 = arith.constant 26 : i32
    %scan3A_66 = arith.addi %scan3A_64, %scan3A_65 : i32
    %scan3A_67 = arith.constant 1 : i32
    scf.for %scan3A_97 = %scan3A_64 to %scan3A_66 step %scan3A_67  : i32 {
      %mul3A_98 = arith.constant 6 : i32
      %mul3A_99 = arith.muli %scan3A_97, %mul3A_98 : i32
      %add3A_100 = arith.constant 0 : i32
      %add3A_101 = arith.addi %mul3A_99, %add3A_100 : i32
      %mul3A_102 = arith.constant 128 : i32
      %mul3A_103 = arith.muli %add3A_101, %mul3A_102 : i32
      %dma_wait3A_104 = tpu.memref_slice %arg5[%mul3A_103] : memref<20000xi32, #tpu.memory_space<vmem>> -> memref<128xi32, #tpu.memory_space<vmem>>
      %dma_wait3A_105 = arith.constant 0 : i32
      %dma_wait3A_106 = arith.constant 0 : i32
      %dma_wait3A_107 = tpu.memref_slice %arg2[%add3A_6, %dma_wait3A_105, %dma_wait3A_106] : memref<2x10240x32xf32, #tpu.memory_space<hbm>> -> memref<1x10240x32xf32, #tpu.memory_space<hbm>>
      %dma_wait3A_108 = tpu.memref_squeeze %dma_wait3A_107 : memref<1x10240x32xf32, #tpu.memory_space<hbm>> -> memref<10240x32xf32, #tpu.memory_space<hbm>>
      %dma_wait3A_109 = arith.constant 0 : i32
      %dma_wait3A_110 = arith.constant 0 : i32
      %dma_wait3A_111 = tpu.memref_slice %dma_wait3A_108[%dma_wait3A_109, %dma_wait3A_110] : memref<10240x32xf32, #tpu.memory_space<hbm>> -> memref<10240x32xf32, #tpu.memory_space<hbm>>
      tpu.wait_indirect_dma semaphore(%arg13 : memref<!tpu.dma_semaphore, #tpu.memory_space<semaphore_mem>>) src(%dma_wait3A_111 : memref<10240x32xf32, #tpu.memory_space<hbm>>) dst(%arg7 : memref<128x32xf32, #tpu.memory_space<vmem>>)
      %mul3A_112 = arith.constant 128 : i32
      %mul3A_113 = arith.muli %add3A_101, %mul3A_112 : i32
      "tpu.region"() ({
        %run_scoped3A_233 = tpu.sem_alloc : memref<!tpu.dma_semaphore, #tpu.memory_space<semaphore_mem>>
        %dma_start3A_234 = tpu.memref_slice %arg6[%mul3A_113] : memref<20000xi32, #tpu.memory_space<vmem>> -> memref<128xi32, #tpu.memory_space<vmem>>
        %dma_start3A_235 = arith.constant 0 : i32
        %dma_start3A_236 = arith.constant 0 : i32
        %dma_start3A_237 = tpu.memref_slice %arg19[%dma_start3A_235, %dma_start3A_236] : memref<10240x32xf32, #tpu.memory_space<vmem_shared>> -> memref<10240x32xf32, #tpu.memory_space<vmem_shared>>
        tpu.enqueue_indirect_dma source(%arg7 : memref<128x32xf32, #tpu.memory_space<vmem>>) target(%dma_start3A_237 : memref<10240x32xf32, #tpu.memory_space<vmem_shared>>) offsets(%dma_start3A_234 : memref<128xi32, #tpu.memory_space<vmem>>) semaphore(%run_scoped3A_233 : memref<!tpu.dma_semaphore, #tpu.memory_space<semaphore_mem>>) {add = true}
        %dma_wait3A_238 = tpu.memref_slice %arg6[%mul3A_113] : memref<20000xi32, #tpu.memory_space<vmem>> -> memref<128xi32, #tpu.memory_space<vmem>>
        %dma_wait3A_239 = arith.constant 0 : i32
        %dma_wait3A_240 = arith.constant 0 : i32
        %dma_wait3A_241 = tpu.memref_slice %arg19[%dma_wait3A_239, %dma_wait3A_240] : memref<10240x32xf32, #tpu.memory_space<vmem_shared>> -> memref<10240x32xf32, #tpu.memory_space<vmem_shared>>
        tpu.wait_indirect_dma semaphore(%run_scoped3A_233 : memref<!tpu.dma_semaphore, #tpu.memory_space<semaphore_mem>>) src(%arg7 : memref<128x32xf32, #tpu.memory_space<vmem>>) dst(%dma_wait3A_241 : memref<10240x32xf32, #tpu.memory_space<vmem_shared>>)
        tpu.yield
      }) : () -> ()
      %add3A_114 = arith.constant 1 : i32
      %add3A_115 = arith.addi %scan3A_97, %add3A_114 : i32
      %lt3A = arith.constant 26 : i32
      %lt3A_116 = arith.cmpi slt, %add3A_115, %lt3A : i32
      %convert_element_type3A = arith.extui %lt3A_116 : i1 to i32
      %cond3A = arith.constant 0 : i32
      %cond3A_117 = arith.cmpi ne, %convert_element_type3A, %cond3A : i32
      scf.if %cond3A_117 {
        %add3A_233 = arith.constant 6 : i32
        %add3A_234 = arith.addi %add3A_101, %add3A_233 : i32
        %mul3A_235 = arith.constant 128 : i32
        %mul3A_236 = arith.muli %add3A_234, %mul3A_235 : i32
        %dma_start3A_237 = tpu.memref_slice %arg5[%mul3A_236] : memref<20000xi32, #tpu.memory_space<vmem>> -> memref<128xi32, #tpu.memory_space<vmem>>
        %dma_start3A_238 = arith.constant 0 : i32
        %dma_start3A_239 = arith.constant 0 : i32
        %dma_start3A_240 = tpu.memref_slice %arg2[%add3A_6, %dma_start3A_238, %dma_start3A_239] : memref<2x10240x32xf32, #tpu.memory_space<hbm>> -> memref<1x10240x32xf32, #tpu.memory_space<hbm>>
        %dma_start3A_241 = tpu.memref_squeeze %dma_start3A_240 : memref<1x10240x32xf32, #tpu.memory_space<hbm>> -> memref<10240x32xf32, #tpu.memory_space<hbm>>
        %dma_start3A_242 = arith.constant 0 : i32
        %dma_start3A_243 = arith.constant 0 : i32
        %dma_start3A_244 = tpu.memref_slice %dma_start3A_241[%dma_start3A_242, %dma_start3A_243] : memref<10240x32xf32, #tpu.memory_space<hbm>> -> memref<10240x32xf32, #tpu.memory_space<hbm>>
        tpu.enqueue_indirect_dma source(%dma_start3A_244 : memref<10240x32xf32, #tpu.memory_space<hbm>>) target(%arg7 : memref<128x32xf32, #tpu.memory_space<vmem>>) offsets(%dma_start3A_237 : memref<128xi32, #tpu.memory_space<vmem>>) semaphore(%arg13 : memref<!tpu.dma_semaphore, #tpu.memory_space<semaphore_mem>>)
      } else {
      }
      %mul3A_118 = arith.constant 6 : i32
      %mul3A_119 = arith.muli %scan3A_97, %mul3A_118 : i32
      %add3A_120 = arith.constant 1 : i32
      %add3A_121 = arith.addi %mul3A_119, %add3A_120 : i32
      %mul3A_122 = arith.constant 128 : i32
      %mul3A_123 = arith.muli %add3A_121, %mul3A_122 : i32
      %dma_wait3A_124 = tpu.memref_slice %arg5[%mul3A_123] : memref<20000xi32, #tpu.memory_space<vmem>> -> memref<128xi32, #tpu.memory_space<vmem>>
      %dma_wait3A_125 = arith.constant 0 : i32
      %dma_wait3A_126 = arith.constant 0 : i32
      %dma_wait3A_127 = tpu.memref_slice %arg2[%add3A_6, %dma_wait3A_125, %dma_wait3A_126] : memref<2x10240x32xf32, #tpu.memory_space<hbm>> -> memref<1x10240x32xf32, #tpu.memory_space<hbm>>
      %dma_wait3A_128 = tpu.memref_squeeze %dma_wait3A_127 : memref<1x10240x32xf32, #tpu.memory_space<hbm>> -> memref<10240x32xf32, #tpu.memory_space<hbm>>
      %dma_wait3A_129 = arith.constant 0 : i32
      %dma_wait3A_130 = arith.constant 0 : i32
      %dma_wait3A_131 = tpu.memref_slice %dma_wait3A_128[%dma_wait3A_129, %dma_wait3A_130] : memref<10240x32xf32, #tpu.memory_space<hbm>> -> memref<10240x32xf32, #tpu.memory_space<hbm>>
      tpu.wait_indirect_dma semaphore(%arg14 : memref<!tpu.dma_semaphore, #tpu.memory_space<semaphore_mem>>) src(%dma_wait3A_131 : memref<10240x32xf32, #tpu.memory_space<hbm>>) dst(%arg8 : memref<128x32xf32, #tpu.memory_space<vmem>>)
      %mul3A_132 = arith.constant 128 : i32
      %mul3A_133 = arith.muli %add3A_121, %mul3A_132 : i32
      "tpu.region"() ({
        %run_scoped3A_233 = tpu.sem_alloc : memref<!tpu.dma_semaphore, #tpu.memory_space<semaphore_mem>>
        %dma_start3A_234 = tpu.memref_slice %arg6[%mul3A_133] : memref<20000xi32, #tpu.memory_space<vmem>> -> memref<128xi32, #tpu.memory_space<vmem>>
        %dma_start3A_235 = arith.constant 0 : i32
        %dma_start3A_236 = arith.constant 0 : i32
        %dma_start3A_237 = tpu.memref_slice %arg19[%dma_start3A_235, %dma_start3A_236] : memref<10240x32xf32, #tpu.memory_space<vmem_shared>> -> memref<10240x32xf32, #tpu.memory_space<vmem_shared>>
        tpu.enqueue_indirect_dma source(%arg8 : memref<128x32xf32, #tpu.memory_space<vmem>>) target(%dma_start3A_237 : memref<10240x32xf32, #tpu.memory_space<vmem_shared>>) offsets(%dma_start3A_234 : memref<128xi32, #tpu.memory_space<vmem>>) semaphore(%run_scoped3A_233 : memref<!tpu.dma_semaphore, #tpu.memory_space<semaphore_mem>>) {add = true}
        %dma_wait3A_238 = tpu.memref_slice %arg6[%mul3A_133] : memref<20000xi32, #tpu.memory_space<vmem>> -> memref<128xi32, #tpu.memory_space<vmem>>
        %dma_wait3A_239 = arith.constant 0 : i32
        %dma_wait3A_240 = arith.constant 0 : i32
        %dma_wait3A_241 = tpu.memref_slice %arg19[%dma_wait3A_239, %dma_wait3A_240] : memref<10240x32xf32, #tpu.memory_space<vmem_shared>> -> memref<10240x32xf32, #tpu.memory_space<vmem_shared>>
        tpu.wait_indirect_dma semaphore(%run_scoped3A_233 : memref<!tpu.dma_semaphore, #tpu.memory_space<semaphore_mem>>) src(%arg8 : memref<128x32xf32, #tpu.memory_space<vmem>>) dst(%dma_wait3A_241 : memref<10240x32xf32, #tpu.memory_space<vmem_shared>>)
        tpu.yield
      }) : () -> ()
      %add3A_134 = arith.constant 1 : i32
      %add3A_135 = arith.addi %scan3A_97, %add3A_134 : i32
      %lt3A_136 = arith.constant 26 : i32
      %lt3A_137 = arith.cmpi slt, %add3A_135, %lt3A_136 : i32
      %convert_element_type3A_138 = arith.extui %lt3A_137 : i1 to i32
      %cond3A_139 = arith.constant 0 : i32
      %cond3A_140 = arith.cmpi ne, %convert_element_type3A_138, %cond3A_139 : i32
      scf.if %cond3A_140 {
        %add3A_233 = arith.constant 6 : i32
        %add3A_234 = arith.addi %add3A_121, %add3A_233 : i32
        %mul3A_235 = arith.constant 128 : i32
        %mul3A_236 = arith.muli %add3A_234, %mul3A_235 : i32
        %dma_start3A_237 = tpu.memref_slice %arg5[%mul3A_236] : memref<20000xi32, #tpu.memory_space<vmem>> -> memref<128xi32, #tpu.memory_space<vmem>>
        %dma_start3A_238 = arith.constant 0 : i32
        %dma_start3A_239 = arith.constant 0 : i32
        %dma_start3A_240 = tpu.memref_slice %arg2[%add3A_6, %dma_start3A_238, %dma_start3A_239] : memref<2x10240x32xf32, #tpu.memory_space<hbm>> -> memref<1x10240x32xf32, #tpu.memory_space<hbm>>
        %dma_start3A_241 = tpu.memref_squeeze %dma_start3A_240 : memref<1x10240x32xf32, #tpu.memory_space<hbm>> -> memref<10240x32xf32, #tpu.memory_space<hbm>>
        %dma_start3A_242 = arith.constant 0 : i32
        %dma_start3A_243 = arith.constant 0 : i32
        %dma_start3A_244 = tpu.memref_slice %dma_start3A_241[%dma_start3A_242, %dma_start3A_243] : memref<10240x32xf32, #tpu.memory_space<hbm>> -> memref<10240x32xf32, #tpu.memory_space<hbm>>
        tpu.enqueue_indirect_dma source(%dma_start3A_244 : memref<10240x32xf32, #tpu.memory_space<hbm>>) target(%arg8 : memref<128x32xf32, #tpu.memory_space<vmem>>) offsets(%dma_start3A_237 : memref<128xi32, #tpu.memory_space<vmem>>) semaphore(%arg14 : memref<!tpu.dma_semaphore, #tpu.memory_space<semaphore_mem>>)
      } else {
      }
      %mul3A_141 = arith.constant 6 : i32
      %mul3A_142 = arith.muli %scan3A_97, %mul3A_141 : i32
      %add3A_143 = arith.constant 2 : i32
      %add3A_144 = arith.addi %mul3A_142, %add3A_143 : i32
      %mul3A_145 = arith.constant 128 : i32
      %mul3A_146 = arith.muli %add3A_144, %mul3A_145 : i32
      %dma_wait3A_147 = tpu.memref_slice %arg5[%mul3A_146] : memref<20000xi32, #tpu.memory_space<vmem>> -> memref<128xi32, #tpu.memory_space<vmem>>
      %dma_wait3A_148 = arith.constant 0 : i32
      %dma_wait3A_149 = arith.constant 0 : i32
      %dma_wait3A_150 = tpu.memref_slice %arg2[%add3A_6, %dma_wait3A_148, %dma_wait3A_149] : memref<2x10240x32xf32, #tpu.memory_space<hbm>> -> memref<1x10240x32xf32, #tpu.memory_space<hbm>>
      %dma_wait3A_151 = tpu.memref_squeeze %dma_wait3A_150 : memref<1x10240x32xf32, #tpu.memory_space<hbm>> -> memref<10240x32xf32, #tpu.memory_space<hbm>>
      %dma_wait3A_152 = arith.constant 0 : i32
      %dma_wait3A_153 = arith.constant 0 : i32
      %dma_wait3A_154 = tpu.memref_slice %dma_wait3A_151[%dma_wait3A_152, %dma_wait3A_153] : memref<10240x32xf32, #tpu.memory_space<hbm>> -> memref<10240x32xf32, #tpu.memory_space<hbm>>
      tpu.wait_indirect_dma semaphore(%arg15 : memref<!tpu.dma_semaphore, #tpu.memory_space<semaphore_mem>>) src(%dma_wait3A_154 : memref<10240x32xf32, #tpu.memory_space<hbm>>) dst(%arg9 : memref<128x32xf32, #tpu.memory_space<vmem>>)
      %mul3A_155 = arith.constant 128 : i32
      %mul3A_156 = arith.muli %add3A_144, %mul3A_155 : i32
      "tpu.region"() ({
        %run_scoped3A_233 = tpu.sem_alloc : memref<!tpu.dma_semaphore, #tpu.memory_space<semaphore_mem>>
        %dma_start3A_234 = tpu.memref_slice %arg6[%mul3A_156] : memref<20000xi32, #tpu.memory_space<vmem>> -> memref<128xi32, #tpu.memory_space<vmem>>
        %dma_start3A_235 = arith.constant 0 : i32
        %dma_start3A_236 = arith.constant 0 : i32
        %dma_start3A_237 = tpu.memref_slice %arg19[%dma_start3A_235, %dma_start3A_236] : memref<10240x32xf32, #tpu.memory_space<vmem_shared>> -> memref<10240x32xf32, #tpu.memory_space<vmem_shared>>
        tpu.enqueue_indirect_dma source(%arg9 : memref<128x32xf32, #tpu.memory_space<vmem>>) target(%dma_start3A_237 : memref<10240x32xf32, #tpu.memory_space<vmem_shared>>) offsets(%dma_start3A_234 : memref<128xi32, #tpu.memory_space<vmem>>) semaphore(%run_scoped3A_233 : memref<!tpu.dma_semaphore, #tpu.memory_space<semaphore_mem>>) {add = true}
        %dma_wait3A_238 = tpu.memref_slice %arg6[%mul3A_156] : memref<20000xi32, #tpu.memory_space<vmem>> -> memref<128xi32, #tpu.memory_space<vmem>>
        %dma_wait3A_239 = arith.constant 0 : i32
        %dma_wait3A_240 = arith.constant 0 : i32
        %dma_wait3A_241 = tpu.memref_slice %arg19[%dma_wait3A_239, %dma_wait3A_240] : memref<10240x32xf32, #tpu.memory_space<vmem_shared>> -> memref<10240x32xf32, #tpu.memory_space<vmem_shared>>
        tpu.wait_indirect_dma semaphore(%run_scoped3A_233 : memref<!tpu.dma_semaphore, #tpu.memory_space<semaphore_mem>>) src(%arg9 : memref<128x32xf32, #tpu.memory_space<vmem>>) dst(%dma_wait3A_241 : memref<10240x32xf32, #tpu.memory_space<vmem_shared>>)
        tpu.yield
      }) : () -> ()
      %add3A_157 = arith.constant 1 : i32
      %add3A_158 = arith.addi %scan3A_97, %add3A_157 : i32
      %lt3A_159 = arith.constant 26 : i32
      %lt3A_160 = arith.cmpi slt, %add3A_158, %lt3A_159 : i32
      %convert_element_type3A_161 = arith.extui %lt3A_160 : i1 to i32
      %cond3A_162 = arith.constant 0 : i32
      %cond3A_163 = arith.cmpi ne, %convert_element_type3A_161, %cond3A_162 : i32
      scf.if %cond3A_163 {
        %add3A_233 = arith.constant 6 : i32
        %add3A_234 = arith.addi %add3A_144, %add3A_233 : i32
        %mul3A_235 = arith.constant 128 : i32
        %mul3A_236 = arith.muli %add3A_234, %mul3A_235 : i32
        %dma_start3A_237 = tpu.memref_slice %arg5[%mul3A_236] : memref<20000xi32, #tpu.memory_space<vmem>> -> memref<128xi32, #tpu.memory_space<vmem>>
        %dma_start3A_238 = arith.constant 0 : i32
        %dma_start3A_239 = arith.constant 0 : i32
        %dma_start3A_240 = tpu.memref_slice %arg2[%add3A_6, %dma_start3A_238, %dma_start3A_239] : memref<2x10240x32xf32, #tpu.memory_space<hbm>> -> memref<1x10240x32xf32, #tpu.memory_space<hbm>>
        %dma_start3A_241 = tpu.memref_squeeze %dma_start3A_240 : memref<1x10240x32xf32, #tpu.memory_space<hbm>> -> memref<10240x32xf32, #tpu.memory_space<hbm>>
        %dma_start3A_242 = arith.constant 0 : i32
        %dma_start3A_243 = arith.constant 0 : i32
        %dma_start3A_244 = tpu.memref_slice %dma_start3A_241[%dma_start3A_242, %dma_start3A_243] : memref<10240x32xf32, #tpu.memory_space<hbm>> -> memref<10240x32xf32, #tpu.memory_space<hbm>>
        tpu.enqueue_indirect_dma source(%dma_start3A_244 : memref<10240x32xf32, #tpu.memory_space<hbm>>) target(%arg9 : memref<128x32xf32, #tpu.memory_space<vmem>>) offsets(%dma_start3A_237 : memref<128xi32, #tpu.memory_space<vmem>>) semaphore(%arg15 : memref<!tpu.dma_semaphore, #tpu.memory_space<semaphore_mem>>)
      } else {
      }
      %mul3A_164 = arith.constant 6 : i32
      %mul3A_165 = arith.muli %scan3A_97, %mul3A_164 : i32
      %add3A_166 = arith.constant 3 : i32
      %add3A_167 = arith.addi %mul3A_165, %add3A_166 : i32
      %mul3A_168 = arith.constant 128 : i32
      %mul3A_169 = arith.muli %add3A_167, %mul3A_168 : i32
      %dma_wait3A_170 = tpu.memref_slice %arg5[%mul3A_169] : memref<20000xi32, #tpu.memory_space<vmem>> -> memref<128xi32, #tpu.memory_space<vmem>>
      %dma_wait3A_171 = arith.constant 0 : i32
      %dma_wait3A_172 = arith.constant 0 : i32
      %dma_wait3A_173 = tpu.memref_slice %arg2[%add3A_6, %dma_wait3A_171, %dma_wait3A_172] : memref<2x10240x32xf32, #tpu.memory_space<hbm>> -> memref<1x10240x32xf32, #tpu.memory_space<hbm>>
      %dma_wait3A_174 = tpu.memref_squeeze %dma_wait3A_173 : memref<1x10240x32xf32, #tpu.memory_space<hbm>> -> memref<10240x32xf32, #tpu.memory_space<hbm>>
      %dma_wait3A_175 = arith.constant 0 : i32
      %dma_wait3A_176 = arith.constant 0 : i32
      %dma_wait3A_177 = tpu.memref_slice %dma_wait3A_174[%dma_wait3A_175, %dma_wait3A_176] : memref<10240x32xf32, #tpu.memory_space<hbm>> -> memref<10240x32xf32, #tpu.memory_space<hbm>>
      tpu.wait_indirect_dma semaphore(%arg16 : memref<!tpu.dma_semaphore, #tpu.memory_space<semaphore_mem>>) src(%dma_wait3A_177 : memref<10240x32xf32, #tpu.memory_space<hbm>>) dst(%arg10 : memref<128x32xf32, #tpu.memory_space<vmem>>)
      %mul3A_178 = arith.constant 128 : i32
      %mul3A_179 = arith.muli %add3A_167, %mul3A_178 : i32
      "tpu.region"() ({
        %run_scoped3A_233 = tpu.sem_alloc : memref<!tpu.dma_semaphore, #tpu.memory_space<semaphore_mem>>
        %dma_start3A_234 = tpu.memref_slice %arg6[%mul3A_179] : memref<20000xi32, #tpu.memory_space<vmem>> -> memref<128xi32, #tpu.memory_space<vmem>>
        %dma_start3A_235 = arith.constant 0 : i32
        %dma_start3A_236 = arith.constant 0 : i32
        %dma_start3A_237 = tpu.memref_slice %arg19[%dma_start3A_235, %dma_start3A_236] : memref<10240x32xf32, #tpu.memory_space<vmem_shared>> -> memref<10240x32xf32, #tpu.memory_space<vmem_shared>>
        tpu.enqueue_indirect_dma source(%arg10 : memref<128x32xf32, #tpu.memory_space<vmem>>) target(%dma_start3A_237 : memref<10240x32xf32, #tpu.memory_space<vmem_shared>>) offsets(%dma_start3A_234 : memref<128xi32, #tpu.memory_space<vmem>>) semaphore(%run_scoped3A_233 : memref<!tpu.dma_semaphore, #tpu.memory_space<semaphore_mem>>) {add = true}
        %dma_wait3A_238 = tpu.memref_slice %arg6[%mul3A_179] : memref<20000xi32, #tpu.memory_space<vmem>> -> memref<128xi32, #tpu.memory_space<vmem>>
        %dma_wait3A_239 = arith.constant 0 : i32
        %dma_wait3A_240 = arith.constant 0 : i32
        %dma_wait3A_241 = tpu.memref_slice %arg19[%dma_wait3A_239, %dma_wait3A_240] : memref<10240x32xf32, #tpu.memory_space<vmem_shared>> -> memref<10240x32xf32, #tpu.memory_space<vmem_shared>>
        tpu.wait_indirect_dma semaphore(%run_scoped3A_233 : memref<!tpu.dma_semaphore, #tpu.memory_space<semaphore_mem>>) src(%arg10 : memref<128x32xf32, #tpu.memory_space<vmem>>) dst(%dma_wait3A_241 : memref<10240x32xf32, #tpu.memory_space<vmem_shared>>)
        tpu.yield
      }) : () -> ()
      %add3A_180 = arith.constant 1 : i32
      %add3A_181 = arith.addi %scan3A_97, %add3A_180 : i32
      %lt3A_182 = arith.constant 26 : i32
      %lt3A_183 = arith.cmpi slt, %add3A_181, %lt3A_182 : i32
      %convert_element_type3A_184 = arith.extui %lt3A_183 : i1 to i32
      %cond3A_185 = arith.constant 0 : i32
      %cond3A_186 = arith.cmpi ne, %convert_element_type3A_184, %cond3A_185 : i32
      scf.if %cond3A_186 {
        %add3A_233 = arith.constant 6 : i32
        %add3A_234 = arith.addi %add3A_167, %add3A_233 : i32
        %mul3A_235 = arith.constant 128 : i32
        %mul3A_236 = arith.muli %add3A_234, %mul3A_235 : i32
        %dma_start3A_237 = tpu.memref_slice %arg5[%mul3A_236] : memref<20000xi32, #tpu.memory_space<vmem>> -> memref<128xi32, #tpu.memory_space<vmem>>
        %dma_start3A_238 = arith.constant 0 : i32
        %dma_start3A_239 = arith.constant 0 : i32
        %dma_start3A_240 = tpu.memref_slice %arg2[%add3A_6, %dma_start3A_238, %dma_start3A_239] : memref<2x10240x32xf32, #tpu.memory_space<hbm>> -> memref<1x10240x32xf32, #tpu.memory_space<hbm>>
        %dma_start3A_241 = tpu.memref_squeeze %dma_start3A_240 : memref<1x10240x32xf32, #tpu.memory_space<hbm>> -> memref<10240x32xf32, #tpu.memory_space<hbm>>
        %dma_start3A_242 = arith.constant 0 : i32
        %dma_start3A_243 = arith.constant 0 : i32
        %dma_start3A_244 = tpu.memref_slice %dma_start3A_241[%dma_start3A_242, %dma_start3A_243] : memref<10240x32xf32, #tpu.memory_space<hbm>> -> memref<10240x32xf32, #tpu.memory_space<hbm>>
        tpu.enqueue_indirect_dma source(%dma_start3A_244 : memref<10240x32xf32, #tpu.memory_space<hbm>>) target(%arg10 : memref<128x32xf32, #tpu.memory_space<vmem>>) offsets(%dma_start3A_237 : memref<128xi32, #tpu.memory_space<vmem>>) semaphore(%arg16 : memref<!tpu.dma_semaphore, #tpu.memory_space<semaphore_mem>>)
      } else {
      }
      %mul3A_187 = arith.constant 6 : i32
      %mul3A_188 = arith.muli %scan3A_97, %mul3A_187 : i32
      %add3A_189 = arith.constant 4 : i32
      %add3A_190 = arith.addi %mul3A_188, %add3A_189 : i32
      %mul3A_191 = arith.constant 128 : i32
      %mul3A_192 = arith.muli %add3A_190, %mul3A_191 : i32
      %dma_wait3A_193 = tpu.memref_slice %arg5[%mul3A_192] : memref<20000xi32, #tpu.memory_space<vmem>> -> memref<128xi32, #tpu.memory_space<vmem>>
      %dma_wait3A_194 = arith.constant 0 : i32
      %dma_wait3A_195 = arith.constant 0 : i32
      %dma_wait3A_196 = tpu.memref_slice %arg2[%add3A_6, %dma_wait3A_194, %dma_wait3A_195] : memref<2x10240x32xf32, #tpu.memory_space<hbm>> -> memref<1x10240x32xf32, #tpu.memory_space<hbm>>
      %dma_wait3A_197 = tpu.memref_squeeze %dma_wait3A_196 : memref<1x10240x32xf32, #tpu.memory_space<hbm>> -> memref<10240x32xf32, #tpu.memory_space<hbm>>
      %dma_wait3A_198 = arith.constant 0 : i32
      %dma_wait3A_199 = arith.constant 0 : i32
      %dma_wait3A_200 = tpu.memref_slice %dma_wait3A_197[%dma_wait3A_198, %dma_wait3A_199] : memref<10240x32xf32, #tpu.memory_space<hbm>> -> memref<10240x32xf32, #tpu.memory_space<hbm>>
      tpu.wait_indirect_dma semaphore(%arg17 : memref<!tpu.dma_semaphore, #tpu.memory_space<semaphore_mem>>) src(%dma_wait3A_200 : memref<10240x32xf32, #tpu.memory_space<hbm>>) dst(%arg11 : memref<128x32xf32, #tpu.memory_space<vmem>>)
      %mul3A_201 = arith.constant 128 : i32
      %mul3A_202 = arith.muli %add3A_190, %mul3A_201 : i32
      "tpu.region"() ({
        %run_scoped3A_233 = tpu.sem_alloc : memref<!tpu.dma_semaphore, #tpu.memory_space<semaphore_mem>>
        %dma_start3A_234 = tpu.memref_slice %arg6[%mul3A_202] : memref<20000xi32, #tpu.memory_space<vmem>> -> memref<128xi32, #tpu.memory_space<vmem>>
        %dma_start3A_235 = arith.constant 0 : i32
        %dma_start3A_236 = arith.constant 0 : i32
        %dma_start3A_237 = tpu.memref_slice %arg19[%dma_start3A_235, %dma_start3A_236] : memref<10240x32xf32, #tpu.memory_space<vmem_shared>> -> memref<10240x32xf32, #tpu.memory_space<vmem_shared>>
        tpu.enqueue_indirect_dma source(%arg11 : memref<128x32xf32, #tpu.memory_space<vmem>>) target(%dma_start3A_237 : memref<10240x32xf32, #tpu.memory_space<vmem_shared>>) offsets(%dma_start3A_234 : memref<128xi32, #tpu.memory_space<vmem>>) semaphore(%run_scoped3A_233 : memref<!tpu.dma_semaphore, #tpu.memory_space<semaphore_mem>>) {add = true}
        %dma_wait3A_238 = tpu.memref_slice %arg6[%mul3A_202] : memref<20000xi32, #tpu.memory_space<vmem>> -> memref<128xi32, #tpu.memory_space<vmem>>
        %dma_wait3A_239 = arith.constant 0 : i32
        %dma_wait3A_240 = arith.constant 0 : i32
        %dma_wait3A_241 = tpu.memref_slice %arg19[%dma_wait3A_239, %dma_wait3A_240] : memref<10240x32xf32, #tpu.memory_space<vmem_shared>> -> memref<10240x32xf32, #tpu.memory_space<vmem_shared>>
        tpu.wait_indirect_dma semaphore(%run_scoped3A_233 : memref<!tpu.dma_semaphore, #tpu.memory_space<semaphore_mem>>) src(%arg11 : memref<128x32xf32, #tpu.memory_space<vmem>>) dst(%dma_wait3A_241 : memref<10240x32xf32, #tpu.memory_space<vmem_shared>>)
        tpu.yield
      }) : () -> ()
      %add3A_203 = arith.constant 1 : i32
      %add3A_204 = arith.addi %scan3A_97, %add3A_203 : i32
      %lt3A_205 = arith.constant 26 : i32
      %lt3A_206 = arith.cmpi slt, %add3A_204, %lt3A_205 : i32
      %convert_element_type3A_207 = arith.extui %lt3A_206 : i1 to i32
      %cond3A_208 = arith.constant 0 : i32
      %cond3A_209 = arith.cmpi ne, %convert_element_type3A_207, %cond3A_208 : i32
      scf.if %cond3A_209 {
        %add3A_233 = arith.constant 6 : i32
        %add3A_234 = arith.addi %add3A_190, %add3A_233 : i32
        %mul3A_235 = arith.constant 128 : i32
        %mul3A_236 = arith.muli %add3A_234, %mul3A_235 : i32
        %dma_start3A_237 = tpu.memref_slice %arg5[%mul3A_236] : memref<20000xi32, #tpu.memory_space<vmem>> -> memref<128xi32, #tpu.memory_space<vmem>>
        %dma_start3A_238 = arith.constant 0 : i32
        %dma_start3A_239 = arith.constant 0 : i32
        %dma_start3A_240 = tpu.memref_slice %arg2[%add3A_6, %dma_start3A_238, %dma_start3A_239] : memref<2x10240x32xf32, #tpu.memory_space<hbm>> -> memref<1x10240x32xf32, #tpu.memory_space<hbm>>
        %dma_start3A_241 = tpu.memref_squeeze %dma_start3A_240 : memref<1x10240x32xf32, #tpu.memory_space<hbm>> -> memref<10240x32xf32, #tpu.memory_space<hbm>>
        %dma_start3A_242 = arith.constant 0 : i32
        %dma_start3A_243 = arith.constant 0 : i32
        %dma_start3A_244 = tpu.memref_slice %dma_start3A_241[%dma_start3A_242, %dma_start3A_243] : memref<10240x32xf32, #tpu.memory_space<hbm>> -> memref<10240x32xf32, #tpu.memory_space<hbm>>
        tpu.enqueue_indirect_dma source(%dma_start3A_244 : memref<10240x32xf32, #tpu.memory_space<hbm>>) target(%arg11 : memref<128x32xf32, #tpu.memory_space<vmem>>) offsets(%dma_start3A_237 : memref<128xi32, #tpu.memory_space<vmem>>) semaphore(%arg17 : memref<!tpu.dma_semaphore, #tpu.memory_space<semaphore_mem>>)
      } else {
      }
      %mul3A_210 = arith.constant 6 : i32
      %mul3A_211 = arith.muli %scan3A_97, %mul3A_210 : i32
      %add3A_212 = arith.constant 5 : i32
      %add3A_213 = arith.addi %mul3A_211, %add3A_212 : i32
      %mul3A_214 = arith.constant 128 : i32
      %mul3A_215 = arith.muli %add3A_213, %mul3A_214 : i32
      %dma_wait3A_216 = tpu.memref_slice %arg5[%mul3A_215] : memref<20000xi32, #tpu.memory_space<vmem>> -> memref<128xi32, #tpu.memory_space<vmem>>
      %dma_wait3A_217 = arith.constant 0 : i32
      %dma_wait3A_218 = arith.constant 0 : i32
      %dma_wait3A_219 = tpu.memref_slice %arg2[%add3A_6, %dma_wait3A_217, %dma_wait3A_218] : memref<2x10240x32xf32, #tpu.memory_space<hbm>> -> memref<1x10240x32xf32, #tpu.memory_space<hbm>>
      %dma_wait3A_220 = tpu.memref_squeeze %dma_wait3A_219 : memref<1x10240x32xf32, #tpu.memory_space<hbm>> -> memref<10240x32xf32, #tpu.memory_space<hbm>>
      %dma_wait3A_221 = arith.constant 0 : i32
      %dma_wait3A_222 = arith.constant 0 : i32
      %dma_wait3A_223 = tpu.memref_slice %dma_wait3A_220[%dma_wait3A_221, %dma_wait3A_222] : memref<10240x32xf32, #tpu.memory_space<hbm>> -> memref<10240x32xf32, #tpu.memory_space<hbm>>
      tpu.wait_indirect_dma semaphore(%arg18 : memref<!tpu.dma_semaphore, #tpu.memory_space<semaphore_mem>>) src(%dma_wait3A_223 : memref<10240x32xf32, #tpu.memory_space<hbm>>) dst(%arg12 : memref<128x32xf32, #tpu.memory_space<vmem>>)
      %mul3A_224 = arith.constant 128 : i32
      %mul3A_225 = arith.muli %add3A_213, %mul3A_224 : i32
      "tpu.region"() ({
        %run_scoped3A_233 = tpu.sem_alloc : memref<!tpu.dma_semaphore, #tpu.memory_space<semaphore_mem>>
        %dma_start3A_234 = tpu.memref_slice %arg6[%mul3A_225] : memref<20000xi32, #tpu.memory_space<vmem>> -> memref<128xi32, #tpu.memory_space<vmem>>
        %dma_start3A_235 = arith.constant 0 : i32
        %dma_start3A_236 = arith.constant 0 : i32
        %dma_start3A_237 = tpu.memref_slice %arg19[%dma_start3A_235, %dma_start3A_236] : memref<10240x32xf32, #tpu.memory_space<vmem_shared>> -> memref<10240x32xf32, #tpu.memory_space<vmem_shared>>
        tpu.enqueue_indirect_dma source(%arg12 : memref<128x32xf32, #tpu.memory_space<vmem>>) target(%dma_start3A_237 : memref<10240x32xf32, #tpu.memory_space<vmem_shared>>) offsets(%dma_start3A_234 : memref<128xi32, #tpu.memory_space<vmem>>) semaphore(%run_scoped3A_233 : memref<!tpu.dma_semaphore, #tpu.memory_space<semaphore_mem>>) {add = true}
        %dma_wait3A_238 = tpu.memref_slice %arg6[%mul3A_225] : memref<20000xi32, #tpu.memory_space<vmem>> -> memref<128xi32, #tpu.memory_space<vmem>>
        %dma_wait3A_239 = arith.constant 0 : i32
        %dma_wait3A_240 = arith.constant 0 : i32
        %dma_wait3A_241 = tpu.memref_slice %arg19[%dma_wait3A_239, %dma_wait3A_240] : memref<10240x32xf32, #tpu.memory_space<vmem_shared>> -> memref<10240x32xf32, #tpu.memory_space<vmem_shared>>
        tpu.wait_indirect_dma semaphore(%run_scoped3A_233 : memref<!tpu.dma_semaphore, #tpu.memory_space<semaphore_mem>>) src(%arg12 : memref<128x32xf32, #tpu.memory_space<vmem>>) dst(%dma_wait3A_241 : memref<10240x32xf32, #tpu.memory_space<vmem_shared>>)
        tpu.yield
      }) : () -> ()
      %add3A_226 = arith.constant 1 : i32
      %add3A_227 = arith.addi %scan3A_97, %add3A_226 : i32
      %lt3A_228 = arith.constant 26 : i32
      %lt3A_229 = arith.cmpi slt, %add3A_227, %lt3A_228 : i32
      %convert_element_type3A_230 = arith.extui %lt3A_229 : i1 to i32
      %cond3A_231 = arith.constant 0 : i32
      %cond3A_232 = arith.cmpi ne, %convert_element_type3A_230, %cond3A_231 : i32
      scf.if %cond3A_232 {
        %add3A_233 = arith.constant 6 : i32
        %add3A_234 = arith.addi %add3A_213, %add3A_233 : i32
        %mul3A_235 = arith.constant 128 : i32
        %mul3A_236 = arith.muli %add3A_234, %mul3A_235 : i32
        %dma_start3A_237 = tpu.memref_slice %arg5[%mul3A_236] : memref<20000xi32, #tpu.memory_space<vmem>> -> memref<128xi32, #tpu.memory_space<vmem>>
        %dma_start3A_238 = arith.constant 0 : i32
        %dma_start3A_239 = arith.constant 0 : i32
        %dma_start3A_240 = tpu.memref_slice %arg2[%add3A_6, %dma_start3A_238, %dma_start3A_239] : memref<2x10240x32xf32, #tpu.memory_space<hbm>> -> memref<1x10240x32xf32, #tpu.memory_space<hbm>>
        %dma_start3A_241 = tpu.memref_squeeze %dma_start3A_240 : memref<1x10240x32xf32, #tpu.memory_space<hbm>> -> memref<10240x32xf32, #tpu.memory_space<hbm>>
        %dma_start3A_242 = arith.constant 0 : i32
        %dma_start3A_243 = arith.constant 0 : i32
        %dma_start3A_244 = tpu.memref_slice %dma_start3A_241[%dma_start3A_242, %dma_start3A_243] : memref<10240x32xf32, #tpu.memory_space<hbm>> -> memref<10240x32xf32, #tpu.memory_space<hbm>>
        tpu.enqueue_indirect_dma source(%dma_start3A_244 : memref<10240x32xf32, #tpu.memory_space<hbm>>) target(%arg12 : memref<128x32xf32, #tpu.memory_space<vmem>>) offsets(%dma_start3A_237 : memref<128xi32, #tpu.memory_space<vmem>>) semaphore(%arg18 : memref<!tpu.dma_semaphore, #tpu.memory_space<semaphore_mem>>)
      } else {
      }
    }
    %scan3A_68 = arith.constant 26 : i32
    %dma_start3A_69 = arith.constant 0 : i32
    %dma_start3A_70 = arith.constant 0 : i32
    %dma_start3A_71 = tpu.memref_slice %arg7[%dma_start3A_69, %dma_start3A_70] : memref<128x32xf32, #tpu.memory_space<vmem>> -> memref<32x32xf32, #tpu.memory_space<vmem>>
    %dma_start3A_72 = arith.constant 19968 : i32
    %dma_start3A_73 = tpu.memref_slice %arg5[%dma_start3A_72] : memref<20000xi32, #tpu.memory_space<vmem>> -> memref<32xi32, #tpu.memory_space<vmem>>
    %dma_start3A_74 = arith.constant 0 : i32
    %dma_start3A_75 = arith.constant 0 : i32
    %dma_start3A_76 = tpu.memref_slice %arg2[%add3A_6, %dma_start3A_74, %dma_start3A_75] : memref<2x10240x32xf32, #tpu.memory_space<hbm>> -> memref<1x10240x32xf32, #tpu.memory_space<hbm>>
    %dma_start3A_77 = tpu.memref_squeeze %dma_start3A_76 : memref<1x10240x32xf32, #tpu.memory_space<hbm>> -> memref<10240x32xf32, #tpu.memory_space<hbm>>
    %dma_start3A_78 = arith.constant 0 : i32
    %dma_start3A_79 = arith.constant 0 : i32
    %dma_start3A_80 = tpu.memref_slice %dma_start3A_77[%dma_start3A_78, %dma_start3A_79] : memref<10240x32xf32, #tpu.memory_space<hbm>> -> memref<10240x32xf32, #tpu.memory_space<hbm>>
    tpu.enqueue_indirect_dma source(%dma_start3A_80 : memref<10240x32xf32, #tpu.memory_space<hbm>>) target(%dma_start3A_71 : memref<32x32xf32, #tpu.memory_space<vmem>>) offsets(%dma_start3A_73 : memref<32xi32, #tpu.memory_space<vmem>>) semaphore(%arg13 : memref<!tpu.dma_semaphore, #tpu.memory_space<semaphore_mem>>)
    %dma_wait3A = arith.constant 0 : i32
    %dma_wait3A_81 = arith.constant 0 : i32
    %dma_wait3A_82 = tpu.memref_slice %arg7[%dma_wait3A, %dma_wait3A_81] : memref<128x32xf32, #tpu.memory_space<vmem>> -> memref<32x32xf32, #tpu.memory_space<vmem>>
    %dma_wait3A_83 = arith.constant 19968 : i32
    %dma_wait3A_84 = tpu.memref_slice %arg5[%dma_wait3A_83] : memref<20000xi32, #tpu.memory_space<vmem>> -> memref<32xi32, #tpu.memory_space<vmem>>
    %dma_wait3A_85 = arith.constant 0 : i32
    %dma_wait3A_86 = arith.constant 0 : i32
    %dma_wait3A_87 = tpu.memref_slice %arg2[%add3A_6, %dma_wait3A_85, %dma_wait3A_86] : memref<2x10240x32xf32, #tpu.memory_space<hbm>> -> memref<1x10240x32xf32, #tpu.memory_space<hbm>>
    %dma_wait3A_88 = tpu.memref_squeeze %dma_wait3A_87 : memref<1x10240x32xf32, #tpu.memory_space<hbm>> -> memref<10240x32xf32, #tpu.memory_space<hbm>>
    %dma_wait3A_89 = arith.constant 0 : i32
    %dma_wait3A_90 = arith.constant 0 : i32
    %dma_wait3A_91 = tpu.memref_slice %dma_wait3A_88[%dma_wait3A_89, %dma_wait3A_90] : memref<10240x32xf32, #tpu.memory_space<hbm>> -> memref<10240x32xf32, #tpu.memory_space<hbm>>
    tpu.wait_indirect_dma semaphore(%arg13 : memref<!tpu.dma_semaphore, #tpu.memory_space<semaphore_mem>>) src(%dma_wait3A_91 : memref<10240x32xf32, #tpu.memory_space<hbm>>) dst(%dma_wait3A_82 : memref<32x32xf32, #tpu.memory_space<vmem>>)
    "tpu.region"() ({
      %run_scoped3A_97 = tpu.sem_alloc : memref<!tpu.dma_semaphore, #tpu.memory_space<semaphore_mem>>
      %dma_start3A_98 = arith.constant 0 : i32
      %dma_start3A_99 = arith.constant 0 : i32
      %dma_start3A_100 = tpu.memref_slice %arg7[%dma_start3A_98, %dma_start3A_99] : memref<128x32xf32, #tpu.memory_space<vmem>> -> memref<32x32xf32, #tpu.memory_space<vmem>>
      %dma_start3A_101 = arith.constant 19968 : i32
      %dma_start3A_102 = tpu.memref_slice %arg6[%dma_start3A_101] : memref<20000xi32, #tpu.memory_space<vmem>> -> memref<32xi32, #tpu.memory_space<vmem>>
      %dma_start3A_103 = arith.constant 0 : i32
      %dma_start3A_104 = arith.constant 0 : i32
      %dma_start3A_105 = tpu.memref_slice %arg19[%dma_start3A_103, %dma_start3A_104] : memref<10240x32xf32, #tpu.memory_space<vmem_shared>> -> memref<10240x32xf32, #tpu.memory_space<vmem_shared>>
      tpu.enqueue_indirect_dma source(%dma_start3A_100 : memref<32x32xf32, #tpu.memory_space<vmem>>) target(%dma_start3A_105 : memref<10240x32xf32, #tpu.memory_space<vmem_shared>>) offsets(%dma_start3A_102 : memref<32xi32, #tpu.memory_space<vmem>>) semaphore(%run_scoped3A_97 : memref<!tpu.dma_semaphore, #tpu.memory_space<semaphore_mem>>) {add = true}
      %dma_wait3A_106 = arith.constant 0 : i32
      %dma_wait3A_107 = arith.constant 0 : i32
      %dma_wait3A_108 = tpu.memref_slice %arg7[%dma_wait3A_106, %dma_wait3A_107] : memref<128x32xf32, #tpu.memory_space<vmem>> -> memref<32x32xf32, #tpu.memory_space<vmem>>
      %dma_wait3A_109 = arith.constant 19968 : i32
      %dma_wait3A_110 = tpu.memref_slice %arg6[%dma_wait3A_109] : memref<20000xi32, #tpu.memory_space<vmem>> -> memref<32xi32, #tpu.memory_space<vmem>>
      %dma_wait3A_111 = arith.constant 0 : i32
      %dma_wait3A_112 = arith.constant 0 : i32
      %dma_wait3A_113 = tpu.memref_slice %arg19[%dma_wait3A_111, %dma_wait3A_112] : memref<10240x32xf32, #tpu.memory_space<vmem_shared>> -> memref<10240x32xf32, #tpu.memory_space<vmem_shared>>
      tpu.wait_indirect_dma semaphore(%run_scoped3A_97 : memref<!tpu.dma_semaphore, #tpu.memory_space<semaphore_mem>>) src(%dma_wait3A_108 : memref<32x32xf32, #tpu.memory_space<vmem>>) dst(%dma_wait3A_113 : memref<10240x32xf32, #tpu.memory_space<vmem_shared>>)
      tpu.yield
    }) : () -> ()
    %barrier3A_92 = arith.constant 0 : index
    tpu.barrier barrier_id(%barrier3A_92)
    %mul3A_93 = arith.constant 640 : i32
    %mul3A_94 = arith.muli %arg1, %mul3A_93 : i32
    %mul3A_95 = arith.constant 640 : i32
    %mul3A_96 = arith.muli %arg1, %mul3A_95 : i32
    "tpu.region"() ({
      %run_scoped3A_97 = tpu.sem_alloc : memref<!tpu.dma_semaphore, #tpu.memory_space<semaphore_mem>>
      %dma_start3A_98 = arith.constant 0 : i32
      %dma_start3A_99 = tpu.memref_slice %arg4[%add3A_6, %mul3A_96, %dma_start3A_98] : memref<2x10240x32xf32, #tpu.memory_space<hbm>> -> memref<1x640x32xf32, #tpu.memory_space<hbm>>
      %dma_start3A_100 = tpu.memref_squeeze %dma_start3A_99 : memref<1x640x32xf32, #tpu.memory_space<hbm>> -> memref<640x32xf32, #tpu.memory_space<hbm>>
      %dma_start3A_101 = arith.constant 0 : i32
      %dma_start3A_102 = tpu.memref_slice %arg19[%mul3A_94, %dma_start3A_101] : memref<10240x32xf32, #tpu.memory_space<vmem_shared>> -> memref<640x32xf32, #tpu.memory_space<vmem_shared>>
      tpu.enqueue_dma source(%dma_start3A_102 : memref<640x32xf32, #tpu.memory_space<vmem_shared>>) target(%dma_start3A_100 : memref<640x32xf32, #tpu.memory_space<hbm>>) target_semaphore(%run_scoped3A_97 : memref<!tpu.dma_semaphore, #tpu.memory_space<semaphore_mem>>)
      %dma_wait3A_103 = arith.constant 0 : i32
      %dma_wait3A_104 = tpu.memref_slice %arg4[%add3A_6, %mul3A_96, %dma_wait3A_103] : memref<2x10240x32xf32, #tpu.memory_space<hbm>> -> memref<1x640x32xf32, #tpu.memory_space<hbm>>
      %dma_wait3A_105 = tpu.memref_squeeze %dma_wait3A_104 : memref<1x640x32xf32, #tpu.memory_space<hbm>> -> memref<640x32xf32, #tpu.memory_space<hbm>>
      %dma_wait3A_106 = arith.constant 0 : i32
      %dma_wait3A_107 = tpu.memref_slice %arg19[%mul3A_94, %dma_wait3A_106] : memref<10240x32xf32, #tpu.memory_space<vmem_shared>> -> memref<640x32xf32, #tpu.memory_space<vmem_shared>>
      tpu.wait_dma2 semaphore(%run_scoped3A_97 : memref<!tpu.dma_semaphore, #tpu.memory_space<semaphore_mem>>) src(%dma_wait3A_107 : memref<640x32xf32, #tpu.memory_space<vmem_shared>>) dst(%dma_wait3A_105 : memref<640x32xf32, #tpu.memory_space<hbm>>)
      tpu.yield
    }) : () -> ()
    return
  }
}

module attributes {stable_mosaic.version = 14 : i64} {
  func.func @_mm1_body(%arg0: i32, %arg1: memref<1000x128xf32, #tpu.memory_space<vmem>>, %arg2: memref<128x256xf32, #tpu.memory_space<vmem>>, %arg3: memref<2x1000x16xf32, #tpu.memory_space<vmem>>, %arg4: memref<4x1000x64xf32, #tpu.memory_space<vmem>>) attributes {dimension_semantics = [#tpu.dimension_semantics<arbitrary>], iteration_bounds = array<i64: 10>, scalar_prefetch = 0 : i64, scratch_operands = 0 : i64, tpu.core_type = #tpu.core_type<tc>, window_params = [{transform_indices = @transform_0, window_bounds = array<i64: 1000, 128>}, {pipeline_mode = #tpu.pipeline_mode<synchronous>, transform_indices = @transform_1, window_bounds = array<i64: 128, 256>}, {transform_indices = @transform_2, window_bounds = array<i64: 2, 1000, 16>}, {transform_indices = @transform_3, window_bounds = array<i64: 4, 1000, 64>}]} {
    %get3A = arith.constant 0 : index
    %get3A_0 = arith.constant 0 : index
    %get3A_1 = arith.constant 0 : index
    %get3A_2 = vector.load %arg3[%get3A, %get3A_0, %get3A_1] : memref<2x1000x16xf32, #tpu.memory_space<vmem>>, vector<1x1000x1xf32>
    %get3A_3 = vector.shape_cast %get3A_2 : vector<1x1000x1xf32> to vector<1000x1xf32>
    %get3A_4 = arith.constant 1 : index
    %get3A_5 = arith.constant 0 : index
    %get3A_6 = arith.constant 0 : index
    %get3A_7 = vector.load %arg3[%get3A_4, %get3A_5, %get3A_6] : memref<2x1000x16xf32, #tpu.memory_space<vmem>>, vector<1x1000x1xf32>
    %get3A_8 = vector.shape_cast %get3A_7 : vector<1x1000x1xf32> to vector<1000x1xf32>
    %add3A = arith.addf %get3A_3, %get3A_8 : vector<1000x1xf32>
    %add3A_9 = arith.constant 1.000000e+00 : f32
    %add3A_10 = vector.broadcast %add3A_9 : f32 to vector<1000x1xf32>
    %add3A_11 = arith.addf %add3A, %add3A_10 : vector<1000x1xf32>
    %rsqrt3A = math.rsqrt %add3A_11 : vector<1000x1xf32>
    %get3A_12 = arith.constant 0 : index
    %get3A_13 = arith.constant 0 : index
    %get3A_14 = vector.load %arg1[%get3A_12, %get3A_13] : memref<1000x128xf32, #tpu.memory_space<vmem>>, vector<1000x128xf32>
    %get3A_15 = arith.constant 0 : index
    %get3A_16 = arith.constant 0 : index
    %get3A_17 = vector.load %arg2[%get3A_15, %get3A_16] : memref<128x256xf32, #tpu.memory_space<vmem>>, vector<128x256xf32>
    %dot_general3A = arith.constant dense<0.000000e+00> : vector<1000x256xf32>
    %dot_general3A_18 = tpu.matmul %get3A_14, %get3A_17, %dot_general3A {dimension_numbers = #tpu.dot_dimension_numbers<[1], [0], [0], [1], [0, 0, 1, 1], [], []>, transpose_lhs_hint = false} : vector<1000x128xf32>, vector<128x256xf32>, vector<1000x256xf32> -> vector<1000x256xf32>
    %mul3A = vector.broadcast %rsqrt3A : vector<1000x1xf32> to vector<1000x256xf32>
    %mul3A_19 = arith.mulf %dot_general3A_18, %mul3A : vector<1000x256xf32>
    %slice3A = vector.extract_strided_slice %mul3A_19 {offsets = [0, 0], sizes = [1000, 64], strides = [1, 1]} : vector<1000x256xf32> to vector<1000x64xf32>
    %swap3A = arith.constant 0 : index
    %swap3A_20 = arith.constant 0 : index
    %swap3A_21 = arith.constant 0 : index
    %swap3A_22 = vector.load %arg4[%swap3A, %swap3A_20, %swap3A_21] : memref<4x1000x64xf32, #tpu.memory_space<vmem>>, vector<1x1000x64xf32>
    %swap3A_23 = vector.shape_cast %swap3A_22 : vector<1x1000x64xf32> to vector<1000x64xf32>
    %swap3A_24 = vector.shape_cast %slice3A : vector<1000x64xf32> to vector<1x1000x64xf32>
    tpu.vector_store %arg4[%swap3A, %swap3A_20, %swap3A_21], %swap3A_24 {strides = array<i32>} : memref<4x1000x64xf32, #tpu.memory_space<vmem>>, vector<1x1000x64xf32>,
    %slice3A_25 = vector.extract_strided_slice %mul3A_19 {offsets = [0, 64], sizes = [1000, 64], strides = [1, 1]} : vector<1000x256xf32> to vector<1000x64xf32>
    %swap3A_26 = arith.constant 1 : index
    %swap3A_27 = arith.constant 0 : index
    %swap3A_28 = arith.constant 0 : index
    %swap3A_29 = vector.load %arg4[%swap3A_26, %swap3A_27, %swap3A_28] : memref<4x1000x64xf32, #tpu.memory_space<vmem>>, vector<1x1000x64xf32>
    %swap3A_30 = vector.shape_cast %swap3A_29 : vector<1x1000x64xf32> to vector<1000x64xf32>
    %swap3A_31 = vector.shape_cast %slice3A_25 : vector<1000x64xf32> to vector<1x1000x64xf32>
    tpu.vector_store %arg4[%swap3A_26, %swap3A_27, %swap3A_28], %swap3A_31 {strides = array<i32>} : memref<4x1000x64xf32, #tpu.memory_space<vmem>>, vector<1x1000x64xf32>,
    %slice3A_32 = vector.extract_strided_slice %mul3A_19 {offsets = [0, 128], sizes = [1000, 64], strides = [1, 1]} : vector<1000x256xf32> to vector<1000x64xf32>
    %swap3A_33 = arith.constant 2 : index
    %swap3A_34 = arith.constant 0 : index
    %swap3A_35 = arith.constant 0 : index
    %swap3A_36 = vector.load %arg4[%swap3A_33, %swap3A_34, %swap3A_35] : memref<4x1000x64xf32, #tpu.memory_space<vmem>>, vector<1x1000x64xf32>
    %swap3A_37 = vector.shape_cast %swap3A_36 : vector<1x1000x64xf32> to vector<1000x64xf32>
    %swap3A_38 = vector.shape_cast %slice3A_32 : vector<1000x64xf32> to vector<1x1000x64xf32>
    tpu.vector_store %arg4[%swap3A_33, %swap3A_34, %swap3A_35], %swap3A_38 {strides = array<i32>} : memref<4x1000x64xf32, #tpu.memory_space<vmem>>, vector<1x1000x64xf32>,
    %slice3A_39 = vector.extract_strided_slice %mul3A_19 {offsets = [0, 192], sizes = [1000, 64], strides = [1, 1]} : vector<1000x256xf32> to vector<1000x64xf32>
    %swap3A_40 = arith.constant 3 : index
    %swap3A_41 = arith.constant 0 : index
    %swap3A_42 = arith.constant 0 : index
    %swap3A_43 = vector.load %arg4[%swap3A_40, %swap3A_41, %swap3A_42] : memref<4x1000x64xf32, #tpu.memory_space<vmem>>, vector<1x1000x64xf32>
    %swap3A_44 = vector.shape_cast %swap3A_43 : vector<1x1000x64xf32> to vector<1000x64xf32>
    %swap3A_45 = vector.shape_cast %slice3A_39 : vector<1000x64xf32> to vector<1x1000x64xf32>
    tpu.vector_store %arg4[%swap3A_40, %swap3A_41, %swap3A_42], %swap3A_45 {strides = array<i32>} : memref<4x1000x64xf32, #tpu.memory_space<vmem>>, vector<1x1000x64xf32>,
    return
  }
  func.func @transform_0(%arg0: i32) -> (i32, i32) {
    %c0_i32 = arith.constant 0 : i32
    %c0_i32_0 = arith.constant 0 : i32
    return %arg0, %c0_i32 : i32, i32
  }
  func.func @transform_1(%arg0: i32) -> (i32, i32) {
    %c0_i32 = arith.constant 0 : i32
    %c0_i32_0 = arith.constant 0 : i32
    %c0_i32_1 = arith.constant 0 : i32
    return %c0_i32, %c0_i32_0 : i32, i32
  }
  func.func @transform_2(%arg0: i32) -> (i32, i32, i32) {
    %c0_i32 = arith.constant 0 : i32
    %c0_i32_0 = arith.constant 0 : i32
    %c0_i32_1 = arith.constant 0 : i32
    return %c0_i32, %arg0, %c0_i32_0 : i32, i32, i32
  }
  func.func @transform_3(%arg0: i32) -> (i32, i32, i32) {
    %c0_i32 = arith.constant 0 : i32
    %c0_i32_0 = arith.constant 0 : i32
    %c0_i32_1 = arith.constant 0 : i32
    return %c0_i32, %arg0, %c0_i32_0 : i32, i32, i32
  }
}

module attributes {stable_mosaic.version = 14 : i64} {
  func.func @_mm2_body(%arg0: i32, %arg1: memref<4x1024x64xf32, #tpu.memory_space<vmem>>, %arg2: memref<2x1024x16xf32, #tpu.memory_space<vmem>>, %arg3: memref<4x1x64xf32, #tpu.memory_space<vmem>>, %arg4: memref<4x64x64xf32, #tpu.memory_space<vmem>>, %arg5: memref<2x1024x32xf32, #tpu.memory_space<vmem>>) attributes {dimension_semantics = [#tpu.dimension_semantics<arbitrary>], iteration_bounds = array<i64: 10>, scalar_prefetch = 0 : i64, scratch_operands = 0 : i64, tpu.core_type = #tpu.core_type<tc>, window_params = [{transform_indices = @transform_0, window_bounds = array<i64: 4, 1024, 64>}, {transform_indices = @transform_1, window_bounds = array<i64: 2, 1024, 16>}, {pipeline_mode = #tpu.pipeline_mode<synchronous>, transform_indices = @transform_2, window_bounds = array<i64: 4, 1, 64>}, {pipeline_mode = #tpu.pipeline_mode<synchronous>, transform_indices = @transform_3, window_bounds = array<i64: 4, 64, 64>}, {transform_indices = @transform_4, window_bounds = array<i64: 2, 1024, 32>}]} {
    %get3A = arith.constant 0 : index
    %get3A_0 = arith.constant 0 : index
    %get3A_1 = arith.constant 0 : index
    %get3A_2 = vector.load %arg2[%get3A, %get3A_0, %get3A_1] : memref<2x1024x16xf32, #tpu.memory_space<vmem>>, vector<1x1024x1xf32>
    %get3A_3 = vector.shape_cast %get3A_2 : vector<1x1024x1xf32> to vector<1024x1xf32>
    %get3A_4 = arith.constant 1 : index
    %get3A_5 = arith.constant 0 : index
    %get3A_6 = arith.constant 0 : index
    %get3A_7 = vector.load %arg2[%get3A_4, %get3A_5, %get3A_6] : memref<2x1024x16xf32, #tpu.memory_space<vmem>>, vector<1x1024x1xf32>
    %get3A_8 = vector.shape_cast %get3A_7 : vector<1x1024x1xf32> to vector<1024x1xf32>
    %add3A = arith.addf %get3A_3, %get3A_8 : vector<1024x1xf32>
    %add3A_9 = arith.constant 1.000000e+00 : f32
    %add3A_10 = vector.broadcast %add3A_9 : f32 to vector<1024x1xf32>
    %add3A_11 = arith.addf %add3A, %add3A_10 : vector<1024x1xf32>
    %rsqrt3A = math.rsqrt %add3A_11 : vector<1024x1xf32>
    %get3A_12 = arith.constant 0 : index
    %get3A_13 = arith.constant 0 : index
    %get3A_14 = arith.constant 0 : index
    %get3A_15 = vector.load %arg1[%get3A_12, %get3A_13, %get3A_14] : memref<4x1024x64xf32, #tpu.memory_space<vmem>>, vector<1x1024x64xf32>
    %get3A_16 = vector.shape_cast %get3A_15 : vector<1x1024x64xf32> to vector<1024x64xf32>
    %mul3A = vector.broadcast %rsqrt3A : vector<1024x1xf32> to vector<1024x64xf32>
    %mul3A_17 = arith.mulf %get3A_16, %mul3A : vector<1024x64xf32>
    %get3A_18 = arith.constant 0 : index
    %get3A_19 = arith.constant 0 : index
    %get3A_20 = arith.constant 0 : index
    %get3A_21 = vector.load %arg3[%get3A_18, %get3A_19, %get3A_20] : memref<4x1x64xf32, #tpu.memory_space<vmem>>, vector<1x1x64xf32>
    %get3A_22 = vector.shape_cast %get3A_21 : vector<1x1x64xf32> to vector<1x64xf32>
    %add3A_23 = vector.broadcast %get3A_22 : vector<1x64xf32> to vector<1024x64xf32>
    %add3A_24 = arith.addf %mul3A_17, %add3A_23 : vector<1024x64xf32>
    %max3A = arith.constant 0.000000e+00 : f32
    %max3A_25 = vector.broadcast %max3A : f32 to vector<1024x64xf32>
    %max3A_26 = arith.maximumf %add3A_24, %max3A_25 : vector<1024x64xf32>
    %get3A_27 = arith.constant 0 : index
    %get3A_28 = arith.constant 0 : index
    %get3A_29 = arith.constant 0 : index
    %get3A_30 = vector.load %arg4[%get3A_27, %get3A_28, %get3A_29] : memref<4x64x64xf32, #tpu.memory_space<vmem>>, vector<1x64x64xf32>
    %get3A_31 = vector.shape_cast %get3A_30 : vector<1x64x64xf32> to vector<64x64xf32>
    %dot_general3A = arith.constant dense<0.000000e+00> : vector<1024x64xf32>
    %dot_general3A_32 = tpu.matmul %max3A_26, %get3A_31, %dot_general3A {dimension_numbers = #tpu.dot_dimension_numbers<[1], [0], [0], [1], [0, 0, 1, 1], [], []>, transpose_lhs_hint = false} : vector<1024x64xf32>, vector<64x64xf32>, vector<1024x64xf32> -> vector<1024x64xf32>
    %get3A_33 = arith.constant 1 : index
    %get3A_34 = arith.constant 0 : index
    %get3A_35 = arith.constant 0 : index
    %get3A_36 = vector.load %arg1[%get3A_33, %get3A_34, %get3A_35] : memref<4x1024x64xf32, #tpu.memory_space<vmem>>, vector<1x1024x64xf32>
    %get3A_37 = vector.shape_cast %get3A_36 : vector<1x1024x64xf32> to vector<1024x64xf32>
    %mul3A_38 = vector.broadcast %rsqrt3A : vector<1024x1xf32> to vector<1024x64xf32>
    %mul3A_39 = arith.mulf %get3A_37, %mul3A_38 : vector<1024x64xf32>
    %get3A_40 = arith.constant 1 : index
    %get3A_41 = arith.constant 0 : index
    %get3A_42 = arith.constant 0 : index
    %get3A_43 = vector.load %arg3[%get3A_40, %get3A_41, %get3A_42] : memref<4x1x64xf32, #tpu.memory_space<vmem>>, vector<1x1x64xf32>
    %get3A_44 = vector.shape_cast %get3A_43 : vector<1x1x64xf32> to vector<1x64xf32>
    %add3A_45 = vector.broadcast %get3A_44 : vector<1x64xf32> to vector<1024x64xf32>
    %add3A_46 = arith.addf %mul3A_39, %add3A_45 : vector<1024x64xf32>
    %max3A_47 = arith.constant 0.000000e+00 : f32
    %max3A_48 = vector.broadcast %max3A_47 : f32 to vector<1024x64xf32>
    %max3A_49 = arith.maximumf %add3A_46, %max3A_48 : vector<1024x64xf32>
    %get3A_50 = arith.constant 1 : index
    %get3A_51 = arith.constant 0 : index
    %get3A_52 = arith.constant 0 : index
    %get3A_53 = vector.load %arg4[%get3A_50, %get3A_51, %get3A_52] : memref<4x64x64xf32, #tpu.memory_space<vmem>>, vector<1x64x64xf32>
    %get3A_54 = vector.shape_cast %get3A_53 : vector<1x64x64xf32> to vector<64x64xf32>
    %dot_general3A_55 = arith.constant dense<0.000000e+00> : vector<1024x64xf32>
    %dot_general3A_56 = tpu.matmul %max3A_49, %get3A_54, %dot_general3A_55 {dimension_numbers = #tpu.dot_dimension_numbers<[1], [0], [0], [1], [0, 0, 1, 1], [], []>, transpose_lhs_hint = false} : vector<1024x64xf32>, vector<64x64xf32>, vector<1024x64xf32> -> vector<1024x64xf32>
    %add3A_57 = arith.addf %dot_general3A_32, %dot_general3A_56 : vector<1024x64xf32>
    %get3A_58 = arith.constant 2 : index
    %get3A_59 = arith.constant 0 : index
    %get3A_60 = arith.constant 0 : index
    %get3A_61 = vector.load %arg1[%get3A_58, %get3A_59, %get3A_60] : memref<4x1024x64xf32, #tpu.memory_space<vmem>>, vector<1x1024x64xf32>
    %get3A_62 = vector.shape_cast %get3A_61 : vector<1x1024x64xf32> to vector<1024x64xf32>
    %mul3A_63 = vector.broadcast %rsqrt3A : vector<1024x1xf32> to vector<1024x64xf32>
    %mul3A_64 = arith.mulf %get3A_62, %mul3A_63 : vector<1024x64xf32>
    %get3A_65 = arith.constant 2 : index
    %get3A_66 = arith.constant 0 : index
    %get3A_67 = arith.constant 0 : index
    %get3A_68 = vector.load %arg3[%get3A_65, %get3A_66, %get3A_67] : memref<4x1x64xf32, #tpu.memory_space<vmem>>, vector<1x1x64xf32>
    %get3A_69 = vector.shape_cast %get3A_68 : vector<1x1x64xf32> to vector<1x64xf32>
    %add3A_70 = vector.broadcast %get3A_69 : vector<1x64xf32> to vector<1024x64xf32>
    %add3A_71 = arith.addf %mul3A_64, %add3A_70 : vector<1024x64xf32>
    %max3A_72 = arith.constant 0.000000e+00 : f32
    %max3A_73 = vector.broadcast %max3A_72 : f32 to vector<1024x64xf32>
    %max3A_74 = arith.maximumf %add3A_71, %max3A_73 : vector<1024x64xf32>
    %get3A_75 = arith.constant 2 : index
    %get3A_76 = arith.constant 0 : index
    %get3A_77 = arith.constant 0 : index
    %get3A_78 = vector.load %arg4[%get3A_75, %get3A_76, %get3A_77] : memref<4x64x64xf32, #tpu.memory_space<vmem>>, vector<1x64x64xf32>
    %get3A_79 = vector.shape_cast %get3A_78 : vector<1x64x64xf32> to vector<64x64xf32>
    %dot_general3A_80 = arith.constant dense<0.000000e+00> : vector<1024x64xf32>
    %dot_general3A_81 = tpu.matmul %max3A_74, %get3A_79, %dot_general3A_80 {dimension_numbers = #tpu.dot_dimension_numbers<[1], [0], [0], [1], [0, 0, 1, 1], [], []>, transpose_lhs_hint = false} : vector<1024x64xf32>, vector<64x64xf32>, vector<1024x64xf32> -> vector<1024x64xf32>
    %add3A_82 = arith.addf %add3A_57, %dot_general3A_81 : vector<1024x64xf32>
    %get3A_83 = arith.constant 3 : index
    %get3A_84 = arith.constant 0 : index
    %get3A_85 = arith.constant 0 : index
    %get3A_86 = vector.load %arg1[%get3A_83, %get3A_84, %get3A_85] : memref<4x1024x64xf32, #tpu.memory_space<vmem>>, vector<1x1024x64xf32>
    %get3A_87 = vector.shape_cast %get3A_86 : vector<1x1024x64xf32> to vector<1024x64xf32>
    %mul3A_88 = vector.broadcast %rsqrt3A : vector<1024x1xf32> to vector<1024x64xf32>
    %mul3A_89 = arith.mulf %get3A_87, %mul3A_88 : vector<1024x64xf32>
    %get3A_90 = arith.constant 3 : index
    %get3A_91 = arith.constant 0 : index
    %get3A_92 = arith.constant 0 : index
    %get3A_93 = vector.load %arg3[%get3A_90, %get3A_91, %get3A_92] : memref<4x1x64xf32, #tpu.memory_space<vmem>>, vector<1x1x64xf32>
    %get3A_94 = vector.shape_cast %get3A_93 : vector<1x1x64xf32> to vector<1x64xf32>
    %add3A_95 = vector.broadcast %get3A_94 : vector<1x64xf32> to vector<1024x64xf32>
    %add3A_96 = arith.addf %mul3A_89, %add3A_95 : vector<1024x64xf32>
    %max3A_97 = arith.constant 0.000000e+00 : f32
    %max3A_98 = vector.broadcast %max3A_97 : f32 to vector<1024x64xf32>
    %max3A_99 = arith.maximumf %add3A_96, %max3A_98 : vector<1024x64xf32>
    %get3A_100 = arith.constant 3 : index
    %get3A_101 = arith.constant 0 : index
    %get3A_102 = arith.constant 0 : index
    %get3A_103 = vector.load %arg4[%get3A_100, %get3A_101, %get3A_102] : memref<4x64x64xf32, #tpu.memory_space<vmem>>, vector<1x64x64xf32>
    %get3A_104 = vector.shape_cast %get3A_103 : vector<1x64x64xf32> to vector<64x64xf32>
    %dot_general3A_105 = arith.constant dense<0.000000e+00> : vector<1024x64xf32>
    %dot_general3A_106 = tpu.matmul %max3A_99, %get3A_104, %dot_general3A_105 {dimension_numbers = #tpu.dot_dimension_numbers<[1], [0], [0], [1], [0, 0, 1, 1], [], []>, transpose_lhs_hint = false} : vector<1024x64xf32>, vector<64x64xf32>, vector<1024x64xf32> -> vector<1024x64xf32>
    %add3A_107 = arith.addf %add3A_82, %dot_general3A_106 : vector<1024x64xf32>
    %mul3A_108 = vector.broadcast %rsqrt3A : vector<1024x1xf32> to vector<1024x64xf32>
    %mul3A_109 = arith.mulf %add3A_107, %mul3A_108 : vector<1024x64xf32>
    %slice3A = vector.extract_strided_slice %mul3A_109 {offsets = [0, 0], sizes = [1024, 32], strides = [1, 1]} : vector<1024x64xf32> to vector<1024x32xf32>
    %swap3A = arith.constant 0 : index
    %swap3A_110 = arith.constant 0 : index
    %swap3A_111 = arith.constant 0 : index
    %swap3A_112 = vector.load %arg5[%swap3A, %swap3A_110, %swap3A_111] : memref<2x1024x32xf32, #tpu.memory_space<vmem>>, vector<1x1024x32xf32>
    %swap3A_113 = vector.shape_cast %swap3A_112 : vector<1x1024x32xf32> to vector<1024x32xf32>
    %swap3A_114 = vector.shape_cast %slice3A : vector<1024x32xf32> to vector<1x1024x32xf32>
    tpu.vector_store %arg5[%swap3A, %swap3A_110, %swap3A_111], %swap3A_114 {strides = array<i32>} : memref<2x1024x32xf32, #tpu.memory_space<vmem>>, vector<1x1024x32xf32>,
    %slice3A_115 = vector.extract_strided_slice %mul3A_109 {offsets = [0, 32], sizes = [1024, 32], strides = [1, 1]} : vector<1024x64xf32> to vector<1024x32xf32>
    %swap3A_116 = arith.constant 1 : index
    %swap3A_117 = arith.constant 0 : index
    %swap3A_118 = arith.constant 0 : index
    %swap3A_119 = vector.load %arg5[%swap3A_116, %swap3A_117, %swap3A_118] : memref<2x1024x32xf32, #tpu.memory_space<vmem>>, vector<1x1024x32xf32>
    %swap3A_120 = vector.shape_cast %swap3A_119 : vector<1x1024x32xf32> to vector<1024x32xf32>
    %swap3A_121 = vector.shape_cast %slice3A_115 : vector<1024x32xf32> to vector<1x1024x32xf32>
    tpu.vector_store %arg5[%swap3A_116, %swap3A_117, %swap3A_118], %swap3A_121 {strides = array<i32>} : memref<2x1024x32xf32, #tpu.memory_space<vmem>>, vector<1x1024x32xf32>,
    return
  }
  func.func @transform_0(%arg0: i32) -> (i32, i32, i32) {
    %c0_i32 = arith.constant 0 : i32
    %c0_i32_0 = arith.constant 0 : i32
    %c0_i32_1 = arith.constant 0 : i32
    return %c0_i32, %arg0, %c0_i32_0 : i32, i32, i32
  }
  func.func @transform_1(%arg0: i32) -> (i32, i32, i32) {
    %c0_i32 = arith.constant 0 : i32
    %c0_i32_0 = arith.constant 0 : i32
    %c0_i32_1 = arith.constant 0 : i32
    return %c0_i32, %arg0, %c0_i32_0 : i32, i32, i32
  }
  func.func @transform_2(%arg0: i32) -> (i32, i32, i32) {
    %c0_i32 = arith.constant 0 : i32
    %c0_i32_0 = arith.constant 0 : i32
    %c0_i32_1 = arith.constant 0 : i32
    %c0_i32_2 = arith.constant 0 : i32
    return %c0_i32, %c0_i32_0, %c0_i32_1 : i32, i32, i32
  }
  func.func @transform_3(%arg0: i32) -> (i32, i32, i32) {
    %c0_i32 = arith.constant 0 : i32
    %c0_i32_0 = arith.constant 0 : i32
    %c0_i32_1 = arith.constant 0 : i32
    %c0_i32_2 = arith.constant 0 : i32
    return %c0_i32, %c0_i32_0, %c0_i32_1 : i32, i32, i32
  }
  func.func @transform_4(%arg0: i32) -> (i32, i32, i32) {
    %c0_i32 = arith.constant 0 : i32
    %c0_i32_0 = arith.constant 0 : i32
    %c0_i32_1 = arith.constant 0 : i32
    return %c0_i32, %arg0, %c0_i32_0 : i32, i32, i32
  }
}

module attributes {stable_mosaic.version = 14 : i64} {
  func.func @_lsm_body(%arg0: i32, %arg1: memref<2x1000x32xf32, #tpu.memory_space<vmem>>, %arg2: memref<2x1000x16xf32, #tpu.memory_space<vmem>>, %arg3: memref<2x1x32xf32, #tpu.memory_space<vmem>>, %arg4: memref<1000x64xf32, #tpu.memory_space<vmem>>) attributes {dimension_semantics = [#tpu.dimension_semantics<arbitrary>], iteration_bounds = array<i64: 10>, scalar_prefetch = 0 : i64, scratch_operands = 0 : i64, tpu.core_type = #tpu.core_type<tc>, window_params = [{transform_indices = @transform_0, window_bounds = array<i64: 2, 1000, 32>}, {transform_indices = @transform_1, window_bounds = array<i64: 2, 1000, 16>}, {pipeline_mode = #tpu.pipeline_mode<synchronous>, transform_indices = @transform_2, window_bounds = array<i64: 2, 1, 32>}, {transform_indices = @transform_3, window_bounds = array<i64: 1000, 64>}]} {
    %get3A = arith.constant 0 : index
    %get3A_0 = arith.constant 0 : index
    %get3A_1 = arith.constant 0 : index
    %get3A_2 = vector.load %arg2[%get3A, %get3A_0, %get3A_1] : memref<2x1000x16xf32, #tpu.memory_space<vmem>>, vector<1x1000x1xf32>
    %get3A_3 = vector.shape_cast %get3A_2 : vector<1x1000x1xf32> to vector<1000x1xf32>
    %get3A_4 = arith.constant 1 : index
    %get3A_5 = arith.constant 0 : index
    %get3A_6 = arith.constant 0 : index
    %get3A_7 = vector.load %arg2[%get3A_4, %get3A_5, %get3A_6] : memref<2x1000x16xf32, #tpu.memory_space<vmem>>, vector<1x1000x1xf32>
    %get3A_8 = vector.shape_cast %get3A_7 : vector<1x1000x1xf32> to vector<1000x1xf32>
    %add3A = arith.addf %get3A_3, %get3A_8 : vector<1000x1xf32>
    %add3A_9 = arith.constant 1.000000e+00 : f32
    %add3A_10 = vector.broadcast %add3A_9 : f32 to vector<1000x1xf32>
    %add3A_11 = arith.addf %add3A, %add3A_10 : vector<1000x1xf32>
    %rsqrt3A = math.rsqrt %add3A_11 : vector<1000x1xf32>
    %get3A_12 = arith.constant 0 : index
    %get3A_13 = arith.constant 0 : index
    %get3A_14 = arith.constant 0 : index
    %get3A_15 = vector.load %arg1[%get3A_12, %get3A_13, %get3A_14] : memref<2x1000x32xf32, #tpu.memory_space<vmem>>, vector<1x1000x32xf32>
    %get3A_16 = vector.shape_cast %get3A_15 : vector<1x1000x32xf32> to vector<1000x32xf32>
    %mul3A = vector.broadcast %rsqrt3A : vector<1000x1xf32> to vector<1000x32xf32>
    %mul3A_17 = arith.mulf %get3A_16, %mul3A : vector<1000x32xf32>
    %get3A_18 = arith.constant 0 : index
    %get3A_19 = arith.constant 0 : index
    %get3A_20 = arith.constant 0 : index
    %get3A_21 = vector.load %arg3[%get3A_18, %get3A_19, %get3A_20] : memref<2x1x32xf32, #tpu.memory_space<vmem>>, vector<1x1x32xf32>
    %get3A_22 = vector.shape_cast %get3A_21 : vector<1x1x32xf32> to vector<1x32xf32>
    %add3A_23 = vector.broadcast %get3A_22 : vector<1x32xf32> to vector<1000x32xf32>
    %add3A_24 = arith.addf %mul3A_17, %add3A_23 : vector<1000x32xf32>
    %get3A_25 = arith.constant 1 : index
    %get3A_26 = arith.constant 0 : index
    %get3A_27 = arith.constant 0 : index
    %get3A_28 = vector.load %arg1[%get3A_25, %get3A_26, %get3A_27] : memref<2x1000x32xf32, #tpu.memory_space<vmem>>, vector<1x1000x32xf32>
    %get3A_29 = vector.shape_cast %get3A_28 : vector<1x1000x32xf32> to vector<1000x32xf32>
    %mul3A_30 = vector.broadcast %rsqrt3A : vector<1000x1xf32> to vector<1000x32xf32>
    %mul3A_31 = arith.mulf %get3A_29, %mul3A_30 : vector<1000x32xf32>
    %get3A_32 = arith.constant 1 : index
    %get3A_33 = arith.constant 0 : index
    %get3A_34 = arith.constant 0 : index
    %get3A_35 = vector.load %arg3[%get3A_32, %get3A_33, %get3A_34] : memref<2x1x32xf32, #tpu.memory_space<vmem>>, vector<1x1x32xf32>
    %get3A_36 = vector.shape_cast %get3A_35 : vector<1x1x32xf32> to vector<1x32xf32>
    %add3A_37 = vector.broadcast %get3A_36 : vector<1x32xf32> to vector<1000x32xf32>
    %add3A_38 = arith.addf %mul3A_31, %add3A_37 : vector<1000x32xf32>
    %reduce_max3A = arith.constant dense<0xFF800000> : vector<1000xf32>
    %reduce_max3A_39 = vector.multi_reduction <maximumf>, %add3A_24, %reduce_max3A [1] : vector<1000x32xf32> to vector<1000xf32>
    %broadcast_in_dim3A = vector.shape_cast %reduce_max3A_39 : vector<1000xf32> to vector<1000x1xf32>
    %reduce_max3A_40 = arith.constant dense<0xFF800000> : vector<1000xf32>
    %reduce_max3A_41 = vector.multi_reduction <maximumf>, %add3A_38, %reduce_max3A_40 [1] : vector<1000x32xf32> to vector<1000xf32>
    %broadcast_in_dim3A_42 = vector.shape_cast %reduce_max3A_41 : vector<1000xf32> to vector<1000x1xf32>
    %max3A = arith.maximumf %broadcast_in_dim3A, %broadcast_in_dim3A_42 : vector<1000x1xf32>
    %sub3A = vector.broadcast %max3A : vector<1000x1xf32> to vector<1000x32xf32>
    %sub3A_43 = arith.subf %add3A_24, %sub3A : vector<1000x32xf32>
    %exp3A = math.exp %sub3A_43 : vector<1000x32xf32>
    %reduce_sum3A = arith.constant dense<0.000000e+00> : vector<1000xf32>
    %reduce_sum3A_44 = vector.multi_reduction <add>, %exp3A, %reduce_sum3A [1] : vector<1000x32xf32> to vector<1000xf32>
    %broadcast_in_dim3A_45 = vector.shape_cast %reduce_sum3A_44 : vector<1000xf32> to vector<1000x1xf32>
    %sub3A_46 = vector.broadcast %max3A : vector<1000x1xf32> to vector<1000x32xf32>
    %sub3A_47 = arith.subf %add3A_38, %sub3A_46 : vector<1000x32xf32>
    %exp3A_48 = math.exp %sub3A_47 : vector<1000x32xf32>
    %reduce_sum3A_49 = arith.constant dense<0.000000e+00> : vector<1000xf32>
    %reduce_sum3A_50 = vector.multi_reduction <add>, %exp3A_48, %reduce_sum3A_49 [1] : vector<1000x32xf32> to vector<1000xf32>
    %broadcast_in_dim3A_51 = vector.shape_cast %reduce_sum3A_50 : vector<1000xf32> to vector<1000x1xf32>
    %add3A_52 = arith.addf %broadcast_in_dim3A_45, %broadcast_in_dim3A_51 : vector<1000x1xf32>
    %log3A = math.log %add3A_52 : vector<1000x1xf32>
    %add3A_53 = arith.addf %max3A, %log3A : vector<1000x1xf32>
    %sub3A_54 = vector.broadcast %add3A_53 : vector<1000x1xf32> to vector<1000x32xf32>
    %sub3A_55 = arith.subf %add3A_24, %sub3A_54 : vector<1000x32xf32>
    %swap3A = arith.constant 0 : index
    %swap3A_56 = arith.constant 0 : index
    %swap3A_57 = vector.load %arg4[%swap3A, %swap3A_56] : memref<1000x64xf32, #tpu.memory_space<vmem>>, vector<1000x32xf32>
    tpu.vector_store %arg4[%swap3A, %swap3A_56], %sub3A_55 {strides = array<i32>} : memref<1000x64xf32, #tpu.memory_space<vmem>>, vector<1000x32xf32>,
    %sub3A_58 = vector.broadcast %add3A_53 : vector<1000x1xf32> to vector<1000x32xf32>
    %sub3A_59 = arith.subf %add3A_38, %sub3A_58 : vector<1000x32xf32>
    %swap3A_60 = arith.constant 0 : index
    %swap3A_61 = arith.constant 32 : index
    %swap3A_62 = vector.load %arg4[%swap3A_60, %swap3A_61] : memref<1000x64xf32, #tpu.memory_space<vmem>>, vector<1000x32xf32>
    tpu.vector_store %arg4[%swap3A_60, %swap3A_61], %sub3A_59 {strides = array<i32>} : memref<1000x64xf32, #tpu.memory_space<vmem>>, vector<1000x32xf32>,
    return
  }
  func.func @transform_0(%arg0: i32) -> (i32, i32, i32) {
    %c0_i32 = arith.constant 0 : i32
    %c0_i32_0 = arith.constant 0 : i32
    %c0_i32_1 = arith.constant 0 : i32
    return %c0_i32, %arg0, %c0_i32_0 : i32, i32, i32
  }
  func.func @transform_1(%arg0: i32) -> (i32, i32, i32) {
    %c0_i32 = arith.constant 0 : i32
    %c0_i32_0 = arith.constant 0 : i32
    %c0_i32_1 = arith.constant 0 : i32
    return %c0_i32, %arg0, %c0_i32_0 : i32, i32, i32
  }
  func.func @transform_2(%arg0: i32) -> (i32, i32, i32) {
    %c0_i32 = arith.constant 0 : i32
    %c0_i32_0 = arith.constant 0 : i32
    %c0_i32_1 = arith.constant 0 : i32
    %c0_i32_2 = arith.constant 0 : i32
    return %c0_i32, %c0_i32_0, %c0_i32_1 : i32, i32, i32
  }
  func.func @transform_3(%arg0: i32) -> (i32, i32) {
    %c0_i32 = arith.constant 0 : i32
    %c0_i32_0 = arith.constant 0 : i32
    return %arg0, %c0_i32 : i32, i32
  }
}

</mosaic_0001>

<sc_bundles>
// kernel: kernel.11.cloned.1.call-start
scs
__scs_entry_jumppad:
0x0: {  	(pc) =	sbr.rel $0x88, $3  }
0x1: {  	(tag) =	ssettag $0x0;
	lr =	simm.s32 $0x1  }
0x2: {  	[smem:$0x3F9B] =	sst lr;
	_ =	strace $0xD0000000  }
0x3: {  	_ = 	snop  }
0x4: {  	_ = 	snop  }
0x5: {  	_ = 	snop  }
0x6: {  	_ = 	snop  }
0x7: {  	_ = 	snop  }
__scs_overlays_trampoline_lowered:
0x8: {  	[smem:$0x3FAA] =	sst s0  }
0x9: {  	[smem:$0x3FAB] =	sst s1  }
0xa: {  	[smem:$0x3FAC] =	sst s2  }
0xb: {  	[smem:$0x3FAD] =	sst s3  }
0xc: {  	[smem:$0x3FAE] =	sst s4  }
0xd: {  	[smem:$0x3FAF] =	sst s5  }
0xe: {  	[smem:$0x3FB0] =	sst s6  }
0xf: {  	[smem:$0x3FB1] =	sst s7  }
0x10: {  	[smem:$0x3FB2] =	sst s8  }
0x11: {  	[smem:$0x3FB3] =	sst s9;
	s0 =	simm.s32 @!p0 $0x0  }
0x12: {  	s1 =	sld [smem:$0x3F99];
	s0 =	simm.s32 @p0 $0x1  }
0x13: {  	[smem:$0x3FB4] =	sst s0;
	s0 =	simm.s32 @!p1 $0x0  }
0x14: {  	s2 =	sld [smem:$0x3F98];
	s0 =	simm.s32 @p1 $0x1  }
0x15: {  	[smem:$0x3FB5] =	sst s0;
	s0 =	simm.s32 @!p2 $0x0  }
0x16: {  	s3 =	sld [smem:$0x3FDB];
	s0 =	simm.s32 @p2 $0x1  }
0x17: {  	s4 =	simm.s32 $0x1BF5;
	[smem:$0x3FB7] =	sst s0  }
0x18: {  	s0 =	sld [smem:$0x3F9A];
	_ =	swait.ge [sflag:s4], $0x0  }
0x19: {  	s7 =	sld [smem:$0x3F9B]  }
0x1a: {  	s8 =	sadd.s32 $0xFFFFE003, lr  }
0x1b: {  	s9 =	sadd.s32 $0xFFFFFEF7, lr;
	s5 =	simm.s32 $0xFFFFFFFF;
	p2 =	slt.u32 s8, $0xFFFFF086  }
0x1c: {  	p1 =	slt.u32 s9, $0xF7A;
	s5 =	simm.s32 @!p2 $0x0  }
0x1d: {  	s5 =	simm.s32 @p1 $0x1;
	p0 =	seq.s32 s7, s2  }
0x1e: {  	s7 =	smul.u32 @!p0 $0xF7A, s2;
	p2 =	seq.s32 @!p0 s5, $0x0  }
0x1f: {  	s9 =	smul.u32 $0xF7A, s1;
	s8 =	simm.s32 @!p0 $0x1BF5;
	p2 =	por !p2, p0  }
0x20: {  	[sflag:s8] =	ssyncset.s32 @!p0 $0xFFFFF086;
	s6 =	sadd.s32 @!p0 s3, s7;
	s7 =	simm.s32 @!p0 $0x108  }
0x21: {  	s3 =	sadd.s32 s3, s9;
	s6 =	sadd.s32 @!p0 $0x88, s6;
	s7 =	simm.s32 @p2 $0x1082  }
0x22: {  	[simem:s7], [sflag:s8] =	dma.local @!p0 [hbm:s6], $0xF7A  }
0x23: {  	s9 =	sor.u32 $0xD0000000, s2;
	s6 =	simm.s32 $0x108;
	_ =	swait.ge @!p0 [sflag:s8], $0x0  }
0x24: {  	s3 =	sadd.s32 $0x88, s3;
	s6 =	simm.s32 @!p1 $0x1082;
	[sflag:s4] =	ssyncset.s32 $0xFFFFF086  }
0x25: {  	[simem:s6], [sflag:s4] =	dma.local [hbm:s3], $0xF7A  }
0x26: {  	[smem:$0x3F9B] =	sst s1;
	(tag) =	ssettag s2;
	_ =	strace s9  }
0x27: {  	s1 =	sld [smem:$0x3FAB]  }
0x28: {  	s2 =	sld [smem:$0x3FAC]  }
0x29: {  	s4 =	sld [smem:$0x3FAE]  }
0x2a: {  	p0 =	seq.s32 s5, $0x0;
	s5 =	sld [smem:$0x3FAF]  }
0x2b: {  	s6 =	sld [smem:$0x3FB0]  }
0x2c: {  	s7 =	sld [smem:$0x3FB1]  }
0x2d: {  	s3 =	simm.s32 $0x108;
	s8 =	sld [smem:$0x3FB2]  }
0x2e: {  	s3 =	simm.s32 @!p0 $0x1082;
	s9 =	sld [smem:$0x3FB3]  }
0x2f: {  	lr =	sadd.s32 s0, s3;
	s0 =	sld [smem:$0x3FAA]  }
0x30: {  	s3 =	sld [smem:$0x3FAD]  }
0x31: {  	[smem:$0x3FB6] =	sst s10  }
0x32: {  	s10 =	sld [smem:$0x3FB4];
	_ =	sdelay $0x3  }
0x33: {  	p0 =	seq.s32 s10, $0x1;
	s10 =	sld [smem:$0x3FB6];
	_ =	sdelay $0x3  }
0x34: {  	[smem:$0x3FB6] =	sst s10  }
0x35: {  	s10 =	sld [smem:$0x3FB5];
	_ =	sdelay $0x3  }
0x36: {  	p1 =	seq.s32 s10, $0x1;
	s10 =	sld [smem:$0x3FB6];
	_ =	sdelay $0x3  }
0x37: {  	[smem:$0x3FB6] =	sst s10  }
0x38: {  	s10 =	sld [smem:$0x3FB7]  }
0x39: {  	_ = 	snop;
	(pc) =	sbr.ind lr, $3  }
0x3a: {  	_ = 	snop  }
0x3b: {  	_ = 	snop  }
0x3c: {  	p2 =	seq.s32 s10, $0x1;
	s10 =	sld [smem:$0x3FB6]  }
0x3d: {  	_ =	shalt  }
0x3e: {  	_ =	shalt  }
0x3f: {  	_ =	shalt  }
0x40: {  	_ =	shalt  }
0x41: {  	_ =	shalt  }
0x42: {  	_ =	shalt  }
0x43: {  	_ =	shalt  }
0x44: {  	_ =	shalt  }
0x45: {  	_ =	shalt  }
0x46: {  	_ =	shalt  }
0x47: {  	_ =	shalt  }
0x48: {  	_ =	shalt  }
0x49: {  	_ =	shalt  }
0x4a: {  	_ =	shalt  }
0x4b: {  	_ =	shalt  }
0x4c: {  	_ =	shalt  }
0x4d: {  	_ =	shalt  }
0x4e: {  	_ =	shalt  }
0x4f: {  	_ =	shalt  }
0x50: {  	_ =	shalt  }
0x51: {  	_ =	shalt  }
0x52: {  	_ =	shalt  }
0x53: {  	_ =	shalt  }
0x54: {  	_ =	shalt  }
0x55: {  	_ =	shalt  }
0x56: {  	_ =	shalt  }
0x57: {  	_ =	shalt  }
0x58: {  	_ =	shalt  }
0x59: {  	_ =	shalt  }
0x5a: {  	_ =	shalt  }
0x5b: {  	_ =	shalt  }
0x5c: {  	_ =	shalt  }
0x5d: {  	_ =	shalt  }
0x5e: {  	_ =	shalt  }
0x5f: {  	_ =	shalt  }
0x60: {  	_ =	shalt  }
0x61: {  	_ =	shalt  }
0x62: {  	_ =	shalt  }
0x63: {  	_ =	shalt  }
0x64: {  	_ =	shalt  }
0x65: {  	_ =	shalt  }
0x66: {  	_ =	shalt  }
0x67: {  	_ =	shalt  }
0x68: {  	_ =	shalt  }
0x69: {  	_ =	shalt  }
0x6a: {  	_ =	shalt  }
0x6b: {  	_ =	shalt  }
0x6c: {  	_ =	shalt  }
0x6d: {  	_ =	shalt  }
0x6e: {  	_ =	shalt  }
0x6f: {  	_ =	shalt  }
0x70: {  	_ =	shalt  }
0x71: {  	_ =	shalt  }
0x72: {  	_ =	shalt  }
0x73: {  	_ =	shalt  }
0x74: {  	_ =	shalt  }
0x75: {  	_ =	shalt  }
0x76: {  	_ =	shalt  }
0x77: {  	_ =	shalt  }
0x78: {  	_ =	shalt  }
0x79: {  	_ =	shalt  }
0x7a: {  	_ =	shalt  }
0x7b: {  	_ =	shalt  }
0x7c: {  	_ =	shalt  }
0x7d: {  	_ =	shalt  }
0x7e: {  	_ =	shalt  }
0x7f: {  	_ =	shalt  }
0x80: {  	_ =	shalt  }
0x81: {  	_ =	shalt  }
0x82: {  	_ =	shalt  }
0x83: {  	_ =	shalt  }
0x84: {  	_ =	shalt  }
0x85: {  	_ =	shalt  }
0x86: {  	_ =	shalt  }
0x87: {  	_ =	shalt  }
.Lfunc_end0:
.L_simem_size_0:
called_computation.1_lowered:
.L_overlay_start_0:
0x88: {  	s2 =	sld [smem:$0x3FD9]  }
0x89: {  	s3 =	sld [smem:$0x3FFE];
	_ =	sdelay $0x1  }
0x8a: {  	s1 =	srdreg.scid  }
0x8b: {  	s0 =	sand.u32 $0x1, s1  }
0x8c: {  	s17 =	sshll.u32 s0, $0xA;
	s2 =	sadd.s32 s3, s2  }
0x8d: {  	s2 =	sadd.s32 s2, s17  }
0x8e: {  	[smem:$0x3FC2] =	sst s2  }
0x8f: {  	_ = 	snop  }
0x90: {  	s2 =	sld [smem:$0x3FD0];
	(tm) =	ssettm $0x1  }
0x91: {  	s18 =	sld [smem:$0x3FFB];
	_ =	sdelay $0x3  }
0x92: {  	_ =	strace s18  }
0x93: {  	s3 =	sld [smem:$0x3FFC];
	_ =	sdelay $0x3  }
0x94: {  	_ =	strace s3  }
0x95: {  	s3 =	sld [smem:$0x3FFD];
	_ =	sdelay $0x3  }
0x96: {  	_ =	strace s3  }
0x97: {  	_ =	strace $0x8FFFFFFF  }
0x98: {  	s19 =	sld [smem:$0x3FDB];
	_ =	sdelay $0x1  }
0x99: {  	s4 =	simm.s32 $_scs_section_size  }
0x9a: {  	s5 =	simm.s32 $_size__tile_overlayer_lowered;
	s6 =	simm.s32 $_tile_overlayer_lowered  }
0x9b: {  	s22 =	simm.s32 $0x1BFF;
	s21 =	sshll.u32 s6, $0x1;
	s3 =	sadd.s32 s4, s19  }
0x9c: {  	s7 =	simm.s32 $0x0;
	s20 =	sshll.u32 s5, $0x1;
	s5 =	sadd.s32 s21, s3  }
0x9d: {  	[timem:s7], [sflag:s22] =	dma.local [hbm:s5], s20  }
0x9e: {  	_ =	swait.ge [sflag:s22], s20  }
0x9f: {  	s4 =	ssub.s32 $0x0, s20;
	[sflag:s22] =	ssyncset.done $0x0  }
0xa0: {  	[sflag:s22] =	ssyncadd.s32 s4;
	_ =	sdelay $0x1  }
0xa1: {  	s23 =	simm.s32 $0x1B8B  }
0xa2: {  	_ =	swait.ge [sflag:s23], $0x1  }
0xa3: {  	[sflag:s23] =	ssyncset.done $0x0  }
0xa4: {  	s25 =	simm.s32 $0x1B8E;
	s24 =	sld [smem:$0x3FFE];
	[sflag:s23] =	ssyncadd.s32 $0xFFFFFFFF  }
0xa5: {  	s26 =	simm.s32 $execute0_lowered;
	[smem:$0x3FD2] =	sst s25  }
0xa6: {  	s5 =	sshll.u32 s26, $0x1;
	_ =	strace $0x80000049;
	[dreg:$0x1] =	wrdreg $0xFFFFFFFF  }
0xa7: {  	s28 =	simm.s32 $_size_execute0_lowered;
	s3 =	sadd.s32 s3, s5;
	[dreg:$0x0] =	wrdreg $0x0  }
0xa8: {  	s5 =	sshll.u32 s28, $0x1;
	[dreg:$0x2] =	wrdreg s3  }
0xa9: {  	[dreg:$0x3] =	wrdreg s5  }
0xaa: {  	[dreg:$0x4] =	wrdreg $0xC0  }
0xab: {  	_ =	task [dreg:s7], $0x5FFFF  }
0xac: {  	[dreg:$0x1] =	wrdreg $0xFFFFFFFF  }
0xad: {  	[dreg:$0x0] =	wrdreg $0x60  }
0xae: {  	[dreg:$0x2] =	wrdreg s24  }
0xaf: {  	[dreg:$0x3] =	wrdreg s2  }
0xb0: {  	[dreg:$0x4] =	wrdreg $0x15C400  }
0xb1: {  	[dreg:$0x5] =	wrdreg $0x9  }
0xb2: {  	_ =	task.clear_ibuf [dreg:s7], $0x6FFFF;
	_ =	strace $0x90000049  }
0xb3: {  	s29 =	simm.s32 $0x9;
	_ =	strace $0x8000004B  }
0xb4: {  	_ =	swait.ge [sflag:s29], $0x1  }
0xb5: {  	[sflag:s29] =	ssyncadd.s32 $0xFFFFFFFF  }
0xb6: {  	_ =	strace $0x9000004B  }
0xb7: {  	_ =	sfence  }
0xb8: {  	s30 =	sld [smem:$0x0];
	_ =	sdelay $0x2  }
0xb9: {  	s31 =	sshll.u32 s1, $0xD;
	s1 =	sshrl.u32 s1, $0x2  }
0xba: {  	s3 =	sand.u32 $0x4000, s31;
	s1 =	sadd.s32 s1, s30  }
0xbb: {  	s0 =	sor.u32 s3, s0;
	s1 =	sshll.u32 s1, $0x11  }
0xbc: {  	s0 =	sor.u32 s1, s0  }
0xbd: {  	s0 =	sadd.s32 $0x8F2B, s0  }
0xbe: {  	[sflag:s0] =	ssyncadd.remote.s32 $0x1  }
0xbf: {  	_ =	sfence.sel $0xFFFF  }
0xc0: {  	[dreg:$0x0] =	wrdreg $0xFFFFFFFF;
	(pc) =	sbr.abs _section_cstart, $3  }
0xc1: {  	[dreg:$0x1] =	wrdreg $0xFFFFFFFF  }
0xc2: {  	_ =	task.clear_ibuf [dreg:s7], $0x2FFFF;
	_ =	strace $0x9FFFFFFF  }
0xc3: {  	(tm) =	ssettm $0x7FFFFFFF  }
tec
execute0_lowered:
.L_overlay_start_1:
0x0: {  	(tag) =	ssettag $0x1  }
0x1: {  	s0 =	rddreg [dreg:$0x0]  }
0x2: {  	s2 =	rddreg [dreg:$0x1]  }
0x3: {  	s1 =	rddreg [dreg:$0x2];
	s3 =	simm.s32 $0x0  }
0x4: {  	s4 =	srdreg.scid;
	s13 =	stileid.u32;
	s12 =	simm.s32 $0x7  }
0x5: {  	s17 =	simm.s32 $0x80;
	s18 =	simm.s32 $0x9C40;
	s28 =	simm.s32 $0x13C40  }
0x6: {  	s29 =	simm.s32 $0x1;
	s30 =	simm.s32 $0x3;
	s31 =	simm.s32 $0x5  }
0x7: {  	[smem:$0x7FF] =	sst s3;
	s5 =	sadd.s32 $0xF1E00, s0;
	s6 =	smul.u32 $0x4E20, s13  }
0x8: {  	s4 =	sand.u32 $0x1, s4;
	s0 =	sadd.s32 $0x51E00, s0;
	s9 =	smul.u32 $0xA000, s13  }
0x9: {  	s26 =	sshll.u32 s13, $0x6;
	s13 =	simm.s32 $0x4E00;
	_ =	strace $0x8000004A  }
0xa: {  	s7 =	ssub.s32 $0x2, s4;
	s4 =	smul.u32 $0x140000, s4;
	s15 =	sor.u32 $0x1C07, s26  }
0xb: {  	s26 =	simm.s32 $0x280;
	s8 =	sshrl.u32 s7, $0x1;
	s6 =	sshrl.u32 s6, $0x3  }
0xc: {  	s10 =	sadd.s32 s9, s1;
	s21 =	sshrl.u32 s9, $0x3;
	s8 =	ssub.s32 s7, s8  }
0xd: {  	s6 =	sadd.s32 s2, s6;
	s20 =	sshrl.u32 s4, $0x3;
	s22 =	sadd.s32 s9, s4  }
0xe: {  	s4 =	sadd.s32 $0xA0000, s4;
	[dreg:$0x6] =	wrdreg s21;
	s16 =	sshrl.u32 s10, $0x3  }
0xf: {  	[dreg:$0x4] =	wrdreg s6;
	s6 =	sadd.s32 $0x9C40, s6;
	s2 =	sshrl.u32 s22, $0x3  }
0x10: {  	s11 =	sshrl.u32 s4, $0x3;
	s4 =	sadd.s32 s9, s4;
	s24 =	smax.u32 s8, $0x1  }
0x11: {  	[dreg:$0x5] =	wrdreg s6;
	s6 =	sadd.s32 s5, s20;
	s2 =	sadd.s32 s0, s2  }
.Ltmp0:
0x12: {  	s9 =	sadd.s32 s5, s11;
	s23 =	sshrl.u32 s4, $0x3;
	(pc) =	sbr.rel .LBB2_1-.Ltmp0, $4  }
0x13: {  	[dreg:$0x9] =	wrdreg s24;
	s5 =	simm.s32 $0x9C20;
	s4 =	simm.s32 $0x0  }
0x14: {  	[dreg:$0x7] =	wrdreg s2;
	s0 =	sadd.s32 s0, s23;
	s25 =	sadd.s32 s21, s6  }
0x15: {  	s21 =	simm.s32 $0xDC40;
	s2 =	simm.s32 $0x20;
	[dreg:$0x8] =	wrdreg s0  }
0x16: {  	[dreg:$0xa] =	wrdreg s25;
	s25 =	simm.s32 $0x11C40;
	s0 =	simm.s32 $0x6  }
.LBB2_7:
0x17: {  	_ =	swait.ge [sflag:s0], $0x2000  }
0x18: {  	[sflag:s0] =	ssyncset.done $0x0  }
0x19: {  	s7 =	sadd.s32 $0x50A0, s10;
	[sflag:s0] =	ssyncadd.s32 $0xFFFFE000  }
0x1a: {  	[spmem:s1] =	stream.indirect.scatter.add.f32 [tilespmem:s28], [sflag:$0x7], $0x40, s7, s17, $0xb8;
	[tilespmem:$0x1FC40] =	vst v63  }
0x1b: {  	_ =	swait.ge [sflag:s12], $0x2000  }
0x1c: {  	[sflag:s12] =	ssyncset.done $0x0  }
0x1d: {  	[sflag:s12] =	ssyncadd.s32 $0xFFFFE000  }
.LBB2_9:
0x1e: {  	[tilespmem:s18], [sflag:$0x1] =	stream.indirect.gather [hbm4b:s9+s2], $0x40, s13, s2, $0xb8;
	[tilespmem:$0x1FC40] =	vst v63  }
0x1f: {  	_ =	swait.ge [sflag:s29], $0x800  }
0x20: {  	[sflag:s29] =	ssyncset.done $0x0  }
0x21: {  	[sflag:s29] =	ssyncadd.s32 $0xFFFFF800  }
0x22: {  	[spmem:s1] =	stream.indirect.scatter.add.f32 [tilespmem:s18], [sflag:$0x7], $0x40, s5, s2, $0xb8;
	[tilespmem:$0x1FC40] =	vst v63  }
0x23: {  	_ =	swait.ge [sflag:s12], $0x800  }
0x24: {  	[sflag:s12] =	ssyncset.done $0x0  }
0x25: {  	[sflag:s12] =	ssyncadd.s32 $0xFFFFF800  }
0x26: {  	[bflag:$0x0] =	sbarrier.arrive $0xFFFF  }
0x27: {  	s7 =	rddreg [dreg:$0x8]  }
0x28: {  	[hbm:s7], [sflag:s15] =	dma.local [spmem:s16], $0x1400  }
0x29: {  	_ =	swait.ge [sflag:s12], $0x1400  }
0x2a: {  	s4 =	sadd.s32 $0x1, s4;
	s24 =	rddreg [dreg:$0x9]  }
0x2b: {  	p0 =	sne.s32 s4, s24  }
.Ltmp1:
0x2c: {  	_ = 	snop;
	(pc) =	sbr.rel @!p0 .LBB2_10-.Ltmp1, $3  }
0x2d: {  	_ =	sdelay $0x1  }
0x2e: {  	[sflag:s12] =	ssyncset.done $0x0  }
0x2f: {  	[sflag:s12] =	ssyncadd.s32 $0xFFFFEC00  }
.LBB2_1:
0x30: {  	s7 =	rddreg [dreg:$0x4]  }
0x31: {  	[tilespmem:s3], [sflag:$0x7] =	stream.linear.gather [hbm4b:s7+s3], $0x4E20, $0x38;
	[tilespmem:$0x1FC40] =	vst v63  }
0x32: {  	_ =	swait.ge [sflag:s12], $0x4E20  }
0x33: {  	[sflag:s12] =	ssyncset.done $0x0  }
0x34: {  	s8 =	simm.s32 $0x4E20;
	s11 =	rddreg [dreg:$0x5];
	[sflag:s12] =	ssyncadd.s32 $0xFFFFB1E0  }
0x35: {  	[tilespmem:s8], [sflag:$0x7] =	stream.linear.gather [hbm4b:s11+s3], $0x4E20, $0x38;
	[tilespmem:$0x1FC40] =	vst v63  }
0x36: {  	_ =	swait.ge [sflag:s12], $0x4E20  }
0x37: {  	[sflag:s12] =	ssyncset.done $0x0  }
0x38: {  	s14 =	rddreg [dreg:$0xa];
	[sflag:s12] =	ssyncadd.s32 $0xFFFFB1E0  }
0x39: {  	[spmem:s16], [sflag:s15] =	dma.local [hbm:s14], $0x1400  }
0x3a: {  	_ =	swait.ge [sflag:s12], $0x1400  }
0x3b: {  	[sflag:s12] =	ssyncset.done $0x0  }
0x3c: {  	[sflag:s12] =	ssyncadd.s32 $0xFFFFEC00  }
0x3d: {  	[bflag:$0x0] =	sbarrier.arrive $0xFFFF  }
0x3e: {  	[tilespmem:s18], [sflag:$0x1] =	stream.indirect.gather [hbm4b:s6+s17], $0x40, s3, s17, $0xb8;
	[tilespmem:$0x1FC40] =	vst v63  }
0x3f: {  	s19 =	simm.s32 $0xBC40  }
0x40: {  	[tilespmem:s19], [sflag:$0x2] =	stream.indirect.gather [hbm4b:s6+s17], $0x40, s17, s17, $0xb8;
	[tilespmem:$0x1FC40] =	vst v63  }
0x41: {  	s20 =	simm.s32 $0x100  }
0x42: {  	[tilespmem:s21], [sflag:$0x3] =	stream.indirect.gather [hbm4b:s6+s17], $0x40, s20, s17, $0xb8;
	[tilespmem:$0x1FC40] =	vst v63  }
0x43: {  	s22 =	simm.s32 $0x180;
	s23 =	simm.s32 $0xFC40  }
0x44: {  	[tilespmem:s23], [sflag:$0x4] =	stream.indirect.gather [hbm4b:s6+s17], $0x40, s22, s17, $0xb8;
	[tilespmem:$0x1FC40] =	vst v63  }
0x45: {  	s24 =	simm.s32 $0x200  }
0x46: {  	[tilespmem:s25], [sflag:$0x5] =	stream.indirect.gather [hbm4b:s6+s17], $0x40, s24, s17, $0xb8;
	[tilespmem:$0x1FC40] =	vst v63  }
0x47: {  	s8 =	simm.s32 $0x0  }
0x48: {  	[tilespmem:s28], [sflag:$0x6] =	stream.indirect.gather [hbm4b:s6+s17], $0x40, s26, s17, $0xb8;
	[tilespmem:$0x1FC40] =	vst v63  }
.LBB2_2:
0x49: {  	_ =	swait.ge [sflag:s29], $0x2000  }
0x4a: {  	s10 =	sshra.s32 s8, $0x2;
	[sflag:s29] =	ssyncset.done $0x0  }
0x4b: {  	s11 =	sadd.s32 $0x4E20, s10;
	[sflag:s29] =	ssyncadd.s32 $0xFFFFE000  }
0x4c: {  	[spmem:s1] =	stream.indirect.scatter.add.f32 [tilespmem:s18], [sflag:$0x7], $0x40, s11, s17, $0xb8;
	[tilespmem:$0x1FC40] =	vst v63  }
0x4d: {  	_ =	swait.ge [sflag:s12], $0x2000  }
0x4e: {  	p0 =	seq.s32 s8, $0x12C00;
	[sflag:s12] =	ssyncset.done $0x0  }
0x4f: {  	s11 =	simm.s32 @p0 $0x2;
	[sflag:s12] =	ssyncadd.s32 $0xFFFFE000  }
0x50: {  	_ =	swait.ge @p0 [sflag:s11], $0x2000  }
0x51: {  	[sflag:s11] =	ssyncset.done @p0 $0x0  }
0x52: {  	[sflag:s11] =	ssyncadd.s32 @p0 $0xFFFFE000;
	s11 =	sshra.s32 @p0 s8, $0x2  }
0x53: {  	s14 =	simm.s32 @p0 $0x80;
	s19 =	simm.s32 @p0 $0xBC40;
	s7 =	sadd.s32 @p0 $0x4EA0, s11  }
0x54: {  	[spmem:s1] =	stream.indirect.scatter.add.f32 @p0 [tilespmem:s19], [sflag:$0x7], $0x40, s7, s14, $0xb8;
	[tilespmem:$0x1FC40] =	vst v63  }
0x55: {  	s7 =	simm.s32 @p0 $0x7  }
0x56: {  	_ =	swait.ge @p0 [sflag:s7], $0x2000  }
0x57: {  	s22 =	simm.s32 @!p0 $0x80;
	s19 =	sshra.s32 @!p0 s8, $0x2;
	[sflag:s7] =	ssyncset.done @p0 $0x0  }
0x58: {  	s23 =	simm.s32 @!p0 $0x9C40;
	s20 =	sadd.s32 @!p0 $0x300, s19;
	[sflag:s7] =	ssyncadd.s32 @p0 $0xFFFFE000  }
0x59: {  	[tilespmem:s23], [sflag:$0x1] =	stream.indirect.gather @!p0 [hbm4b:s6+s22], $0x40, s20, s22, $0xb8;
	[tilespmem:$0x1FC40] =	vst v63  }
0x5a: {  	s20 =	simm.s32 @!p0 $0x2  }
0x5b: {  	_ =	swait.ge @!p0 [sflag:s20], $0x2000  }
0x5c: {  	[sflag:s20] =	ssyncset.done @!p0 $0x0  }
0x5d: {  	s23 =	simm.s32 @!p0 $0xBC40;
	[sflag:s20] =	ssyncadd.s32 @!p0 $0xFFFFE000;
	s20 =	sadd.s32 @!p0 $0x4EA0, s19  }
0x5e: {  	[spmem:s1] =	stream.indirect.scatter.add.f32 @!p0 [tilespmem:s23], [sflag:$0x7], $0x40, s20, s22, $0xb8;
	[tilespmem:$0x1FC40] =	vst v63  }
0x5f: {  	s20 =	simm.s32 @!p0 $0x7  }
0x60: {  	_ =	swait.ge @!p0 [sflag:s20], $0x2000  }
0x61: {  	[sflag:s20] =	ssyncset.done @!p0 $0x0  }
0x62: {  	s24 =	sadd.s32 @!p0 $0x380, s19;
	[sflag:s20] =	ssyncadd.s32 @!p0 $0xFFFFE000  }
0x63: {  	[tilespmem:s23], [sflag:$0x2] =	stream.indirect.gather @!p0 [hbm4b:s6+s22], $0x40, s24, s22, $0xb8;
	[tilespmem:$0x1FC40] =	vst v63  }
0x64: {  	_ =	swait.ge [sflag:s30], $0x2000  }
0x65: {  	[sflag:s30] =	ssyncset.done $0x0  }
0x66: {  	s24 =	sadd.s32 $0x4F20, s10;
	[sflag:s30] =	ssyncadd.s32 $0xFFFFE000  }
0x67: {  	[spmem:s1] =	stream.indirect.scatter.add.f32 [tilespmem:s21], [sflag:$0x7], $0x40, s24, s17, $0xb8;
	[tilespmem:$0x1FC40] =	vst v63  }
0x68: {  	_ =	swait.ge [sflag:s12], $0x2000  }
0x69: {  	[sflag:s12] =	ssyncset.done $0x0  }
0x6a: {  	s23 =	simm.s32 @p0 $0x4;
	[sflag:s12] =	ssyncadd.s32 $0xFFFFE000  }
0x6b: {  	_ =	swait.ge @p0 [sflag:s23], $0x2000  }
0x6c: {  	[sflag:s23] =	ssyncset.done @p0 $0x0  }
0x6d: {  	s11 =	sadd.s32 @p0 $0x4FA0, s11;
	[sflag:s23] =	ssyncadd.s32 @p0 $0xFFFFE000;
	s23 =	simm.s32 @p0 $0xFC40  }
0x6e: {  	[spmem:s1] =	stream.indirect.scatter.add.f32 @p0 [tilespmem:s23], [sflag:$0x7], $0x40, s11, s14, $0xb8;
	[tilespmem:$0x1FC40] =	vst v63  }
0x6f: {  	_ =	swait.ge @p0 [sflag:s7], $0x2000  }
0x70: {  	[sflag:s7] =	ssyncset.done @p0 $0x0  }
0x71: {  	s11 =	simm.s32 @!p0 $0xDC40;
	[sflag:s7] =	ssyncadd.s32 @p0 $0xFFFFE000;
	s7 =	sadd.s32 @!p0 $0x400, s19  }
0x72: {  	[tilespmem:s11], [sflag:$0x3] =	stream.indirect.gather @!p0 [hbm4b:s6+s22], $0x40, s7, s22, $0xb8;
	[tilespmem:$0x1FC40] =	vst v63  }
0x73: {  	s7 =	simm.s32 @!p0 $0x4  }
0x74: {  	_ =	swait.ge @!p0 [sflag:s7], $0x2000  }
0x75: {  	[sflag:s7] =	ssyncset.done @!p0 $0x0  }
0x76: {  	s11 =	simm.s32 @!p0 $0xFC40;
	[sflag:s7] =	ssyncadd.s32 @!p0 $0xFFFFE000;
	s7 =	sadd.s32 @!p0 $0x4FA0, s19  }
0x77: {  	[spmem:s1] =	stream.indirect.scatter.add.f32 @!p0 [tilespmem:s11], [sflag:$0x7], $0x40, s7, s22, $0xb8;
	[tilespmem:$0x1FC40] =	vst v63  }
0x78: {  	_ =	swait.ge @!p0 [sflag:s20], $0x2000  }
0x79: {  	[sflag:s20] =	ssyncset.done @!p0 $0x0  }
0x7a: {  	s7 =	sadd.s32 @!p0 $0x480, s19;
	[sflag:s20] =	ssyncadd.s32 @!p0 $0xFFFFE000  }
0x7b: {  	[tilespmem:s11], [sflag:$0x4] =	stream.indirect.gather @!p0 [hbm4b:s6+s22], $0x40, s7, s22, $0xb8;
	[tilespmem:$0x1FC40] =	vst v63  }
0x7c: {  	_ =	swait.ge [sflag:s31], $0x2000  }
0x7d: {  	p0 =	sne.s32 s8, $0x12C00;
	[sflag:s31] =	ssyncset.done $0x0  }
.Ltmp2:
0x7e: {  	s24 =	sadd.s32 $0x5020, s10;
	[sflag:s31] =	ssyncadd.s32 $0xFFFFE000;
	(pc) =	sbr.rel @!p0 .LBB2_3-.Ltmp2, $4  }
0x7f: {  	[spmem:s1] =	stream.indirect.scatter.add.f32 [tilespmem:s25], [sflag:$0x7], $0x40, s24, s17, $0xb8;
	[tilespmem:$0x1FC40] =	vst v63  }
0x80: {  	_ =	swait.ge [sflag:s12], $0x2000  }
0x81: {  	[sflag:s12] =	ssyncset.done $0x0  }
0x82: {  	[sflag:s12] =	ssyncadd.s32 $0xFFFFE000  }
0x83: {  	s7 =	sadd.s32 $0x500, s10  }
0x84: {  	[tilespmem:s25], [sflag:$0x5] =	stream.indirect.gather [hbm4b:s6+s17], $0x40, s7, s17, $0xb8;
	[tilespmem:$0x1FC40] =	vst v63  }
0x85: {  	_ =	swait.ge [sflag:s0], $0x2000  }
0x86: {  	s8 =	sadd.s32 $0xC00, s8;
	[sflag:s0] =	ssyncset.done $0x0  }
0x87: {  	s23 =	sadd.s32 $0x50A0, s10;
	p0 =	sne.s32 s8, $0x13800;
	[sflag:s0] =	ssyncadd.s32 $0xFFFFE000  }
0x88: {  	[spmem:s1] =	stream.indirect.scatter.add.f32 [tilespmem:s28], [sflag:$0x7], $0x40, s23, s17, $0xb8;
	[tilespmem:$0x1FC40] =	vst v63  }
.Ltmp3:
0x89: {  	_ = 	snop;
	(pc) =	sbr.rel @p0 .LBB2_2-.Ltmp3, $4  }
.Ltmp4:
0x8a: {  	_ =	swait.ge [sflag:s12], $0x2000;
	(pc) =	sbr.rel @!p0 .LBB2_5-.Ltmp4, $4  }
0x8b: {  	[sflag:s12] =	ssyncset.done $0x0  }
0x8c: {  	s24 =	sadd.s32 $0x580, s10;
	[sflag:s12] =	ssyncadd.s32 $0xFFFFE000  }
0x8d: {  	[tilespmem:s28], [sflag:$0x6] =	stream.indirect.gather [hbm4b:s6+s17], $0x40, s24, s17, $0xb8;
	[tilespmem:$0x1FC40] =	vst v63  }
0x8e: {  	_ = 	snop  }
.LBB2_3:
0x8f: {  	_ =	swait.ge [sflag:s0], $0x2000  }
0x90: {  	[sflag:s0] =	ssyncset.done $0x0  }
0x91: {  	s7 =	sadd.s32 $0x50A0, s10;
	[sflag:s0] =	ssyncadd.s32 $0xFFFFE000  }
0x92: {  	[spmem:s1] =	stream.indirect.scatter.add.f32 [tilespmem:s28], [sflag:$0x7], $0x40, s7, s17, $0xb8;
	[tilespmem:$0x1FC40] =	vst v63  }
0x93: {  	_ =	swait.ge [sflag:s12], $0x2000  }
0x94: {  	[sflag:s12] =	ssyncset.done $0x0  }
0x95: {  	[sflag:s12] =	ssyncadd.s32 $0xFFFFE000  }
.LBB2_5:
0x96: {  	[tilespmem:s18], [sflag:$0x1] =	stream.indirect.gather [hbm4b:s6+s2], $0x40, s13, s2, $0xb8;
	[tilespmem:$0x1FC40] =	vst v63  }
0x97: {  	_ =	swait.ge [sflag:s29], $0x800  }
0x98: {  	[sflag:s29] =	ssyncset.done $0x0  }
0x99: {  	[sflag:s29] =	ssyncadd.s32 $0xFFFFF800  }
0x9a: {  	[spmem:s1] =	stream.indirect.scatter.add.f32 [tilespmem:s18], [sflag:$0x7], $0x40, s5, s2, $0xb8;
	[tilespmem:$0x1FC40] =	vst v63  }
0x9b: {  	_ =	swait.ge [sflag:s12], $0x800  }
0x9c: {  	[sflag:s12] =	ssyncset.done $0x0  }
0x9d: {  	[sflag:s12] =	ssyncadd.s32 $0xFFFFF800  }
0x9e: {  	[bflag:$0x0] =	sbarrier.arrive $0xFFFF  }
0x9f: {  	s7 =	rddreg [dreg:$0x7]  }
0xa0: {  	[hbm:s7], [sflag:s15] =	dma.local [spmem:s16], $0x1400  }
0xa1: {  	_ =	swait.ge [sflag:s12], $0x1400  }
0xa2: {  	[sflag:s12] =	ssyncset.done $0x0;
	s19 =	rddreg [dreg:$0x6]  }
0xa3: {  	[sflag:s12] =	ssyncadd.s32 $0xFFFFEC00;
	s7 =	sadd.s32 s19, s9  }
0xa4: {  	[spmem:s16], [sflag:s15] =	dma.local [hbm:s7], $0x1400  }
0xa5: {  	_ =	swait.ge [sflag:s12], $0x1400  }
0xa6: {  	[sflag:s12] =	ssyncset.done $0x0  }
0xa7: {  	[sflag:s12] =	ssyncadd.s32 $0xFFFFEC00  }
0xa8: {  	s8 =	simm.s32 $0x0;
	[bflag:$0x0] =	sbarrier.arrive $0xFFFF  }
0xa9: {  	[tilespmem:s18], [sflag:$0x1] =	stream.indirect.gather [hbm4b:s9+s17], $0x40, s8, s17, $0xb8;
	[tilespmem:$0x1FC40] =	vst v63  }
0xaa: {  	s20 =	simm.s32 $0xBC40  }
0xab: {  	[tilespmem:s20], [sflag:$0x2] =	stream.indirect.gather [hbm4b:s9+s17], $0x40, s17, s17, $0xb8;
	[tilespmem:$0x1FC40] =	vst v63  }
0xac: {  	s22 =	simm.s32 $0x100  }
0xad: {  	[tilespmem:s21], [sflag:$0x3] =	stream.indirect.gather [hbm4b:s9+s17], $0x40, s22, s17, $0xb8;
	[tilespmem:$0x1FC40] =	vst v63  }
0xae: {  	s23 =	simm.s32 $0x180;
	s10 =	simm.s32 $0xFC40  }
0xaf: {  	[tilespmem:s10], [sflag:$0x4] =	stream.indirect.gather [hbm4b:s9+s17], $0x40, s23, s17, $0xb8;
	[tilespmem:$0x1FC40] =	vst v63  }
0xb0: {  	s24 =	simm.s32 $0x200  }
0xb1: {  	[tilespmem:s25], [sflag:$0x5] =	stream.indirect.gather [hbm4b:s9+s17], $0x40, s24, s17, $0xb8;
	[tilespmem:$0x1FC40] =	vst v63  }
0xb2: {  	_ = 	snop  }
0xb3: {  	[tilespmem:s28], [sflag:$0x6] =	stream.indirect.gather [hbm4b:s9+s17], $0x40, s26, s17, $0xb8;
	[tilespmem:$0x1FC40] =	vst v63  }
.LBB2_6:
0xb4: {  	_ =	swait.ge [sflag:s29], $0x2000  }
0xb5: {  	s10 =	sshra.s32 s8, $0x2;
	[sflag:s29] =	ssyncset.done $0x0  }
0xb6: {  	s7 =	sadd.s32 $0x4E20, s10;
	[sflag:s29] =	ssyncadd.s32 $0xFFFFE000  }
0xb7: {  	[spmem:s1] =	stream.indirect.scatter.add.f32 [tilespmem:s18], [sflag:$0x7], $0x40, s7, s17, $0xb8;
	[tilespmem:$0x1FC40] =	vst v63  }
0xb8: {  	_ =	swait.ge [sflag:s12], $0x2000  }
0xb9: {  	p0 =	seq.s32 s8, $0x12C00;
	[sflag:s12] =	ssyncset.done $0x0  }
0xba: {  	s7 =	simm.s32 @p0 $0x2;
	[sflag:s12] =	ssyncadd.s32 $0xFFFFE000  }
0xbb: {  	_ =	swait.ge @p0 [sflag:s7], $0x2000  }
0xbc: {  	[sflag:s7] =	ssyncset.done @p0 $0x0  }
0xbd: {  	[sflag:s7] =	ssyncadd.s32 @p0 $0xFFFFE000;
	s7 =	sshra.s32 @p0 s8, $0x2  }
0xbe: {  	s14 =	simm.s32 @p0 $0x80;
	s19 =	simm.s32 @p0 $0xBC40;
	s11 =	sadd.s32 @p0 $0x4EA0, s7  }
0xbf: {  	[spmem:s1] =	stream.indirect.scatter.add.f32 @p0 [tilespmem:s19], [sflag:$0x7], $0x40, s11, s14, $0xb8;
	[tilespmem:$0x1FC40] =	vst v63  }
0xc0: {  	s11 =	simm.s32 @p0 $0x7  }
0xc1: {  	_ =	swait.ge @p0 [sflag:s11], $0x2000  }
0xc2: {  	s22 =	simm.s32 @!p0 $0x80;
	s19 =	sshra.s32 @!p0 s8, $0x2;
	[sflag:s11] =	ssyncset.done @p0 $0x0  }
0xc3: {  	s23 =	simm.s32 @!p0 $0x9C40;
	s20 =	sadd.s32 @!p0 $0x300, s19;
	[sflag:s11] =	ssyncadd.s32 @p0 $0xFFFFE000  }
0xc4: {  	[tilespmem:s23], [sflag:$0x1] =	stream.indirect.gather @!p0 [hbm4b:s9+s22], $0x40, s20, s22, $0xb8;
	[tilespmem:$0x1FC40] =	vst v63  }
0xc5: {  	s20 =	simm.s32 @!p0 $0x2  }
0xc6: {  	_ =	swait.ge @!p0 [sflag:s20], $0x2000  }
0xc7: {  	[sflag:s20] =	ssyncset.done @!p0 $0x0  }
0xc8: {  	s23 =	simm.s32 @!p0 $0xBC40;
	[sflag:s20] =	ssyncadd.s32 @!p0 $0xFFFFE000;
	s20 =	sadd.s32 @!p0 $0x4EA0, s19  }
0xc9: {  	[spmem:s1] =	stream.indirect.scatter.add.f32 @!p0 [tilespmem:s23], [sflag:$0x7], $0x40, s20, s22, $0xb8;
	[tilespmem:$0x1FC40] =	vst v63  }
0xca: {  	s20 =	simm.s32 @!p0 $0x7  }
0xcb: {  	_ =	swait.ge @!p0 [sflag:s20], $0x2000  }
0xcc: {  	[sflag:s20] =	ssyncset.done @!p0 $0x0  }
0xcd: {  	s24 =	sadd.s32 @!p0 $0x380, s19;
	[sflag:s20] =	ssyncadd.s32 @!p0 $0xFFFFE000  }
0xce: {  	[tilespmem:s23], [sflag:$0x2] =	stream.indirect.gather @!p0 [hbm4b:s9+s22], $0x40, s24, s22, $0xb8;
	[tilespmem:$0x1FC40] =	vst v63  }
0xcf: {  	_ =	swait.ge [sflag:s30], $0x2000  }
0xd0: {  	[sflag:s30] =	ssyncset.done $0x0  }
0xd1: {  	s24 =	sadd.s32 $0x4F20, s10;
	[sflag:s30] =	ssyncadd.s32 $0xFFFFE000  }
0xd2: {  	[spmem:s1] =	stream.indirect.scatter.add.f32 [tilespmem:s21], [sflag:$0x7], $0x40, s24, s17, $0xb8;
	[tilespmem:$0x1FC40] =	vst v63  }
0xd3: {  	_ =	swait.ge [sflag:s12], $0x2000  }
0xd4: {  	[sflag:s12] =	ssyncset.done $0x0  }
0xd5: {  	s23 =	simm.s32 @p0 $0x4;
	[sflag:s12] =	ssyncadd.s32 $0xFFFFE000  }
0xd6: {  	_ =	swait.ge @p0 [sflag:s23], $0x2000  }
0xd7: {  	[sflag:s23] =	ssyncset.done @p0 $0x0  }
0xd8: {  	s7 =	sadd.s32 @p0 $0x4FA0, s7;
	[sflag:s23] =	ssyncadd.s32 @p0 $0xFFFFE000;
	s23 =	simm.s32 @p0 $0xFC40  }
0xd9: {  	[spmem:s1] =	stream.indirect.scatter.add.f32 @p0 [tilespmem:s23], [sflag:$0x7], $0x40, s7, s14, $0xb8;
	[tilespmem:$0x1FC40] =	vst v63  }
0xda: {  	_ =	swait.ge @p0 [sflag:s11], $0x2000  }
0xdb: {  	[sflag:s11] =	ssyncset.done @p0 $0x0  }
0xdc: {  	s7 =	sadd.s32 @!p0 $0x400, s19;
	[sflag:s11] =	ssyncadd.s32 @p0 $0xFFFFE000;
	s11 =	simm.s32 @!p0 $0xDC40  }
0xdd: {  	[tilespmem:s11], [sflag:$0x3] =	stream.indirect.gather @!p0 [hbm4b:s9+s22], $0x40, s7, s22, $0xb8;
	[tilespmem:$0x1FC40] =	vst v63  }
0xde: {  	s7 =	simm.s32 @!p0 $0x4  }
0xdf: {  	_ =	swait.ge @!p0 [sflag:s7], $0x2000  }
0xe0: {  	[sflag:s7] =	ssyncset.done @!p0 $0x0  }
0xe1: {  	s11 =	simm.s32 @!p0 $0xFC40;
	[sflag:s7] =	ssyncadd.s32 @!p0 $0xFFFFE000;
	s7 =	sadd.s32 @!p0 $0x4FA0, s19  }
0xe2: {  	[spmem:s1] =	stream.indirect.scatter.add.f32 @!p0 [tilespmem:s11], [sflag:$0x7], $0x40, s7, s22, $0xb8;
	[tilespmem:$0x1FC40] =	vst v63  }
0xe3: {  	_ =	swait.ge @!p0 [sflag:s20], $0x2000  }
0xe4: {  	[sflag:s20] =	ssyncset.done @!p0 $0x0  }
0xe5: {  	s7 =	sadd.s32 @!p0 $0x480, s19;
	[sflag:s20] =	ssyncadd.s32 @!p0 $0xFFFFE000  }
0xe6: {  	[tilespmem:s11], [sflag:$0x4] =	stream.indirect.gather @!p0 [hbm4b:s9+s22], $0x40, s7, s22, $0xb8;
	[tilespmem:$0x1FC40] =	vst v63  }
0xe7: {  	_ =	swait.ge [sflag:s31], $0x2000  }
0xe8: {  	p0 =	sne.s32 s8, $0x12C00;
	[sflag:s31] =	ssyncset.done $0x0  }
.Ltmp5:
0xe9: {  	s24 =	sadd.s32 $0x5020, s10;
	[sflag:s31] =	ssyncadd.s32 $0xFFFFE000;
	(pc) =	sbr.rel @!p0 .LBB2_7-.Ltmp5, $4  }
0xea: {  	[spmem:s1] =	stream.indirect.scatter.add.f32 [tilespmem:s25], [sflag:$0x7], $0x40, s24, s17, $0xb8;
	[tilespmem:$0x1FC40] =	vst v63  }
0xeb: {  	_ =	swait.ge [sflag:s12], $0x2000  }
0xec: {  	[sflag:s12] =	ssyncset.done $0x0  }
0xed: {  	[sflag:s12] =	ssyncadd.s32 $0xFFFFE000  }
0xee: {  	s7 =	sadd.s32 $0x500, s10  }
0xef: {  	[tilespmem:s25], [sflag:$0x5] =	stream.indirect.gather [hbm4b:s9+s17], $0x40, s7, s17, $0xb8;
	[tilespmem:$0x1FC40] =	vst v63  }
0xf0: {  	_ =	swait.ge [sflag:s0], $0x2000  }
0xf1: {  	s8 =	sadd.s32 $0xC00, s8;
	[sflag:s0] =	ssyncset.done $0x0  }
0xf2: {  	s23 =	sadd.s32 $0x50A0, s10;
	p0 =	sne.s32 s8, $0x13800;
	[sflag:s0] =	ssyncadd.s32 $0xFFFFE000  }
0xf3: {  	[spmem:s1] =	stream.indirect.scatter.add.f32 [tilespmem:s28], [sflag:$0x7], $0x40, s23, s17, $0xb8;
	[tilespmem:$0x1FC40] =	vst v63  }
.Ltmp6:
0xf4: {  	_ = 	snop;
	(pc) =	sbr.rel @p0 .LBB2_6-.Ltmp6, $4  }
.Ltmp7:
0xf5: {  	_ =	swait.ge [sflag:s12], $0x2000;
	(pc) =	sbr.rel @!p0 .LBB2_9-.Ltmp7, $4  }
0xf6: {  	[sflag:s12] =	ssyncset.done $0x0  }
0xf7: {  	s24 =	sadd.s32 $0x580, s10;
	[sflag:s12] =	ssyncadd.s32 $0xFFFFE000  }
0xf8: {  	[tilespmem:s28], [sflag:$0x6] =	stream.indirect.gather [hbm4b:s9+s17], $0x40, s24, s17, $0xb8;
	[tilespmem:$0x1FC40] =	vst v63  }
0xf9: {  	_ = 	snop  }
.LBB2_10:
0xfa: {  	_ =	sfence.sel $0x180000  }
0xfb: {  	[bflag:$0x0] =	sbarrier.arrive $0xFFFF  }
0xfc: {  	_ =	strace $0x9000004A  }
0xfd: {  	s0 =	stileid.u32;
	[bflag:$0x2] =	sbarrier.arrive $0xFFFF  }
0xfe: {  	p0 =	sne.s32 s0, $0x0;
	s0 =	rddreg [dreg:$0x3]  }
0xff: {  	s0 =	sadd.s32 @!p0 $0x100000, s0  }
0x100: {  	[sflag:s0] =	ssyncadd.tile.s32 @!p0 $0x1;
	_ =	shalt  }
.Lfunc_end2:
_tile_overlayer_lowered:
.L_overlay_start_2:
0x101: {  	(tag) =	ssettag $0x2  }
0x102: {  	s0 =	rddreg [dreg:$0x0];
	s2 =	stileid.u32  }
0x103: {  	s1 =	rddreg [dreg:$0x1];
	p0 =	sne.s32 s2, $0x0  }
0x104: {  	s3 =	rddreg [dreg:$0x2];
	[bflag:$0x3] =	sbarrier.arrive $0xFFFF;
	s2 =	simm.s32 @!p0 $0x1C07  }
0x105: {  	[timem:s3], [sflag:s2] =	dma.local @!p0 [hbm:s0], s1  }
0x106: {  	s0 =	simm.s32 @!p0 $0x7  }
0x107: {  	_ =	swait.ge @!p0 [sflag:s0], s1  }
0x108: {  	s1 =	ssub.s32 @!p0 $0x0, s1;
	[sflag:s0] =	ssyncset.done @!p0 $0x0  }
0x109: {  	[sflag:s0] =	ssyncadd.s32 @!p0 s1  }
0x10a: {  	[bflag:$0x3] =	sbarrier.arrive $0xFFFF  }
0x10b: {  	_ =	shalt  }

// kernel: kernel.14.cloned.1.call-start
scs
__scs_entry_jumppad:
0x0: {  	(pc) =	sbr.rel $0x88, $3  }
0x1: {  	(tag) =	ssettag $0x0;
	lr =	simm.s32 $0x1  }
0x2: {  	[smem:$0x3F9B] =	sst lr;
	_ =	strace $0xD0000000  }
0x3: {  	_ = 	snop  }
0x4: {  	_ = 	snop  }
0x5: {  	_ = 	snop  }
0x6: {  	_ = 	snop  }
0x7: {  	_ = 	snop  }
__scs_overlays_trampoline_lowered:
0x8: {  	[smem:$0x3FAA] =	sst s0  }
0x9: {  	[smem:$0x3FAB] =	sst s1  }
0xa: {  	[smem:$0x3FAC] =	sst s2  }
0xb: {  	[smem:$0x3FAD] =	sst s3  }
0xc: {  	[smem:$0x3FAE] =	sst s4  }
0xd: {  	[smem:$0x3FAF] =	sst s5  }
0xe: {  	[smem:$0x3FB0] =	sst s6  }
0xf: {  	[smem:$0x3FB1] =	sst s7  }
0x10: {  	[smem:$0x3FB2] =	sst s8  }
0x11: {  	[smem:$0x3FB3] =	sst s9;
	s0 =	simm.s32 @!p0 $0x0  }
0x12: {  	s1 =	sld [smem:$0x3F99];
	s0 =	simm.s32 @p0 $0x1  }
0x13: {  	[smem:$0x3FB4] =	sst s0;
	s0 =	simm.s32 @!p1 $0x0  }
0x14: {  	s2 =	sld [smem:$0x3F98];
	s0 =	simm.s32 @p1 $0x1  }
0x15: {  	[smem:$0x3FB5] =	sst s0;
	s0 =	simm.s32 @!p2 $0x0  }
0x16: {  	s3 =	sld [smem:$0x3FDB];
	s0 =	simm.s32 @p2 $0x1  }
0x17: {  	s4 =	simm.s32 $0x1BF5;
	[smem:$0x3FB7] =	sst s0  }
0x18: {  	s0 =	sld [smem:$0x3F9A];
	_ =	swait.ge [sflag:s4], $0x0  }
0x19: {  	s7 =	sld [smem:$0x3F9B]  }
0x1a: {  	s8 =	sadd.s32 $0xFFFFE003, lr  }
0x1b: {  	s9 =	sadd.s32 $0xFFFFFEF7, lr;
	s5 =	simm.s32 $0xFFFFFFFF;
	p2 =	slt.u32 s8, $0xFFFFF086  }
0x1c: {  	p1 =	slt.u32 s9, $0xF7A;
	s5 =	simm.s32 @!p2 $0x0  }
0x1d: {  	s5 =	simm.s32 @p1 $0x1;
	p0 =	seq.s32 s7, s2  }
0x1e: {  	s7 =	smul.u32 @!p0 $0xF7A, s2;
	p2 =	seq.s32 @!p0 s5, $0x0  }
0x1f: {  	s9 =	smul.u32 $0xF7A, s1;
	s8 =	simm.s32 @!p0 $0x1BF5;
	p2 =	por !p2, p0  }
0x20: {  	[sflag:s8] =	ssyncset.s32 @!p0 $0xFFFFF086;
	s6 =	sadd.s32 @!p0 s3, s7;
	s7 =	simm.s32 @!p0 $0x108  }
0x21: {  	s3 =	sadd.s32 s3, s9;
	s6 =	sadd.s32 @!p0 $0x88, s6;
	s7 =	simm.s32 @p2 $0x1082  }
0x22: {  	[simem:s7], [sflag:s8] =	dma.local @!p0 [hbm:s6], $0xF7A  }
0x23: {  	s9 =	sor.u32 $0xD0000000, s2;
	s6 =	simm.s32 $0x108;
	_ =	swait.ge @!p0 [sflag:s8], $0x0  }
0x24: {  	s3 =	sadd.s32 $0x88, s3;
	s6 =	simm.s32 @!p1 $0x1082;
	[sflag:s4] =	ssyncset.s32 $0xFFFFF086  }
0x25: {  	[simem:s6], [sflag:s4] =	dma.local [hbm:s3], $0xF7A  }
0x26: {  	[smem:$0x3F9B] =	sst s1;
	(tag) =	ssettag s2;
	_ =	strace s9  }
0x27: {  	s1 =	sld [smem:$0x3FAB]  }
0x28: {  	s2 =	sld [smem:$0x3FAC]  }
0x29: {  	s4 =	sld [smem:$0x3FAE]  }
0x2a: {  	p0 =	seq.s32 s5, $0x0;
	s5 =	sld [smem:$0x3FAF]  }
0x2b: {  	s6 =	sld [smem:$0x3FB0]  }
0x2c: {  	s7 =	sld [smem:$0x3FB1]  }
0x2d: {  	s3 =	simm.s32 $0x108;
	s8 =	sld [smem:$0x3FB2]  }
0x2e: {  	s3 =	simm.s32 @!p0 $0x1082;
	s9 =	sld [smem:$0x3FB3]  }
0x2f: {  	lr =	sadd.s32 s0, s3;
	s0 =	sld [smem:$0x3FAA]  }
0x30: {  	s3 =	sld [smem:$0x3FAD]  }
0x31: {  	[smem:$0x3FB6] =	sst s10  }
0x32: {  	s10 =	sld [smem:$0x3FB4];
	_ =	sdelay $0x3  }
0x33: {  	p0 =	seq.s32 s10, $0x1;
	s10 =	sld [smem:$0x3FB6];
	_ =	sdelay $0x3  }
0x34: {  	[smem:$0x3FB6] =	sst s10  }
0x35: {  	s10 =	sld [smem:$0x3FB5];
	_ =	sdelay $0x3  }
0x36: {  	p1 =	seq.s32 s10, $0x1;
	s10 =	sld [smem:$0x3FB6];
	_ =	sdelay $0x3  }
0x37: {  	[smem:$0x3FB6] =	sst s10  }
0x38: {  	s10 =	sld [smem:$0x3FB7]  }
0x39: {  	_ = 	snop;
	(pc) =	sbr.ind lr, $3  }
0x3a: {  	_ = 	snop  }
0x3b: {  	_ = 	snop  }
0x3c: {  	p2 =	seq.s32 s10, $0x1;
	s10 =	sld [smem:$0x3FB6]  }
0x3d: {  	_ =	shalt  }
0x3e: {  	_ =	shalt  }
0x3f: {  	_ =	shalt  }
0x40: {  	_ =	shalt  }
0x41: {  	_ =	shalt  }
0x42: {  	_ =	shalt  }
0x43: {  	_ =	shalt  }
0x44: {  	_ =	shalt  }
0x45: {  	_ =	shalt  }
0x46: {  	_ =	shalt  }
0x47: {  	_ =	shalt  }
0x48: {  	_ =	shalt  }
0x49: {  	_ =	shalt  }
0x4a: {  	_ =	shalt  }
0x4b: {  	_ =	shalt  }
0x4c: {  	_ =	shalt  }
0x4d: {  	_ =	shalt  }
0x4e: {  	_ =	shalt  }
0x4f: {  	_ =	shalt  }
0x50: {  	_ =	shalt  }
0x51: {  	_ =	shalt  }
0x52: {  	_ =	shalt  }
0x53: {  	_ =	shalt  }
0x54: {  	_ =	shalt  }
0x55: {  	_ =	shalt  }
0x56: {  	_ =	shalt  }
0x57: {  	_ =	shalt  }
0x58: {  	_ =	shalt  }
0x59: {  	_ =	shalt  }
0x5a: {  	_ =	shalt  }
0x5b: {  	_ =	shalt  }
0x5c: {  	_ =	shalt  }
0x5d: {  	_ =	shalt  }
0x5e: {  	_ =	shalt  }
0x5f: {  	_ =	shalt  }
0x60: {  	_ =	shalt  }
0x61: {  	_ =	shalt  }
0x62: {  	_ =	shalt  }
0x63: {  	_ =	shalt  }
0x64: {  	_ =	shalt  }
0x65: {  	_ =	shalt  }
0x66: {  	_ =	shalt  }
0x67: {  	_ =	shalt  }
0x68: {  	_ =	shalt  }
0x69: {  	_ =	shalt  }
0x6a: {  	_ =	shalt  }
0x6b: {  	_ =	shalt  }
0x6c: {  	_ =	shalt  }
0x6d: {  	_ =	shalt  }
0x6e: {  	_ =	shalt  }
0x6f: {  	_ =	shalt  }
0x70: {  	_ =	shalt  }
0x71: {  	_ =	shalt  }
0x72: {  	_ =	shalt  }
0x73: {  	_ =	shalt  }
0x74: {  	_ =	shalt  }
0x75: {  	_ =	shalt  }
0x76: {  	_ =	shalt  }
0x77: {  	_ =	shalt  }
0x78: {  	_ =	shalt  }
0x79: {  	_ =	shalt  }
0x7a: {  	_ =	shalt  }
0x7b: {  	_ =	shalt  }
0x7c: {  	_ =	shalt  }
0x7d: {  	_ =	shalt  }
0x7e: {  	_ =	shalt  }
0x7f: {  	_ =	shalt  }
0x80: {  	_ =	shalt  }
0x81: {  	_ =	shalt  }
0x82: {  	_ =	shalt  }
0x83: {  	_ =	shalt  }
0x84: {  	_ =	shalt  }
0x85: {  	_ =	shalt  }
0x86: {  	_ =	shalt  }
0x87: {  	_ =	shalt  }
.Lfunc_end0:
.L_simem_size_0:
called_computation.2_lowered:
.L_overlay_start_0:
0x88: {  	s2 =	sld [smem:$0x3FD9]  }
0x89: {  	s3 =	sld [smem:$0x3FFE];
	_ =	sdelay $0x1  }
0x8a: {  	s1 =	srdreg.scid  }
0x8b: {  	s0 =	sand.u32 $0x1, s1  }
0x8c: {  	s17 =	sshll.u32 s0, $0xA;
	s2 =	sadd.s32 s3, s2  }
0x8d: {  	s2 =	sadd.s32 s2, s17  }
0x8e: {  	[smem:$0x3FC2] =	sst s2  }
0x8f: {  	_ = 	snop  }
0x90: {  	s2 =	sld [smem:$0x3FD0];
	(tm) =	ssettm $0x1  }
0x91: {  	s18 =	sld [smem:$0x3FFB];
	_ =	sdelay $0x3  }
0x92: {  	_ =	strace s18  }
0x93: {  	s3 =	sld [smem:$0x3FFC];
	_ =	sdelay $0x3  }
0x94: {  	_ =	strace s3  }
0x95: {  	s3 =	sld [smem:$0x3FFD];
	_ =	sdelay $0x3  }
0x96: {  	_ =	strace s3  }
0x97: {  	_ =	strace $0x8FFFFFFF  }
0x98: {  	s19 =	sld [smem:$0x3FDB];
	_ =	sdelay $0x1  }
0x99: {  	s4 =	simm.s32 $_scs_section_size  }
0x9a: {  	s5 =	simm.s32 $_size__tile_overlayer_lowered;
	s6 =	simm.s32 $_tile_overlayer_lowered  }
0x9b: {  	s22 =	simm.s32 $0x1BFF;
	s21 =	sshll.u32 s6, $0x1;
	s3 =	sadd.s32 s4, s19  }
0x9c: {  	s7 =	simm.s32 $0x0;
	s20 =	sshll.u32 s5, $0x1;
	s5 =	sadd.s32 s21, s3  }
0x9d: {  	[timem:s7], [sflag:s22] =	dma.local [hbm:s5], s20  }
0x9e: {  	_ =	swait.ge [sflag:s22], s20  }
0x9f: {  	s4 =	ssub.s32 $0x0, s20;
	[sflag:s22] =	ssyncset.done $0x0  }
0xa0: {  	[sflag:s22] =	ssyncadd.s32 s4;
	_ =	sdelay $0x1  }
0xa1: {  	s23 =	simm.s32 $0x1B8B  }
0xa2: {  	_ =	swait.ge [sflag:s23], $0x1  }
0xa3: {  	[sflag:s23] =	ssyncset.done $0x0  }
0xa4: {  	s25 =	simm.s32 $0x1B8E;
	s24 =	sld [smem:$0x3FFE];
	[sflag:s23] =	ssyncadd.s32 $0xFFFFFFFF  }
0xa5: {  	s26 =	simm.s32 $execute0_lowered;
	[smem:$0x3FD2] =	sst s25  }
0xa6: {  	s5 =	sshll.u32 s26, $0x1;
	_ =	strace $0x8000004C;
	[dreg:$0x1] =	wrdreg $0xFFFFFFFF  }
0xa7: {  	s28 =	simm.s32 $_size_execute0_lowered;
	s3 =	sadd.s32 s3, s5;
	[dreg:$0x0] =	wrdreg $0x0  }
0xa8: {  	s5 =	sshll.u32 s28, $0x1;
	[dreg:$0x2] =	wrdreg s3  }
0xa9: {  	[dreg:$0x3] =	wrdreg s5  }
0xaa: {  	[dreg:$0x4] =	wrdreg $0xC0  }
0xab: {  	_ =	task [dreg:s7], $0x5FFFF  }
0xac: {  	[dreg:$0x1] =	wrdreg $0xFFFFFFFF  }
0xad: {  	[dreg:$0x0] =	wrdreg $0x60  }
0xae: {  	[dreg:$0x2] =	wrdreg s24  }
0xaf: {  	[dreg:$0x3] =	wrdreg s2  }
0xb0: {  	[dreg:$0x4] =	wrdreg $0xFC400  }
0xb1: {  	[dreg:$0x5] =	wrdreg $0x9  }
0xb2: {  	_ =	task.clear_ibuf [dreg:s7], $0x6FFFF;
	_ =	strace $0x9000004C  }
0xb3: {  	s29 =	simm.s32 $0x9;
	_ =	strace $0x8000004E  }
0xb4: {  	_ =	swait.ge [sflag:s29], $0x1  }
0xb5: {  	[sflag:s29] =	ssyncadd.s32 $0xFFFFFFFF  }
0xb6: {  	_ =	strace $0x9000004E  }
0xb7: {  	_ =	sfence  }
0xb8: {  	s30 =	sld [smem:$0x0];
	_ =	sdelay $0x2  }
0xb9: {  	s31 =	sshll.u32 s1, $0xD;
	s1 =	sshrl.u32 s1, $0x2  }
0xba: {  	s3 =	sand.u32 $0x4000, s31;
	s1 =	sadd.s32 s1, s30  }
0xbb: {  	s0 =	sor.u32 s3, s0;
	s1 =	sshll.u32 s1, $0x11  }
0xbc: {  	s0 =	sor.u32 s1, s0  }
0xbd: {  	s0 =	sadd.s32 $0x8F2B, s0  }
0xbe: {  	[sflag:s0] =	ssyncadd.remote.s32 $0x1  }
0xbf: {  	_ =	sfence.sel $0xFFFF  }
0xc0: {  	[dreg:$0x0] =	wrdreg $0xFFFFFFFF;
	(pc) =	sbr.abs _section_cstart, $3  }
0xc1: {  	[dreg:$0x1] =	wrdreg $0xFFFFFFFF  }
0xc2: {  	_ =	task.clear_ibuf [dreg:s7], $0x2FFFF;
	_ =	strace $0x9FFFFFFF  }
0xc3: {  	(tm) =	ssettm $0x7FFFFFFF  }
tec
execute0_lowered:
.L_overlay_start_1:
0x0: {  	(tag) =	ssettag $0x1  }
0x1: {  	s0 =	rddreg [dreg:$0x0]  }
0x2: {  	s1 =	rddreg [dreg:$0x1]  }
0x3: {  	s3 =	srdreg.scid;
	s2 =	rddreg [dreg:$0x2]  }
0x4: {  	s12 =	stileid.u32;
	s14 =	simm.s32 $0x80;
	s15 =	simm.s32 $0x9C40  }
0x5: {  	s18 =	simm.s32 $0xBC40;
	s22 =	simm.s32 $0xDC40;
	s28 =	simm.s32 $0x5  }
0x6: {  	s29 =	simm.s32 $0x6;
	s30 =	simm.s32 $0x20;
	s7 =	smul.u32 $0x5000, s12  }
0x7: {  	s4 =	sand.u32 $0x1, s3;
	s3 =	simm.s32 $0x0;
	s8 =	smul.u32 $0x4E20, s12  }
0x8: {  	s31 =	sshll.u32 s12, $0x6;
	s5 =	smul.u32 $0x50000, s4;
	[smem:$0x7FF] =	sst s3  }
0x9: {  	s9 =	ssub.s32 $0x2, s4;
	s12 =	sor.u32 $0x1C07, s31;
	_ =	strace $0x8000004D  }
0xa: {  	s23 =	sshrl.u32 s8, $0x3;
	s24 =	sshrl.u32 s9, $0x1;
	s10 =	sadd.s32 s7, s2  }
0xb: {  	s11 =	sshrl.u32 s7, $0x3;
	s6 =	sshrl.u32 s5, $0x3;
	s5 =	sadd.s32 s7, s5  }
0xc: {  	s4 =	sadd.s32 s1, s23;
	s25 =	ssub.s32 s9, s24;
	s9 =	simm.s32 $0x7  }
.Ltmp0:
0xd: {  	s13 =	sshrl.u32 s10, $0x3;
	s24 =	simm.s32 $0xEC40;
	(pc) =	sbr.rel .LBB2_1-.Ltmp0, $4  }
0xe: {  	s1 =	simm.s32 $0x0;
	s6 =	sadd.s32 s6, s0;
	s5 =	sshrl.u32 s5, $0x3  }
0xf: {  	s26 =	sadd.s32 $0x9C40, s4;
	s8 =	smax.u32 s25, $0x1;
	s25 =	simm.s32 $0x1  }
0x10: {  	s0 =	sadd.s32 s5, s0;
	[dreg:$0x4] =	wrdreg s26;
	s6 =	sadd.s32 $0x51E00, s6  }
0x11: {  	s26 =	simm.s32 $0x3;
	s7 =	sadd.s32 $0x65E00, s0;
	s11 =	sadd.s32 s11, s6  }
.LBB2_3:
0x12: {  	_ =	swait.ge [sflag:s29], $0x1000  }
0x13: {  	[sflag:s29] =	ssyncset.done $0x0  }
0x14: {  	s0 =	sadd.s32 $0x50A0, s16;
	[sflag:s29] =	ssyncadd.s32 $0xFFFFF000  }
0x15: {  	[spmem:s2] =	stream.indirect.scatter.add.f32 [tilespmem:s24], [sflag:$0x7], $0x20, s0, s14, $0xb8;
	[tilespmem:$0x14C40] =	vst v63  }
0x16: {  	_ =	swait.ge [sflag:s9], $0x1000  }
0x17: {  	[sflag:s9] =	ssyncset.done $0x0  }
0x18: {  	[sflag:s9] =	ssyncadd.s32 $0xFFFFF000  }
.LBB2_5:
0x19: {  	s0 =	simm.s32 $0x4E00  }
0x1a: {  	[tilespmem:s15], [sflag:$0x1] =	stream.indirect.gather [hbm4b:s6+s30], $0x20, s0, s30, $0xb8;
	[tilespmem:$0x14C40] =	vst v63  }
0x1b: {  	_ =	swait.ge [sflag:s25], $0x400  }
0x1c: {  	[sflag:s25] =	ssyncset.done $0x0  }
0x1d: {  	s31 =	simm.s32 $0x9C20;
	[sflag:s25] =	ssyncadd.s32 $0xFFFFFC00  }
0x1e: {  	[spmem:s2] =	stream.indirect.scatter.add.f32 [tilespmem:s15], [sflag:$0x7], $0x20, s31, s30, $0xb8;
	[tilespmem:$0x14C40] =	vst v63  }
0x1f: {  	_ =	swait.ge [sflag:s9], $0x400  }
0x20: {  	s1 =	sadd.s32 $0x1, s1;
	[sflag:s9] =	ssyncset.done $0x0  }
0x21: {  	p0 =	sne.s32 s1, s8;
	[sflag:s9] =	ssyncadd.s32 $0xFFFFFC00  }
.Ltmp1:
0x22: {  	[bflag:$0x0] =	sbarrier.arrive $0xFFFF;
	(pc) =	sbr.rel @!p0 .LBB2_6-.Ltmp1, $4  }
0x23: {  	[hbm:s7], [sflag:s12] =	dma.local [spmem:s13], $0xA00  }
0x24: {  	_ =	swait.ge [sflag:s9], $0xA00  }
0x25: {  	[sflag:s9] =	ssyncset.done $0x0  }
0x26: {  	[sflag:s9] =	ssyncadd.s32 $0xFFFFF600  }
.LBB2_1:
0x27: {  	[tilespmem:s3], [sflag:$0x7] =	stream.linear.gather [hbm4b:s4+s3], $0x4E20, $0x38;
	[tilespmem:$0x14C40] =	vst v63  }
0x28: {  	_ =	swait.ge [sflag:s9], $0x4E20  }
0x29: {  	[sflag:s9] =	ssyncset.done $0x0  }
0x2a: {  	s5 =	simm.s32 $0x4E20;
	s0 =	rddreg [dreg:$0x4];
	[sflag:s9] =	ssyncadd.s32 $0xFFFFB1E0  }
0x2b: {  	[tilespmem:s5], [sflag:$0x7] =	stream.linear.gather [hbm4b:s0+s3], $0x4E20, $0x38;
	[tilespmem:$0x14C40] =	vst v63  }
0x2c: {  	_ =	swait.ge [sflag:s9], $0x4E20  }
0x2d: {  	[sflag:s9] =	ssyncset.done $0x0  }
0x2e: {  	[sflag:s9] =	ssyncadd.s32 $0xFFFFB1E0  }
0x2f: {  	[spmem:s13], [sflag:s12] =	dma.local [hbm:s11], $0xA00  }
0x30: {  	_ =	swait.ge [sflag:s9], $0xA00  }
0x31: {  	[sflag:s9] =	ssyncset.done $0x0  }
0x32: {  	[sflag:s9] =	ssyncadd.s32 $0xFFFFF600  }
0x33: {  	[bflag:$0x0] =	sbarrier.arrive $0xFFFF  }
0x34: {  	[tilespmem:s15], [sflag:$0x1] =	stream.indirect.gather [hbm4b:s6+s14], $0x20, s3, s14, $0xb8;
	[tilespmem:$0x14C40] =	vst v63  }
0x35: {  	s17 =	simm.s32 $0xAC40  }
0x36: {  	[tilespmem:s17], [sflag:$0x2] =	stream.indirect.gather [hbm4b:s6+s14], $0x20, s14, s14, $0xb8;
	[tilespmem:$0x14C40] =	vst v63  }
0x37: {  	s19 =	simm.s32 $0x100  }
0x38: {  	[tilespmem:s18], [sflag:$0x3] =	stream.indirect.gather [hbm4b:s6+s14], $0x20, s19, s14, $0xb8;
	[tilespmem:$0x14C40] =	vst v63  }
0x39: {  	s20 =	simm.s32 $0x180;
	s21 =	simm.s32 $0xCC40  }
0x3a: {  	[tilespmem:s21], [sflag:$0x4] =	stream.indirect.gather [hbm4b:s6+s14], $0x20, s20, s14, $0xb8;
	[tilespmem:$0x14C40] =	vst v63  }
0x3b: {  	s23 =	simm.s32 $0x200  }
0x3c: {  	[tilespmem:s22], [sflag:$0x5] =	stream.indirect.gather [hbm4b:s6+s14], $0x20, s23, s14, $0xb8;
	[tilespmem:$0x14C40] =	vst v63  }
0x3d: {  	s31 =	simm.s32 $0x280;
	s10 =	simm.s32 $0x0  }
0x3e: {  	[tilespmem:s24], [sflag:$0x6] =	stream.indirect.gather [hbm4b:s6+s14], $0x20, s31, s14, $0xb8;
	[tilespmem:$0x14C40] =	vst v63  }
.LBB2_2:
0x3f: {  	_ =	swait.ge [sflag:s25], $0x1000  }
0x40: {  	s16 =	sshra.s32 s10, $0x2;
	[sflag:s25] =	ssyncset.done $0x0  }
0x41: {  	s17 =	sadd.s32 $0x4E20, s16;
	[sflag:s25] =	ssyncadd.s32 $0xFFFFF000  }
0x42: {  	[spmem:s2] =	stream.indirect.scatter.add.f32 [tilespmem:s15], [sflag:$0x7], $0x20, s17, s14, $0xb8;
	[tilespmem:$0x14C40] =	vst v63  }
0x43: {  	_ =	swait.ge [sflag:s9], $0x1000  }
0x44: {  	p0 =	seq.s32 s10, $0x12C00;
	[sflag:s9] =	ssyncset.done $0x0  }
0x45: {  	s17 =	simm.s32 @p0 $0x2;
	[sflag:s9] =	ssyncadd.s32 $0xFFFFF000  }
0x46: {  	_ =	swait.ge @p0 [sflag:s17], $0x1000  }
0x47: {  	[sflag:s17] =	ssyncset.done @p0 $0x0  }
0x48: {  	[sflag:s17] =	ssyncadd.s32 @p0 $0xFFFFF000;
	s17 =	sshra.s32 @p0 s10, $0x2  }
0x49: {  	s20 =	simm.s32 @p0 $0x80;
	s21 =	simm.s32 @p0 $0xAC40;
	s19 =	sadd.s32 @p0 $0x4EA0, s17  }
0x4a: {  	[spmem:s2] =	stream.indirect.scatter.add.f32 @p0 [tilespmem:s21], [sflag:$0x7], $0x20, s19, s20, $0xb8;
	[tilespmem:$0x14C40] =	vst v63  }
0x4b: {  	s19 =	simm.s32 @p0 $0x7  }
0x4c: {  	_ =	swait.ge @p0 [sflag:s19], $0x1000  }
0x4d: {  	s31 =	simm.s32 @!p0 $0x80;
	s21 =	sshra.s32 @!p0 s10, $0x2;
	[sflag:s19] =	ssyncset.done @p0 $0x0  }
0x4e: {  	s0 =	simm.s32 @!p0 $0x9C40;
	s23 =	sadd.s32 @!p0 $0x300, s21;
	[sflag:s19] =	ssyncadd.s32 @p0 $0xFFFFF000  }
0x4f: {  	[tilespmem:s0], [sflag:$0x1] =	stream.indirect.gather @!p0 [hbm4b:s6+s31], $0x20, s23, s31, $0xb8;
	[tilespmem:$0x14C40] =	vst v63  }
0x50: {  	s0 =	simm.s32 @!p0 $0x2  }
0x51: {  	_ =	swait.ge @!p0 [sflag:s0], $0x1000  }
0x52: {  	[sflag:s0] =	ssyncset.done @!p0 $0x0  }
0x53: {  	s23 =	simm.s32 @!p0 $0xAC40;
	[sflag:s0] =	ssyncadd.s32 @!p0 $0xFFFFF000;
	s0 =	sadd.s32 @!p0 $0x4EA0, s21  }
0x54: {  	[spmem:s2] =	stream.indirect.scatter.add.f32 @!p0 [tilespmem:s23], [sflag:$0x7], $0x20, s0, s31, $0xb8;
	[tilespmem:$0x14C40] =	vst v63  }
0x55: {  	s0 =	simm.s32 @!p0 $0x7  }
0x56: {  	_ =	swait.ge @!p0 [sflag:s0], $0x1000  }
0x57: {  	[sflag:s0] =	ssyncset.done @!p0 $0x0  }
0x58: {  	s5 =	sadd.s32 @!p0 $0x380, s21;
	[sflag:s0] =	ssyncadd.s32 @!p0 $0xFFFFF000  }
0x59: {  	[tilespmem:s23], [sflag:$0x2] =	stream.indirect.gather @!p0 [hbm4b:s6+s31], $0x20, s5, s31, $0xb8;
	[tilespmem:$0x14C40] =	vst v63  }
0x5a: {  	_ =	swait.ge [sflag:s26], $0x1000  }
0x5b: {  	[sflag:s26] =	ssyncset.done $0x0  }
0x5c: {  	s23 =	sadd.s32 $0x4F20, s16;
	[sflag:s26] =	ssyncadd.s32 $0xFFFFF000  }
0x5d: {  	[spmem:s2] =	stream.indirect.scatter.add.f32 [tilespmem:s18], [sflag:$0x7], $0x20, s23, s14, $0xb8;
	[tilespmem:$0x14C40] =	vst v63  }
0x5e: {  	_ =	swait.ge [sflag:s9], $0x1000  }
0x5f: {  	[sflag:s9] =	ssyncset.done $0x0  }
0x60: {  	s5 =	simm.s32 @p0 $0x4;
	[sflag:s9] =	ssyncadd.s32 $0xFFFFF000  }
0x61: {  	_ =	swait.ge @p0 [sflag:s5], $0x1000  }
0x62: {  	[sflag:s5] =	ssyncset.done @p0 $0x0  }
0x63: {  	[sflag:s5] =	ssyncadd.s32 @p0 $0xFFFFF000;
	s5 =	sadd.s32 @p0 $0x4FA0, s17;
	s17 =	simm.s32 @p0 $0xCC40  }
0x64: {  	[spmem:s2] =	stream.indirect.scatter.add.f32 @p0 [tilespmem:s17], [sflag:$0x7], $0x20, s5, s20, $0xb8;
	[tilespmem:$0x14C40] =	vst v63  }
0x65: {  	_ =	swait.ge @p0 [sflag:s19], $0x1000  }
0x66: {  	[sflag:s19] =	ssyncset.done @p0 $0x0  }
0x67: {  	s5 =	sadd.s32 @!p0 $0x400, s21;
	s17 =	simm.s32 @!p0 $0xBC40;
	[sflag:s19] =	ssyncadd.s32 @p0 $0xFFFFF000  }
0x68: {  	[tilespmem:s17], [sflag:$0x3] =	stream.indirect.gather @!p0 [hbm4b:s6+s31], $0x20, s5, s31, $0xb8;
	[tilespmem:$0x14C40] =	vst v63  }
0x69: {  	s5 =	simm.s32 @!p0 $0x4  }
0x6a: {  	_ =	swait.ge @!p0 [sflag:s5], $0x1000  }
0x6b: {  	[sflag:s5] =	ssyncset.done @!p0 $0x0  }
0x6c: {  	s17 =	simm.s32 @!p0 $0xCC40;
	[sflag:s5] =	ssyncadd.s32 @!p0 $0xFFFFF000;
	s5 =	sadd.s32 @!p0 $0x4FA0, s21  }
0x6d: {  	[spmem:s2] =	stream.indirect.scatter.add.f32 @!p0 [tilespmem:s17], [sflag:$0x7], $0x20, s5, s31, $0xb8;
	[tilespmem:$0x14C40] =	vst v63  }
0x6e: {  	_ =	swait.ge @!p0 [sflag:s0], $0x1000  }
0x6f: {  	[sflag:s0] =	ssyncset.done @!p0 $0x0  }
0x70: {  	[sflag:s0] =	ssyncadd.s32 @!p0 $0xFFFFF000;
	s0 =	sadd.s32 @!p0 $0x480, s21  }
0x71: {  	[tilespmem:s17], [sflag:$0x4] =	stream.indirect.gather @!p0 [hbm4b:s6+s31], $0x20, s0, s31, $0xb8;
	[tilespmem:$0x14C40] =	vst v63  }
0x72: {  	_ =	swait.ge [sflag:s28], $0x1000  }
0x73: {  	p0 =	sne.s32 s10, $0x12C00;
	[sflag:s28] =	ssyncset.done $0x0  }
.Ltmp2:
0x74: {  	s31 =	sadd.s32 $0x5020, s16;
	[sflag:s28] =	ssyncadd.s32 $0xFFFFF000;
	(pc) =	sbr.rel @!p0 .LBB2_3-.Ltmp2, $4  }
0x75: {  	[spmem:s2] =	stream.indirect.scatter.add.f32 [tilespmem:s22], [sflag:$0x7], $0x20, s31, s14, $0xb8;
	[tilespmem:$0x14C40] =	vst v63  }
0x76: {  	_ =	swait.ge [sflag:s9], $0x1000  }
0x77: {  	[sflag:s9] =	ssyncset.done $0x0  }
0x78: {  	[sflag:s9] =	ssyncadd.s32 $0xFFFFF000  }
0x79: {  	s0 =	sadd.s32 $0x500, s16  }
0x7a: {  	[tilespmem:s22], [sflag:$0x5] =	stream.indirect.gather [hbm4b:s6+s14], $0x20, s0, s14, $0xb8;
	[tilespmem:$0x14C40] =	vst v63  }
0x7b: {  	_ =	swait.ge [sflag:s29], $0x1000  }
0x7c: {  	s10 =	sadd.s32 $0xC00, s10;
	[sflag:s29] =	ssyncset.done $0x0  }
0x7d: {  	s23 =	sadd.s32 $0x50A0, s16;
	p0 =	sne.s32 s10, $0x13800;
	[sflag:s29] =	ssyncadd.s32 $0xFFFFF000  }
0x7e: {  	[spmem:s2] =	stream.indirect.scatter.add.f32 [tilespmem:s24], [sflag:$0x7], $0x20, s23, s14, $0xb8;
	[tilespmem:$0x14C40] =	vst v63  }
.Ltmp3:
0x7f: {  	_ = 	snop;
	(pc) =	sbr.rel @p0 .LBB2_2-.Ltmp3, $4  }
.Ltmp4:
0x80: {  	_ =	swait.ge [sflag:s9], $0x1000;
	(pc) =	sbr.rel @!p0 .LBB2_5-.Ltmp4, $4  }
0x81: {  	[sflag:s9] =	ssyncset.done $0x0  }
0x82: {  	s31 =	sadd.s32 $0x580, s16;
	[sflag:s9] =	ssyncadd.s32 $0xFFFFF000  }
0x83: {  	[tilespmem:s24], [sflag:$0x6] =	stream.indirect.gather [hbm4b:s6+s14], $0x20, s31, s14, $0xb8;
	[tilespmem:$0x14C40] =	vst v63  }
0x84: {  	_ = 	snop  }
.LBB2_6:
0x85: {  	_ =	sfence.sel $0x180000  }
0x86: {  	[bflag:$0x0] =	sbarrier.arrive $0xFFFF  }
0x87: {  	_ =	strace $0x9000004D  }
0x88: {  	s0 =	stileid.u32;
	[bflag:$0x2] =	sbarrier.arrive $0xFFFF  }
0x89: {  	p0 =	sne.s32 s0, $0x0;
	s0 =	rddreg [dreg:$0x3]  }
0x8a: {  	s0 =	sadd.s32 @!p0 $0x100000, s0  }
0x8b: {  	[sflag:s0] =	ssyncadd.tile.s32 @!p0 $0x1;
	_ =	shalt  }
.Lfunc_end2:
_tile_overlayer_lowered:
.L_overlay_start_2:
0x8c: {  	(tag) =	ssettag $0x2  }
0x8d: {  	s0 =	rddreg [dreg:$0x0];
	s2 =	stileid.u32  }
0x8e: {  	s1 =	rddreg [dreg:$0x1];
	p0 =	sne.s32 s2, $0x0  }
0x8f: {  	s3 =	rddreg [dreg:$0x2];
	[bflag:$0x3] =	sbarrier.arrive $0xFFFF;
	s2 =	simm.s32 @!p0 $0x1C07  }
0x90: {  	[timem:s3], [sflag:s2] =	dma.local @!p0 [hbm:s0], s1  }
0x91: {  	s0 =	simm.s32 @!p0 $0x7  }
0x92: {  	_ =	swait.ge @!p0 [sflag:s0], s1  }
0x93: {  	s1 =	ssub.s32 @!p0 $0x0, s1;
	[sflag:s0] =	ssyncset.done @!p0 $0x0  }
0x94: {  	[sflag:s0] =	ssyncadd.s32 @!p0 s1  }
0x95: {  	[bflag:$0x3] =	sbarrier.arrive $0xFFFF  }
0x96: {  	_ =	shalt  }

// kernel: kernel.8.cloned.1.call-start
scs
__scs_entry_jumppad:
0x0: {  	(pc) =	sbr.rel $0x88, $3  }
0x1: {  	(tag) =	ssettag $0x0;
	lr =	simm.s32 $0x1  }
0x2: {  	[smem:$0x3F9B] =	sst lr;
	_ =	strace $0xD0000000  }
0x3: {  	_ = 	snop  }
0x4: {  	_ = 	snop  }
0x5: {  	_ = 	snop  }
0x6: {  	_ = 	snop  }
0x7: {  	_ = 	snop  }
__scs_overlays_trampoline_lowered:
0x8: {  	[smem:$0x3FAA] =	sst s0  }
0x9: {  	[smem:$0x3FAB] =	sst s1  }
0xa: {  	[smem:$0x3FAC] =	sst s2  }
0xb: {  	[smem:$0x3FAD] =	sst s3  }
0xc: {  	[smem:$0x3FAE] =	sst s4  }
0xd: {  	[smem:$0x3FAF] =	sst s5  }
0xe: {  	[smem:$0x3FB0] =	sst s6  }
0xf: {  	[smem:$0x3FB1] =	sst s7  }
0x10: {  	[smem:$0x3FB2] =	sst s8  }
0x11: {  	[smem:$0x3FB3] =	sst s9;
	s0 =	simm.s32 @!p0 $0x0  }
0x12: {  	s1 =	sld [smem:$0x3F99];
	s0 =	simm.s32 @p0 $0x1  }
0x13: {  	[smem:$0x3FB4] =	sst s0;
	s0 =	simm.s32 @!p1 $0x0  }
0x14: {  	s2 =	sld [smem:$0x3F98];
	s0 =	simm.s32 @p1 $0x1  }
0x15: {  	[smem:$0x3FB5] =	sst s0;
	s0 =	simm.s32 @!p2 $0x0  }
0x16: {  	s3 =	sld [smem:$0x3FDB];
	s0 =	simm.s32 @p2 $0x1  }
0x17: {  	s4 =	simm.s32 $0x1BF5;
	[smem:$0x3FB7] =	sst s0  }
0x18: {  	s0 =	sld [smem:$0x3F9A];
	_ =	swait.ge [sflag:s4], $0x0  }
0x19: {  	s7 =	sld [smem:$0x3F9B]  }
0x1a: {  	s8 =	sadd.s32 $0xFFFFE003, lr  }
0x1b: {  	s9 =	sadd.s32 $0xFFFFFEF7, lr;
	s5 =	simm.s32 $0xFFFFFFFF;
	p2 =	slt.u32 s8, $0xFFFFF086  }
0x1c: {  	p1 =	slt.u32 s9, $0xF7A;
	s5 =	simm.s32 @!p2 $0x0  }
0x1d: {  	s5 =	simm.s32 @p1 $0x1;
	p0 =	seq.s32 s7, s2  }
0x1e: {  	s7 =	smul.u32 @!p0 $0xF7A, s2;
	p2 =	seq.s32 @!p0 s5, $0x0  }
0x1f: {  	s9 =	smul.u32 $0xF7A, s1;
	s8 =	simm.s32 @!p0 $0x1BF5;
	p2 =	por !p2, p0  }
0x20: {  	[sflag:s8] =	ssyncset.s32 @!p0 $0xFFFFF086;
	s6 =	sadd.s32 @!p0 s3, s7;
	s7 =	simm.s32 @!p0 $0x108  }
0x21: {  	s3 =	sadd.s32 s3, s9;
	s6 =	sadd.s32 @!p0 $0x88, s6;
	s7 =	simm.s32 @p2 $0x1082  }
0x22: {  	[simem:s7], [sflag:s8] =	dma.local @!p0 [hbm:s6], $0xF7A  }
0x23: {  	s9 =	sor.u32 $0xD0000000, s2;
	s6 =	simm.s32 $0x108;
	_ =	swait.ge @!p0 [sflag:s8], $0x0  }
0x24: {  	s3 =	sadd.s32 $0x88, s3;
	s6 =	simm.s32 @!p1 $0x1082;
	[sflag:s4] =	ssyncset.s32 $0xFFFFF086  }
0x25: {  	[simem:s6], [sflag:s4] =	dma.local [hbm:s3], $0xF7A  }
0x26: {  	[smem:$0x3F9B] =	sst s1;
	(tag) =	ssettag s2;
	_ =	strace s9  }
0x27: {  	s1 =	sld [smem:$0x3FAB]  }
0x28: {  	s2 =	sld [smem:$0x3FAC]  }
0x29: {  	s4 =	sld [smem:$0x3FAE]  }
0x2a: {  	p0 =	seq.s32 s5, $0x0;
	s5 =	sld [smem:$0x3FAF]  }
0x2b: {  	s6 =	sld [smem:$0x3FB0]  }
0x2c: {  	s7 =	sld [smem:$0x3FB1]  }
0x2d: {  	s3 =	simm.s32 $0x108;
	s8 =	sld [smem:$0x3FB2]  }
0x2e: {  	s3 =	simm.s32 @!p0 $0x1082;
	s9 =	sld [smem:$0x3FB3]  }
0x2f: {  	lr =	sadd.s32 s0, s3;
	s0 =	sld [smem:$0x3FAA]  }
0x30: {  	s3 =	sld [smem:$0x3FAD]  }
0x31: {  	[smem:$0x3FB6] =	sst s10  }
0x32: {  	s10 =	sld [smem:$0x3FB4];
	_ =	sdelay $0x3  }
0x33: {  	p0 =	seq.s32 s10, $0x1;
	s10 =	sld [smem:$0x3FB6];
	_ =	sdelay $0x3  }
0x34: {  	[smem:$0x3FB6] =	sst s10  }
0x35: {  	s10 =	sld [smem:$0x3FB5];
	_ =	sdelay $0x3  }
0x36: {  	p1 =	seq.s32 s10, $0x1;
	s10 =	sld [smem:$0x3FB6];
	_ =	sdelay $0x3  }
0x37: {  	[smem:$0x3FB6] =	sst s10  }
0x38: {  	s10 =	sld [smem:$0x3FB7]  }
0x39: {  	_ = 	snop;
	(pc) =	sbr.ind lr, $3  }
0x3a: {  	_ = 	snop  }
0x3b: {  	_ = 	snop  }
0x3c: {  	p2 =	seq.s32 s10, $0x1;
	s10 =	sld [smem:$0x3FB6]  }
0x3d: {  	_ =	shalt  }
0x3e: {  	_ =	shalt  }
0x3f: {  	_ =	shalt  }
0x40: {  	_ =	shalt  }
0x41: {  	_ =	shalt  }
0x42: {  	_ =	shalt  }
0x43: {  	_ =	shalt  }
0x44: {  	_ =	shalt  }
0x45: {  	_ =	shalt  }
0x46: {  	_ =	shalt  }
0x47: {  	_ =	shalt  }
0x48: {  	_ =	shalt  }
0x49: {  	_ =	shalt  }
0x4a: {  	_ =	shalt  }
0x4b: {  	_ =	shalt  }
0x4c: {  	_ =	shalt  }
0x4d: {  	_ =	shalt  }
0x4e: {  	_ =	shalt  }
0x4f: {  	_ =	shalt  }
0x50: {  	_ =	shalt  }
0x51: {  	_ =	shalt  }
0x52: {  	_ =	shalt  }
0x53: {  	_ =	shalt  }
0x54: {  	_ =	shalt  }
0x55: {  	_ =	shalt  }
0x56: {  	_ =	shalt  }
0x57: {  	_ =	shalt  }
0x58: {  	_ =	shalt  }
0x59: {  	_ =	shalt  }
0x5a: {  	_ =	shalt  }
0x5b: {  	_ =	shalt  }
0x5c: {  	_ =	shalt  }
0x5d: {  	_ =	shalt  }
0x5e: {  	_ =	shalt  }
0x5f: {  	_ =	shalt  }
0x60: {  	_ =	shalt  }
0x61: {  	_ =	shalt  }
0x62: {  	_ =	shalt  }
0x63: {  	_ =	shalt  }
0x64: {  	_ =	shalt  }
0x65: {  	_ =	shalt  }
0x66: {  	_ =	shalt  }
0x67: {  	_ =	shalt  }
0x68: {  	_ =	shalt  }
0x69: {  	_ =	shalt  }
0x6a: {  	_ =	shalt  }
0x6b: {  	_ =	shalt  }
0x6c: {  	_ =	shalt  }
0x6d: {  	_ =	shalt  }
0x6e: {  	_ =	shalt  }
0x6f: {  	_ =	shalt  }
0x70: {  	_ =	shalt  }
0x71: {  	_ =	shalt  }
0x72: {  	_ =	shalt  }
0x73: {  	_ =	shalt  }
0x74: {  	_ =	shalt  }
0x75: {  	_ =	shalt  }
0x76: {  	_ =	shalt  }
0x77: {  	_ =	shalt  }
0x78: {  	_ =	shalt  }
0x79: {  	_ =	shalt  }
0x7a: {  	_ =	shalt  }
0x7b: {  	_ =	shalt  }
0x7c: {  	_ =	shalt  }
0x7d: {  	_ =	shalt  }
0x7e: {  	_ =	shalt  }
0x7f: {  	_ =	shalt  }
0x80: {  	_ =	shalt  }
0x81: {  	_ =	shalt  }
0x82: {  	_ =	shalt  }
0x83: {  	_ =	shalt  }
0x84: {  	_ =	shalt  }
0x85: {  	_ =	shalt  }
0x86: {  	_ =	shalt  }
0x87: {  	_ =	shalt  }
.Lfunc_end0:
.L_simem_size_0:
called_computation_lowered:
.L_overlay_start_0:
0x88: {  	s2 =	sld [smem:$0x3FD9]  }
0x89: {  	s3 =	sld [smem:$0x3FFE];
	_ =	sdelay $0x1  }
0x8a: {  	s1 =	srdreg.scid  }
0x8b: {  	s0 =	sand.u32 $0x1, s1  }
0x8c: {  	s17 =	sshll.u32 s0, $0xA;
	s2 =	sadd.s32 s3, s2  }
0x8d: {  	s2 =	sadd.s32 s2, s17  }
0x8e: {  	[smem:$0x3FC2] =	sst s2  }
0x8f: {  	_ = 	snop  }
0x90: {  	s2 =	sld [smem:$0x3FD0];
	(tm) =	ssettm $0x1  }
0x91: {  	s18 =	sld [smem:$0x3FFB];
	_ =	sdelay $0x3  }
0x92: {  	_ =	strace s18  }
0x93: {  	s3 =	sld [smem:$0x3FFC];
	_ =	sdelay $0x3  }
0x94: {  	_ =	strace s3  }
0x95: {  	s3 =	sld [smem:$0x3FFD];
	_ =	sdelay $0x3  }
0x96: {  	_ =	strace s3  }
0x97: {  	_ =	strace $0x8FFFFFFF  }
0x98: {  	s19 =	sld [smem:$0x3FDB];
	_ =	sdelay $0x1  }
0x99: {  	s4 =	simm.s32 $_scs_section_size  }
0x9a: {  	s5 =	simm.s32 $_size__tile_overlayer_lowered;
	s6 =	simm.s32 $_tile_overlayer_lowered  }
0x9b: {  	s22 =	simm.s32 $0x1BFF;
	s21 =	sshll.u32 s6, $0x1;
	s3 =	sadd.s32 s4, s19  }
0x9c: {  	s7 =	simm.s32 $0x0;
	s20 =	sshll.u32 s5, $0x1;
	s5 =	sadd.s32 s21, s3  }
0x9d: {  	[timem:s7], [sflag:s22] =	dma.local [hbm:s5], s20  }
0x9e: {  	_ =	swait.ge [sflag:s22], s20  }
0x9f: {  	s4 =	ssub.s32 $0x0, s20;
	[sflag:s22] =	ssyncset.done $0x0  }
0xa0: {  	[sflag:s22] =	ssyncadd.s32 s4;
	_ =	sdelay $0x1  }
0xa1: {  	s23 =	simm.s32 $0x1B8B  }
0xa2: {  	_ =	swait.ge [sflag:s23], $0x1  }
0xa3: {  	[sflag:s23] =	ssyncset.done $0x0  }
0xa4: {  	s25 =	simm.s32 $0x1B8E;
	s24 =	sld [smem:$0x3FFE];
	[sflag:s23] =	ssyncadd.s32 $0xFFFFFFFF  }
0xa5: {  	s26 =	simm.s32 $execute0_lowered;
	[smem:$0x3FD2] =	sst s25  }
0xa6: {  	s5 =	sshll.u32 s26, $0x1;
	_ =	strace $0x80000046;
	[dreg:$0x1] =	wrdreg $0xFFFFFFFF  }
0xa7: {  	s28 =	simm.s32 $_size_execute0_lowered;
	s3 =	sadd.s32 s3, s5;
	[dreg:$0x0] =	wrdreg $0x0  }
0xa8: {  	s5 =	sshll.u32 s28, $0x1;
	[dreg:$0x2] =	wrdreg s3  }
0xa9: {  	[dreg:$0x3] =	wrdreg s5  }
0xaa: {  	[dreg:$0x4] =	wrdreg $0xC0  }
0xab: {  	_ =	task [dreg:s7], $0x5FFFF  }
0xac: {  	[dreg:$0x1] =	wrdreg $0xFFFFFFFF  }
0xad: {  	[dreg:$0x0] =	wrdreg $0x60  }
0xae: {  	[dreg:$0x2] =	wrdreg s2  }
0xaf: {  	[dreg:$0x3] =	wrdreg s24  }
0xb0: {  	[dreg:$0x4] =	wrdreg $0x57100  }
0xb1: {  	[dreg:$0x5] =	wrdreg $0x9  }
0xb2: {  	_ =	task.clear_ibuf [dreg:s7], $0x6FFFF;
	_ =	strace $0x90000046  }
0xb3: {  	s29 =	simm.s32 $0x9;
	_ =	strace $0x80000048  }
0xb4: {  	_ =	swait.ge [sflag:s29], $0x1  }
0xb5: {  	[sflag:s29] =	ssyncadd.s32 $0xFFFFFFFF  }
0xb6: {  	_ =	strace $0x90000048  }
0xb7: {  	_ =	sfence  }
0xb8: {  	s30 =	sld [smem:$0x0];
	_ =	sdelay $0x2  }
0xb9: {  	s31 =	sshll.u32 s1, $0xD;
	s1 =	sshrl.u32 s1, $0x2  }
0xba: {  	s3 =	sand.u32 $0x4000, s31;
	s1 =	sadd.s32 s1, s30  }
0xbb: {  	s0 =	sor.u32 s3, s0;
	s1 =	sshll.u32 s1, $0x11  }
0xbc: {  	s0 =	sor.u32 s1, s0  }
0xbd: {  	s0 =	sadd.s32 $0x8F2B, s0  }
0xbe: {  	[sflag:s0] =	ssyncadd.remote.s32 $0x1  }
0xbf: {  	_ =	sfence.sel $0xFFFF  }
0xc0: {  	[dreg:$0x0] =	wrdreg $0xFFFFFFFF;
	(pc) =	sbr.abs _section_cstart, $3  }
0xc1: {  	[dreg:$0x1] =	wrdreg $0xFFFFFFFF  }
0xc2: {  	_ =	task.clear_ibuf [dreg:s7], $0x2FFFF;
	_ =	strace $0x9FFFFFFF  }
0xc3: {  	(tm) =	ssettm $0x7FFFFFFF  }
tec
execute0_lowered:
.L_overlay_start_1:
0x0: {  	(tag) =	ssettag $0x1  }
0x1: {  	s1 =	srdreg.scid;
	s4 =	rddreg [dreg:$0x0]  }
0x2: {  	s0 =	stileid.u32;
	s7 =	rddreg [dreg:$0x1]  }
0x3: {  	s2 =	rddreg [dreg:$0x2];
	s3 =	simm.s32 $0x0;
	s11 =	simm.s32 $0x2710  }
0x4: {  	s12 =	simm.s32 $0x10;
	s13 =	simm.s32 $0x2700;
	s6 =	smul.u32 $0x2800, s0  }
0x5: {  	s5 =	sand.u32 $0x1, s1;
	s9 =	smul.u32 $0x4E20, s0;
	s1 =	rddreg [dreg:$0x3]  }
0x6: {  	s16 =	simm.s32 $0x0;
	[smem:$0x7FF] =	sst s3;
	s8 =	smul.u32 $0x28000, s5  }
0x7: {  	s14 =	sshll.u32 s0, $0x6;
	s10 =	smul.u32 $0x2710, s5;
	_ =	strace $0x80000047  }
0x8: {  	s5 =	ssub.s32 $0x2, s5;
	s14 =	sor.u32 $0x1C01, s14;
	s8 =	sadd.s32 s6, s8  }
0x9: {  	s31 =	sshrl.u32 s5, $0x1;
	s9 =	sadd.s32 s9, s10;
	s8 =	sshrl.u32 s8, $0x3  }
0xa: {  	s10 =	simm.s32 $0x80;
	s9 =	sshrl.u32 s9, $0x3;
	s7 =	sadd.s32 s8, s7  }
0xb: {  	s4 =	sadd.s32 s4, s9;
	s8 =	ssub.s32 s5, s31;
	s5 =	sadd.s32 s6, s2  }
0xc: {  	s9 =	simm.s32 $0x2F10;
	s4 =	sadd.s32 $0x9C40, s4;
	s6 =	sadd.s32 $0x1E00, s7  }
0xd: {  	v0 =	vimm.f32 $0.0e+00;
	s7 =	smax.u32 s8, $0x1;
	s8 =	simm.s32 $0x1;
	s15 =	sshrl.u32 s5, $0x3  }
.LBB2_1:
0xe: {  	[tilespmem:s3], [sflag:$0x1] =	stream.linear.gather [hbm4b:s4+s3], $0x2710, $0x38;
	[tilespmem:$0x7F10] =	vst v63  }
0xf: {  	_ =	swait.ge [sflag:s8], $0x2710  }
0x10: {  	p0 =	por $0x0, $0x0;
	[sflag:s8] =	ssyncset.done $0x0  }
0x11: {  	v1 =	vimm.f32 @!p0 $1.000000000e+00;
	[sflag:s8] =	ssyncadd.s32 $0xFFFFD8F0  }
0x12: {  	s17 =	simm.s32 $0x1;
	s18 =	simm.s32 $0x2F10;
	s19 =	simm.s32 $0x2710;
	[tilespmem:s11+$0x0] =	vst @!p0 v1  }
.LBB2_2:
0x13: {  	s20 =	smov.u32 s17;
	s17 =	sadd.s32 $0x1, s17  }
0x14: {  	[tilespmem:s18+$0x0] =	vst v0;
	s18 =	sadd.s32 $0x10, s18;
	s19 =	sadd.s32 $0x10, s19;
	p0 =	sne.s32 s17, $0x280  }
.Ltmp0:
0x15: {  	(pc) =	sbr.rel @p0 .LBB2_2-.Ltmp0, $4  }
0x16: {  	_ = 	snop  }
0x17: {  	p1 =	sgt.u32 s20, $0x7F  }
0x18: {  	v1 =	vimm.f32 @!p1 $1.000000000e+00  }
0x19: {  	[tilespmem:s19+$0x0] =	vst @!p1 v1  }
0x1a: {  	[tilespmem:s18+$0x0] =	vst v0  }
0x1b: {  	[spmem:s5] =	stream.linear.scatter [tilespmem:s9], [sflag:$0x1], $0x2800, $0x38;
	[tilespmem:$0x7F10] =	vst v63  }
0x1c: {  	_ =	swait.ge [sflag:s8], $0x2800  }
0x1d: {  	[sflag:s8] =	ssyncset.done $0x0  }
0x1e: {  	[sflag:s8] =	ssyncadd.s32 $0xFFFFD800  }
0x1f: {  	s17 =	simm.s32 $0x0;
	[bflag:$0x0] =	sbarrier.arrive $0xFFFF  }
0x20: {  	[spmem:s2] =	stream.indirect.scatter.add.f32 [tilespmem:s11], [sflag:$0x1], $0x10, s17, s10, $0xb8;
	[tilespmem:$0x7F10] =	vst v63  }
0x21: {  	_ =	swait.ge [sflag:s8], $0x800  }
0x22: {  	s17 =	simm.s32 $0x200;
	[sflag:s8] =	ssyncset.done $0x0  }
.LBB2_4:
0x23: {  	s18 =	sshra.s32 s17, $0x2;
	[sflag:s8] =	ssyncadd.s32 $0xFFFFF800;
	p0 =	sne.s32 s17, $0x9A00  }
0x24: {  	[spmem:s2] =	stream.indirect.scatter.add.f32 [tilespmem:s11], [sflag:$0x1], $0x10, s18, s10, $0xb8;
	[tilespmem:$0x7F10] =	vst v63  }
.Ltmp1:
0x25: {  	_ = 	snop;
	(pc) =	sbr.rel @p0 .LBB2_4-.Ltmp1, $4  }
0x26: {  	_ = 	snop  }
0x27: {  	s17 =	sadd.s32 $0x200, s17  }
0x28: {  	_ =	swait.ge [sflag:s8], $0x800  }
0x29: {  	[sflag:s8] =	ssyncset.done $0x0  }
0x2a: {  	[sflag:s8] =	ssyncadd.s32 $0xFFFFF800  }
0x2b: {  	[spmem:s2] =	stream.indirect.scatter.add.f32 [tilespmem:s11], [sflag:$0x1], $0x10, s13, s12, $0xb8;
	[tilespmem:$0x7F10] =	vst v63  }
0x2c: {  	_ =	swait.ge [sflag:s8], $0x100  }
0x2d: {  	s16 =	sadd.s32 $0x1, s16;
	[sflag:s8] =	ssyncset.done $0x0  }
0x2e: {  	p0 =	sne.s32 s16, s7;
	[sflag:s8] =	ssyncadd.s32 $0xFFFFFF00  }
.Ltmp2:
0x2f: {  	[bflag:$0x0] =	sbarrier.arrive $0xFFFF;
	(pc) =	sbr.rel @p0 .LBB2_1-.Ltmp2, $4  }
0x30: {  	[hbm:s6], [sflag:s14] =	dma.local [spmem:s15], $0x500  }
0x31: {  	_ =	swait.ge [sflag:s8], $0x500  }
0x32: {  	[sflag:s8] =	ssyncset.done $0x0  }
0x33: {  	[sflag:s8] =	ssyncadd.s32 $0xFFFFFB00  }
0x34: {  	_ =	sfence.sel $0x180000  }
0x35: {  	[bflag:$0x0] =	sbarrier.arrive $0xFFFF  }
0x36: {  	p0 =	sne.s32 s0, $0x0;
	_ =	strace $0x90000047  }
0x37: {  	s0 =	sadd.s32 @!p0 $0x100000, s1;
	[bflag:$0x2] =	sbarrier.arrive $0xFFFF  }
0x38: {  	[sflag:s0] =	ssyncadd.tile.s32 @!p0 $0x1;
	_ =	shalt  }
.Lfunc_end2:
_tile_overlayer_lowered:
.L_overlay_start_2:
0x39: {  	(tag) =	ssettag $0x2  }
0x3a: {  	s0 =	rddreg [dreg:$0x0];
	s2 =	stileid.u32  }
0x3b: {  	s1 =	rddreg [dreg:$0x1];
	p0 =	sne.s32 s2, $0x0  }
0x3c: {  	s3 =	rddreg [dreg:$0x2];
	[bflag:$0x3] =	sbarrier.arrive $0xFFFF;
	s2 =	simm.s32 @!p0 $0x1C01  }
0x3d: {  	[timem:s3], [sflag:s2] =	dma.local @!p0 [hbm:s0], s1  }
0x3e: {  	s0 =	simm.s32 @!p0 $0x1  }
0x3f: {  	_ =	swait.ge @!p0 [sflag:s0], s1  }
0x40: {  	s1 =	ssub.s32 @!p0 $0x0, s1;
	[sflag:s0] =	ssyncset.done @!p0 $0x0  }
0x41: {  	[sflag:s0] =	ssyncadd.s32 @!p0 s1  }
0x42: {  	[bflag:$0x3] =	sbarrier.arrive $0xFFFF  }
0x43: {  	_ =	shalt  }

</sc_bundles>
